<compile_context>
chip_gen: v7x
topology: tpu7x:2x2x1
jax: 0.10.2.dev20260603
libtpu: 0.0.44.dev20260713+nightly
codegen_flags: <defaults>
</compile_context>

<pallas_src>
import jax
import jax.numpy as jnp
from jax import lax
from jax.experimental import pallas as pl
from jax.experimental.pallas import tpu as pltpu
from jax.experimental.pallas import tpu_sc as plsc

EMBED_DIM = 64
NUM_BINS = 50
ALPHA = 0.1
BATCH = 1024
G = 1000

NC = 2
NS = 16
LANES = 16
NW = NC * NS
TOTAL = BATCH * G
QPG = 4
NQ = G * QPG
QPW = NQ // NW
QJ = EMBED_DIM // QPG
QF = QJ * BATCH
MGRP = BATCH // LANES


def _prep_body(n_ref, idx_ref, cn_ref):
    n = n_ref[...]
    mn = jnp.min(n)
    mx = jnp.max(n)
    r = (n - mn) / (mx - mn + 1e-8)
    idx = jnp.floor(r * (NUM_BINS - 1)).astype(jnp.int32)
    idx_ref[...] = jnp.clip(idx, 0, NUM_BINS - 1) * 128
    cn_ref[...] = ALPHA * n


def _sc_body(idx_hbm, cn_hbm, tab_hbm, proj_hbm, out_hbm,
             tab_v, proj_v, idx0, idx1, cn0, cn1, outb0, outb1,
             sem0, sem1, isem0, isem1):
    wid = lax.axis_index("s") * NC + lax.axis_index("c")
    q0 = wid * QPW
    pltpu.sync_copy(tab_hbm, tab_v)
    pltpu.sync_copy(proj_hbm, proj_v)
    sems = (sem0, sem1)
    bufs = (outb0, outb1)
    idxb = (idx0, idx1)
    cnb = (cn0, cn1)
    isems = (isem0, isem1)

    def prefetch(i, ib):
        g = (q0 + i) // QPG
        pltpu.async_copy(idx_hbm.at[pl.ds(g * BATCH, BATCH)], idxb[ib],
                         isems[ib])
        pltpu.async_copy(cn_hbm.at[pl.ds(g * BATCH, BATCH)], cnb[ib],
                         isems[ib])

    prefetch(0, 0)

    def do_block(i, b):
        q = q0 + i
        @pl.when(i >= 2)
        def _():
            pltpu.make_async_copy(
                bufs[b], out_hbm.at[pl.ds(0, QF)], sems[b]
            ).wait()
        jbase = (q % QPG) * QJ
        idx_v = idxb[b]
        cn_v = cnb[b]
        pltpu.make_async_copy(idx_hbm.at[pl.ds(0, BATCH)], idx_v,
                              isems[b]).wait()
        pltpu.make_async_copy(cn_hbm.at[pl.ds(0, BATCH)], cn_v,
                              isems[b]).wait()

        @pl.when(i + 1 < QPW)
        def _():
            prefetch(i + 1, 1 - b)
        pjs = [proj_v[pl.ds((jbase + jj) * LANES, LANES)] for jj in range(QJ)]

        @plsc.parallel_loop(0, MGRP, 1, unroll=2)
        def _(m):
            idx128 = idx_v[pl.ds(m * LANES, LANES)]
            binv = lax.shift_right_logical(idx128, 7)
            bv = idx128 + binv + jbase
            sv = cn_v[pl.ds(m * LANES, LANES)]
            mbase = (m // 8) * 1024 + (m % 8) * LANES
            for jj in range(QJ):
                col = plsc.load_gather(tab_v, [bv + jj])
                loc = (jj // 8) * 8192 + (jj % 8) * 128
                bufs[b][pl.ds(mbase + loc, LANES)] = col + sv * pjs[jj]

        pltpu.async_copy(bufs[b], out_hbm.at[pl.ds(q * QF, QF)], sems[b])

    def pair(p, _):
        i = p * 2
        do_block(i, 0)
        do_block(i + 1, 1)
        return 0

    lax.fori_loop(0, (QPW - 1) // 2, pair, 0)
    do_block(QPW - 1, 0)
    for b in range(2):
        pltpu.make_async_copy(
            bufs[b], out_hbm.at[pl.ds(0, QF)], sems[b]
        ).wait()


_prep = pl.pallas_call(
    _prep_body,
    out_shape=(
        jax.ShapeDtypeStruct((TOTAL,), jnp.int32),
        jax.ShapeDtypeStruct((TOTAL,), jnp.float32),
    ),
    in_specs=[pl.BlockSpec(memory_space=pltpu.VMEM)],
    out_specs=(pl.BlockSpec(memory_space=pltpu.VMEM),
               pl.BlockSpec(memory_space=pltpu.VMEM)),
)

_main = pl.kernel(
    _sc_body,
    out_type=jax.ShapeDtypeStruct((TOTAL * EMBED_DIM,), jnp.float32),
    mesh=plsc.VectorSubcoreMesh(core_axis_name="c", subcore_axis_name="s",
                                num_cores=NC, num_subcores=NS),
    compiler_params=pltpu.CompilerParams(needs_layout_passes=False,
                                         use_tc_tiling_on_sc=False),
    scratch_types=[
        pltpu.VMEM((NUM_BINS * 128,), jnp.float32),
        pltpu.VMEM((EMBED_DIM * LANES,), jnp.float32),
        pltpu.VMEM((BATCH,), jnp.int32),
        pltpu.VMEM((BATCH,), jnp.int32),
        pltpu.VMEM((BATCH,), jnp.float32),
        pltpu.VMEM((BATCH,), jnp.float32),
        pltpu.VMEM((QF,), jnp.float32),
        pltpu.VMEM((QF,), jnp.float32),
        pltpu.SemaphoreType.DMA,
        pltpu.SemaphoreType.DMA,
        pltpu.SemaphoreType.DMA,
        pltpu.SemaphoreType.DMA,
    ],
)


def kernel(expression, bin_embedding, continuous_projection):
    n = jnp.log(expression.T.reshape(TOTAL) + 1.0)
    idx, cn = _prep(n)
    tab2 = jax.vmap(lambda row, r: jnp.roll(jnp.pad(row, (0, 64)), r))(
        bin_embedding, jnp.arange(NUM_BINS))
    out = _main(idx, cn, tab2.reshape(NUM_BINS * 128),
                jnp.repeat(continuous_projection, LANES))
    p = out.reshape(G, 8, 8, 8, 128)
    return p.transpose(2, 4, 0, 1, 3).reshape(BATCH, G, EMBED_DIM)

# --- scband reference (transcript-rebuilt; emitter-appended) ---
"""Pipeline reference for scband-expression-embedding-50543175139784 (READ-ONLY COPY).

The authoritative reference and input builder live on the scoring server;
editing this copy changes nothing except your own understanding.
"""

import jax, jax.numpy as jnp
import numpy as np

EMBED_DIM = 64
NUM_BINS = 50
ALPHA = 0.1
BATCH = 1024
G = 1000


def setup_inputs(seed: int = 0) -> dict:
    key = jax.random.key(seed)
    k1, k2, k3 = jax.random.split(key, 3)
    # raw (non-negative) expression counts, fill=rand
    expression = jax.random.uniform(k1, (BATCH, G), dtype=jnp.float32)
    # xavier_uniform init for bin embedding table [num_bins, embed_dim]
    bound = float(np.sqrt(6.0 / (NUM_BINS + EMBED_DIM)))
    bin_embedding = jax.random.uniform(k2, (NUM_BINS, EMBED_DIM), minval=-bound, maxval=bound, dtype=jnp.float32)
    # xavier_uniform on the (1, embed_dim) view of the continuous projection
    bound2 = float(np.sqrt(6.0 / (1 + EMBED_DIM)))
    continuous_projection = jax.random.uniform(k3, (EMBED_DIM,), minval=-bound2, maxval=bound2, dtype=jnp.float32)
    return {
        "expression": expression,
        "bin_embedding": bin_embedding,
        "continuous_projection": continuous_projection,
    }


def reference(expression, bin_embedding, continuous_projection):
    # normalize_expression: log(x + 1)
    normalized_expr = jnp.log(expression + 1.0)
    # discretize_expression
    min_val = normalized_expr.min()
    max_val = normalized_expr.max()
    normalized_range = (normalized_expr - min_val) / (max_val - min_val + 1e-08)
    bin_indices = jnp.floor(normalized_range * (NUM_BINS - 1)).astype(jnp.int32)
    bin_indices = jnp.clip(bin_indices, 0, NUM_BINS - 1)
    # embedding lookup (gather)
    discrete_embeddings = jnp.take(bin_embedding, bin_indices, axis=0)
    # continuous component
    continuous_component = ALPHA * normalized_expr[..., None] * continuous_projection[None, None, :]
    return discrete_embeddings + continuous_component

if __name__ == "__main__":
    import jax
    _d = setup_inputs()
    print(jax.jit(kernel)(*tuple(_d.values())))

</pallas_src>

<mosaic_0001>
#map = affine_map<(d0, d1) -> (0)>
module attributes {stable_mosaic.version = 14 : i64} {
  func.func @_sc_body(%arg0: i32, %arg1: i32, %arg2: memref<1024000xi32, #tpu.memory_space<hbm>>, %arg3: memref<1024000xf32, #tpu.memory_space<hbm>>, %arg4: memref<6400xf32, #tpu.memory_space<hbm>>, %arg5: memref<1024xf32, #tpu.memory_space<hbm>>, %arg6: memref<65536000xf32, #tpu.memory_space<hbm>>, %arg7: memref<6400xf32, #tpu.memory_space<vmem>>, %arg8: memref<1024xf32, #tpu.memory_space<vmem>>, %arg9: memref<1024xi32, #tpu.memory_space<vmem>>, %arg10: memref<1024xi32, #tpu.memory_space<vmem>>, %arg11: memref<1024xf32, #tpu.memory_space<vmem>>, %arg12: memref<1024xf32, #tpu.memory_space<vmem>>, %arg13: memref<16384xf32, #tpu.memory_space<vmem>>, %arg14: memref<16384xf32, #tpu.memory_space<vmem>>, %arg15: memref<!tpu.dma_semaphore, #tpu.memory_space<semaphore_mem>>, %arg16: memref<!tpu.dma_semaphore, #tpu.memory_space<semaphore_mem>>, %arg17: memref<!tpu.dma_semaphore, #tpu.memory_space<semaphore_mem>>, %arg18: memref<!tpu.dma_semaphore, #tpu.memory_space<semaphore_mem>>) attributes {dimension_semantics = [#tpu.dimension_semantics<core_parallel>, #tpu.dimension_semantics<subcore_parallel>], iteration_bounds = array<i64: 2, 16>, scalar_prefetch = 0 : i64, scratch_operands = 12 : i64, tpu.core_type = #tpu.core_type<sc_vector_subcore>, window_params = [{transform_indices = #map}, {transform_indices = #map}, {transform_indices = #map}, {transform_indices = #map}, {transform_indices = #map}]} {
    %mul3A = arith.constant 2 : i32
    %mul3A_0 = arith.muli %arg1, %mul3A : i32
    %add3A = arith.addi %mul3A_0, %arg0 : i32
    %mul3A_1 = arith.constant 125 : i32
    %mul3A_2 = arith.muli %add3A, %mul3A_1 : i32
    "tpu.region"() ({
      %run_scoped3A = tpu.sem_alloc : memref<!tpu.dma_semaphore, #tpu.memory_space<semaphore_mem>>
      tpu.enqueue_dma source(%arg4 : memref<6400xf32, #tpu.memory_space<hbm>>) target(%arg7 : memref<6400xf32, #tpu.memory_space<vmem>>) target_semaphore(%run_scoped3A : memref<!tpu.dma_semaphore, #tpu.memory_space<semaphore_mem>>)
      tpu.wait_dma2 semaphore(%run_scoped3A : memref<!tpu.dma_semaphore, #tpu.memory_space<semaphore_mem>>) src(%arg4 : memref<6400xf32, #tpu.memory_space<hbm>>) dst(%arg7 : memref<6400xf32, #tpu.memory_space<vmem>>)
      tpu.yield
    }) : () -> ()
    "tpu.region"() ({
      %run_scoped3A = tpu.sem_alloc : memref<!tpu.dma_semaphore, #tpu.memory_space<semaphore_mem>>
      tpu.enqueue_dma source(%arg5 : memref<1024xf32, #tpu.memory_space<hbm>>) target(%arg8 : memref<1024xf32, #tpu.memory_space<vmem>>) target_semaphore(%run_scoped3A : memref<!tpu.dma_semaphore, #tpu.memory_space<semaphore_mem>>)
      tpu.wait_dma2 semaphore(%run_scoped3A : memref<!tpu.dma_semaphore, #tpu.memory_space<semaphore_mem>>) src(%arg5 : memref<1024xf32, #tpu.memory_space<hbm>>) dst(%arg8 : memref<1024xf32, #tpu.memory_space<vmem>>)
      tpu.yield
    }) : () -> ()
    %add3A_3 = arith.constant 0 : i32
    %add3A_4 = arith.addi %mul3A_2, %add3A_3 : i32
    %jit3A = arith.constant 4 : i32
    %div3A = arith.divsi %add3A_4, %jit3A : i32
    %sign3A = arith.constant 0 : i32
    %sign3A_5 = arith.cmpi sgt, %add3A_4, %sign3A : i32
    %sign3A_6 = arith.extui %sign3A_5 : i1 to i32
    %sign3A_7 = arith.constant 0 : i32
    %sign3A_8 = arith.cmpi slt, %add3A_4, %sign3A_7 : i32
    %sign3A_9 = arith.extui %sign3A_8 : i1 to i32
    %sign3A_10 = arith.subi %sign3A_6, %sign3A_9 : i32
    %sign3A_11 = arith.constant 0 : i32
    %sign3A_12 = arith.cmpi sgt, %jit3A, %sign3A_11 : i32
    %sign3A_13 = arith.extui %sign3A_12 : i1 to i32
    %sign3A_14 = arith.constant 0 : i32
    %sign3A_15 = arith.cmpi slt, %jit3A, %sign3A_14 : i32
    %sign3A_16 = arith.extui %sign3A_15 : i1 to i32
    %sign3A_17 = arith.subi %sign3A_13, %sign3A_16 : i32
    %ne3A = arith.cmpi ne, %sign3A_10, %sign3A_17 : i32
    %rem3A = arith.remsi %add3A_4, %jit3A : i32
    %ne3A_18 = arith.constant 0 : i32
    %ne3A_19 = arith.cmpi ne, %rem3A, %ne3A_18 : i32
    %and3A = arith.andi %ne3A, %ne3A_19 : i1
    %sub3A = arith.constant 1 : i32
    %sub3A_20 = arith.subi %div3A, %sub3A : i32
    %select_n3A = arith.select %and3A, %sub3A_20, %div3A : i32
    %mul3A_21 = arith.constant 1024 : i32
    %mul3A_22 = arith.muli %select_n3A, %mul3A_21 : i32
    %dma_start3A = tpu.memref_slice %arg2[%mul3A_22] : memref<1024000xi32, #tpu.memory_space<hbm>> -> memref<1024xi32, #tpu.memory_space<hbm>>
    %dma_start3A_23 = tpu.memref_slice %arg2[%mul3A_22] : memref<1024000xi32, #tpu.memory_space<hbm>> -> memref<1024xi32, #tpu.memory_space<hbm>>
    tpu.enqueue_dma source(%dma_start3A_23 : memref<1024xi32, #tpu.memory_space<hbm>>) target(%arg9 : memref<1024xi32, #tpu.memory_space<vmem>>) target_semaphore(%arg17 : memref<!tpu.dma_semaphore, #tpu.memory_space<semaphore_mem>>)
    %mul3A_24 = arith.constant 1024 : i32
    %mul3A_25 = arith.muli %select_n3A, %mul3A_24 : i32
    %dma_start3A_26 = tpu.memref_slice %arg3[%mul3A_25] : memref<1024000xf32, #tpu.memory_space<hbm>> -> memref<1024xf32, #tpu.memory_space<hbm>>
    %dma_start3A_27 = tpu.memref_slice %arg3[%mul3A_25] : memref<1024000xf32, #tpu.memory_space<hbm>> -> memref<1024xf32, #tpu.memory_space<hbm>>
    tpu.enqueue_dma source(%dma_start3A_27 : memref<1024xf32, #tpu.memory_space<hbm>>) target(%arg11 : memref<1024xf32, #tpu.memory_space<vmem>>) target_semaphore(%arg17 : memref<!tpu.dma_semaphore, #tpu.memory_space<semaphore_mem>>)
    %scan3A = arith.constant 0 : i32
    %scan3A_28 = arith.constant 0 : i32
    %scan3A_29 = arith.constant 62 : i32
    %scan3A_30 = arith.addi %scan3A_28, %scan3A_29 : i32
    %scan3A_31 = arith.constant 1 : i32
    %scan3A_32 = scf.for %scan3A_172 = %scan3A_28 to %scan3A_30 step %scan3A_31 iter_args(%scan3A_173 = %scan3A) -> (i32)  : i32 {
      %mul3A_174 = arith.constant 2 : i32
      %mul3A_175 = arith.muli %scan3A_172, %mul3A_174 : i32
      %add3A_176 = arith.addi %mul3A_2, %mul3A_175 : i32
      %ge3A = arith.constant 2 : i32
      %ge3A_177 = arith.cmpi sge, %mul3A_175, %ge3A : i32
      %convert_element_type3A = arith.extui %ge3A_177 : i1 to i32
      %cond3A = arith.constant 0 : i32
      %cond3A_178 = arith.cmpi ne, %convert_element_type3A, %cond3A : i32
      scf.if %cond3A_178 {
        %dma_wait3A_460 = arith.constant 0 : i32
        %dma_wait3A_461 = tpu.memref_slice %arg6[%dma_wait3A_460] : memref<65536000xf32, #tpu.memory_space<hbm>> -> memref<16384xf32, #tpu.memory_space<hbm>>
        %dma_wait3A_462 = arith.constant 0 : i32
        %dma_wait3A_463 = tpu.memref_slice %arg6[%dma_wait3A_462] : memref<65536000xf32, #tpu.memory_space<hbm>> -> memref<16384xf32, #tpu.memory_space<hbm>>
        tpu.wait_dma2 semaphore(%arg15 : memref<!tpu.dma_semaphore, #tpu.memory_space<semaphore_mem>>) src(%arg13 : memref<16384xf32, #tpu.memory_space<vmem>>) dst(%dma_wait3A_463 : memref<16384xf32, #tpu.memory_space<hbm>>)
      } else {
      }
      %jit3A_179 = arith.constant 4 : i32
      %eq3A_180 = arith.constant 0 : i32
      %eq3A_181 = arith.cmpi eq, %jit3A_179, %eq3A_180 : i32
      %jit3A_182 = arith.constant 1 : i32
      %select_n3A_183 = arith.select %eq3A_181, %jit3A_182, %jit3A_179 : i32
      %rem3A_184 = arith.remsi %add3A_176, %select_n3A_183 : i32
      %ne3A_185 = arith.constant 0 : i32
      %ne3A_186 = arith.cmpi ne, %rem3A_184, %ne3A_185 : i32
      %lt3A_187 = arith.constant 0 : i32
      %lt3A_188 = arith.cmpi slt, %rem3A_184, %lt3A_187 : i32
      %lt3A_189 = arith.constant 0 : i32
      %lt3A_190 = arith.cmpi slt, %select_n3A_183, %lt3A_189 : i32
      %ne3A_191 = arith.xori %lt3A_188, %lt3A_190 : i1
      %and3A_192 = arith.andi %ne3A_191, %ne3A_186 : i1
      %add3A_193 = arith.addi %rem3A_184, %select_n3A_183 : i32
      %select_n3A_194 = arith.select %and3A_192, %add3A_193, %rem3A_184 : i32
      %mul3A_195 = arith.constant 16 : i32
      %mul3A_196 = arith.muli %select_n3A_194, %mul3A_195 : i32
      %dma_wait3A_197 = arith.constant 0 : i32
      %dma_wait3A_198 = tpu.memref_slice %arg2[%dma_wait3A_197] : memref<1024000xi32, #tpu.memory_space<hbm>> -> memref<1024xi32, #tpu.memory_space<hbm>>
      %dma_wait3A_199 = arith.constant 0 : i32
      %dma_wait3A_200 = tpu.memref_slice %arg2[%dma_wait3A_199] : memref<1024000xi32, #tpu.memory_space<hbm>> -> memref<1024xi32, #tpu.memory_space<hbm>>
      tpu.wait_dma2 semaphore(%arg17 : memref<!tpu.dma_semaphore, #tpu.memory_space<semaphore_mem>>) src(%dma_wait3A_200 : memref<1024xi32, #tpu.memory_space<hbm>>) dst(%arg9 : memref<1024xi32, #tpu.memory_space<vmem>>)
      %dma_wait3A_201 = arith.constant 0 : i32
      %dma_wait3A_202 = tpu.memref_slice %arg3[%dma_wait3A_201] : memref<1024000xf32, #tpu.memory_space<hbm>> -> memref<1024xf32, #tpu.memory_space<hbm>>
      %dma_wait3A_203 = arith.constant 0 : i32
      %dma_wait3A_204 = tpu.memref_slice %arg3[%dma_wait3A_203] : memref<1024000xf32, #tpu.memory_space<hbm>> -> memref<1024xf32, #tpu.memory_space<hbm>>
      tpu.wait_dma2 semaphore(%arg17 : memref<!tpu.dma_semaphore, #tpu.memory_space<semaphore_mem>>) src(%dma_wait3A_204 : memref<1024xf32, #tpu.memory_space<hbm>>) dst(%arg11 : memref<1024xf32, #tpu.memory_space<vmem>>)
      %add3A_205 = arith.constant 1 : i32
      %add3A_206 = arith.addi %mul3A_175, %add3A_205 : i32
      %lt3A_207 = arith.constant 125 : i32
      %lt3A_208 = arith.cmpi slt, %add3A_206, %lt3A_207 : i32
      %convert_element_type3A_209 = arith.extui %lt3A_208 : i1 to i32
      %cond3A_210 = arith.constant 0 : i32
      %cond3A_211 = arith.cmpi ne, %convert_element_type3A_209, %cond3A_210 : i32
      scf.if %cond3A_211 {
        %add3A_460 = arith.constant 1 : i32
        %add3A_461 = arith.addi %mul3A_175, %add3A_460 : i32
        %add3A_462 = arith.addi %mul3A_2, %add3A_461 : i32
        %jit3A_463 = arith.constant 4 : i32
        %div3A_464 = arith.divsi %add3A_462, %jit3A_463 : i32
        %sign3A_465 = arith.constant 0 : i32
        %sign3A_466 = arith.cmpi sgt, %add3A_462, %sign3A_465 : i32
        %sign3A_467 = arith.extui %sign3A_466 : i1 to i32
        %sign3A_468 = arith.constant 0 : i32
        %sign3A_469 = arith.cmpi slt, %add3A_462, %sign3A_468 : i32
        %sign3A_470 = arith.extui %sign3A_469 : i1 to i32
        %sign3A_471 = arith.subi %sign3A_467, %sign3A_470 : i32
        %sign3A_472 = arith.constant 0 : i32
        %sign3A_473 = arith.cmpi sgt, %jit3A_463, %sign3A_472 : i32
        %sign3A_474 = arith.extui %sign3A_473 : i1 to i32
        %sign3A_475 = arith.constant 0 : i32
        %sign3A_476 = arith.cmpi slt, %jit3A_463, %sign3A_475 : i32
        %sign3A_477 = arith.extui %sign3A_476 : i1 to i32
        %sign3A_478 = arith.subi %sign3A_474, %sign3A_477 : i32
        %ne3A_479 = arith.cmpi ne, %sign3A_471, %sign3A_478 : i32
        %rem3A_480 = arith.remsi %add3A_462, %jit3A_463 : i32
        %ne3A_481 = arith.constant 0 : i32
        %ne3A_482 = arith.cmpi ne, %rem3A_480, %ne3A_481 : i32
        %and3A_483 = arith.andi %ne3A_479, %ne3A_482 : i1
        %sub3A_484 = arith.constant 1 : i32
        %sub3A_485 = arith.subi %div3A_464, %sub3A_484 : i32
        %select_n3A_486 = arith.select %and3A_483, %sub3A_485, %div3A_464 : i32
        %mul3A_487 = arith.constant 1024 : i32
        %mul3A_488 = arith.muli %select_n3A_486, %mul3A_487 : i32
        %dma_start3A_489 = tpu.memref_slice %arg2[%mul3A_488] : memref<1024000xi32, #tpu.memory_space<hbm>> -> memref<1024xi32, #tpu.memory_space<hbm>>
        %dma_start3A_490 = tpu.memref_slice %arg2[%mul3A_488] : memref<1024000xi32, #tpu.memory_space<hbm>> -> memref<1024xi32, #tpu.memory_space<hbm>>
        tpu.enqueue_dma source(%dma_start3A_490 : memref<1024xi32, #tpu.memory_space<hbm>>) target(%arg10 : memref<1024xi32, #tpu.memory_space<vmem>>) target_semaphore(%arg18 : memref<!tpu.dma_semaphore, #tpu.memory_space<semaphore_mem>>)
        %mul3A_491 = arith.constant 1024 : i32
        %mul3A_492 = arith.muli %select_n3A_486, %mul3A_491 : i32
        %dma_start3A_493 = tpu.memref_slice %arg3[%mul3A_492] : memref<1024000xf32, #tpu.memory_space<hbm>> -> memref<1024xf32, #tpu.memory_space<hbm>>
        %dma_start3A_494 = tpu.memref_slice %arg3[%mul3A_492] : memref<1024000xf32, #tpu.memory_space<hbm>> -> memref<1024xf32, #tpu.memory_space<hbm>>
        tpu.enqueue_dma source(%dma_start3A_494 : memref<1024xf32, #tpu.memory_space<hbm>>) target(%arg12 : memref<1024xf32, #tpu.memory_space<vmem>>) target_semaphore(%arg18 : memref<!tpu.dma_semaphore, #tpu.memory_space<semaphore_mem>>)
      } else {
      }
      %add3A_212 = arith.constant 0 : i32
      %add3A_213 = arith.addi %mul3A_196, %add3A_212 : i32
      %mul3A_214 = arith.constant 16 : i32
      %mul3A_215 = arith.muli %add3A_213, %mul3A_214 : i32
      %get3A_216 = arith.index_cast %mul3A_215 : i32 to index
      %get3A_217 = tpu.vector_load %arg8[%get3A_216] {strides = array<i32>} : memref<1024xf32, #tpu.memory_space<vmem>>, vector<16xf32>,
      %add3A_218 = arith.constant 1 : i32
      %add3A_219 = arith.addi %mul3A_196, %add3A_218 : i32
      %mul3A_220 = arith.constant 16 : i32
      %mul3A_221 = arith.muli %add3A_219, %mul3A_220 : i32
      %get3A_222 = arith.index_cast %mul3A_221 : i32 to index
      %get3A_223 = tpu.vector_load %arg8[%get3A_222] {strides = array<i32>} : memref<1024xf32, #tpu.memory_space<vmem>>, vector<16xf32>,
      %add3A_224 = arith.constant 2 : i32
      %add3A_225 = arith.addi %mul3A_196, %add3A_224 : i32
      %mul3A_226 = arith.constant 16 : i32
      %mul3A_227 = arith.muli %add3A_225, %mul3A_226 : i32
      %get3A_228 = arith.index_cast %mul3A_227 : i32 to index
      %get3A_229 = tpu.vector_load %arg8[%get3A_228] {strides = array<i32>} : memref<1024xf32, #tpu.memory_space<vmem>>, vector<16xf32>,
      %add3A_230 = arith.constant 3 : i32
      %add3A_231 = arith.addi %mul3A_196, %add3A_230 : i32
      %mul3A_232 = arith.constant 16 : i32
      %mul3A_233 = arith.muli %add3A_231, %mul3A_232 : i32
      %get3A_234 = arith.index_cast %mul3A_233 : i32 to index
      %get3A_235 = tpu.vector_load %arg8[%get3A_234] {strides = array<i32>} : memref<1024xf32, #tpu.memory_space<vmem>>, vector<16xf32>,
      %add3A_236 = arith.constant 4 : i32
      %add3A_237 = arith.addi %mul3A_196, %add3A_236 : i32
      %mul3A_238 = arith.constant 16 : i32
      %mul3A_239 = arith.muli %add3A_237, %mul3A_238 : i32
      %get3A_240 = arith.index_cast %mul3A_239 : i32 to index
      %get3A_241 = tpu.vector_load %arg8[%get3A_240] {strides = array<i32>} : memref<1024xf32, #tpu.memory_space<vmem>>, vector<16xf32>,
      %add3A_242 = arith.constant 5 : i32
      %add3A_243 = arith.addi %mul3A_196, %add3A_242 : i32
      %mul3A_244 = arith.constant 16 : i32
      %mul3A_245 = arith.muli %add3A_243, %mul3A_244 : i32
      %get3A_246 = arith.index_cast %mul3A_245 : i32 to index
      %get3A_247 = tpu.vector_load %arg8[%get3A_246] {strides = array<i32>} : memref<1024xf32, #tpu.memory_space<vmem>>, vector<16xf32>,
      %add3A_248 = arith.constant 6 : i32
      %add3A_249 = arith.addi %mul3A_196, %add3A_248 : i32
      %mul3A_250 = arith.constant 16 : i32
      %mul3A_251 = arith.muli %add3A_249, %mul3A_250 : i32
      %get3A_252 = arith.index_cast %mul3A_251 : i32 to index
      %get3A_253 = tpu.vector_load %arg8[%get3A_252] {strides = array<i32>} : memref<1024xf32, #tpu.memory_space<vmem>>, vector<16xf32>,
      %add3A_254 = arith.constant 7 : i32
      %add3A_255 = arith.addi %mul3A_196, %add3A_254 : i32
      %mul3A_256 = arith.constant 16 : i32
      %mul3A_257 = arith.muli %add3A_255, %mul3A_256 : i32
      %get3A_258 = arith.index_cast %mul3A_257 : i32 to index
      %get3A_259 = tpu.vector_load %arg8[%get3A_258] {strides = array<i32>} : memref<1024xf32, #tpu.memory_space<vmem>>, vector<16xf32>,
      %add3A_260 = arith.constant 8 : i32
      %add3A_261 = arith.addi %mul3A_196, %add3A_260 : i32
      %mul3A_262 = arith.constant 16 : i32
      %mul3A_263 = arith.muli %add3A_261, %mul3A_262 : i32
      %get3A_264 = arith.index_cast %mul3A_263 : i32 to index
      %get3A_265 = tpu.vector_load %arg8[%get3A_264] {strides = array<i32>} : memref<1024xf32, #tpu.memory_space<vmem>>, vector<16xf32>,
      %add3A_266 = arith.constant 9 : i32
      %add3A_267 = arith.addi %mul3A_196, %add3A_266 : i32
      %mul3A_268 = arith.constant 16 : i32
      %mul3A_269 = arith.muli %add3A_267, %mul3A_268 : i32
      %get3A_270 = arith.index_cast %mul3A_269 : i32 to index
      %get3A_271 = tpu.vector_load %arg8[%get3A_270] {strides = array<i32>} : memref<1024xf32, #tpu.memory_space<vmem>>, vector<16xf32>,
      %add3A_272 = arith.constant 10 : i32
      %add3A_273 = arith.addi %mul3A_196, %add3A_272 : i32
      %mul3A_274 = arith.constant 16 : i32
      %mul3A_275 = arith.muli %add3A_273, %mul3A_274 : i32
      %get3A_276 = arith.index_cast %mul3A_275 : i32 to index
      %get3A_277 = tpu.vector_load %arg8[%get3A_276] {strides = array<i32>} : memref<1024xf32, #tpu.memory_space<vmem>>, vector<16xf32>,
      %add3A_278 = arith.constant 11 : i32
      %add3A_279 = arith.addi %mul3A_196, %add3A_278 : i32
      %mul3A_280 = arith.constant 16 : i32
      %mul3A_281 = arith.muli %add3A_279, %mul3A_280 : i32
      %get3A_282 = arith.index_cast %mul3A_281 : i32 to index
      %get3A_283 = tpu.vector_load %arg8[%get3A_282] {strides = array<i32>} : memref<1024xf32, #tpu.memory_space<vmem>>, vector<16xf32>,
      %add3A_284 = arith.constant 12 : i32
      %add3A_285 = arith.addi %mul3A_196, %add3A_284 : i32
      %mul3A_286 = arith.constant 16 : i32
      %mul3A_287 = arith.muli %add3A_285, %mul3A_286 : i32
      %get3A_288 = arith.index_cast %mul3A_287 : i32 to index
      %get3A_289 = tpu.vector_load %arg8[%get3A_288] {strides = array<i32>} : memref<1024xf32, #tpu.memory_space<vmem>>, vector<16xf32>,
      %add3A_290 = arith.constant 13 : i32
      %add3A_291 = arith.addi %mul3A_196, %add3A_290 : i32
      %mul3A_292 = arith.constant 16 : i32
      %mul3A_293 = arith.muli %add3A_291, %mul3A_292 : i32
      %get3A_294 = arith.index_cast %mul3A_293 : i32 to index
      %get3A_295 = tpu.vector_load %arg8[%get3A_294] {strides = array<i32>} : memref<1024xf32, #tpu.memory_space<vmem>>, vector<16xf32>,
      %add3A_296 = arith.constant 14 : i32
      %add3A_297 = arith.addi %mul3A_196, %add3A_296 : i32
      %mul3A_298 = arith.constant 16 : i32
      %mul3A_299 = arith.muli %add3A_297, %mul3A_298 : i32
      %get3A_300 = arith.index_cast %mul3A_299 : i32 to index
      %get3A_301 = tpu.vector_load %arg8[%get3A_300] {strides = array<i32>} : memref<1024xf32, #tpu.memory_space<vmem>>, vector<16xf32>,
      %add3A_302 = arith.constant 15 : i32
      %add3A_303 = arith.addi %mul3A_196, %add3A_302 : i32
      %mul3A_304 = arith.constant 16 : i32
      %mul3A_305 = arith.muli %add3A_303, %mul3A_304 : i32
      %get3A_306 = arith.index_cast %mul3A_305 : i32 to index
      %get3A_307 = tpu.vector_load %arg8[%get3A_306] {strides = array<i32>} : memref<1024xf32, #tpu.memory_space<vmem>>, vector<16xf32>,
      %parallel_loop3A_308 = arith.constant 0 : i32
      %parallel_loop3A_309 = arith.constant 64 : i32
      %parallel_loop3A_310 = arith.constant 1 : i32
      scf.for %parallel_loop3A_460 = %parallel_loop3A_308 to %parallel_loop3A_309 step %parallel_loop3A_310  : i32 {
        %parallel_loop3A_461 = arith.constant 16 : i32
        %parallel_loop3A_462 = arith.muli %parallel_loop3A_460, %parallel_loop3A_461 : i32
        %parallel_loop3A_463 = arith.index_cast %parallel_loop3A_462 : i32 to index
        %parallel_loop3A_464 = tpu.vector_load %arg9[%parallel_loop3A_463] {strides = array<i32>} : memref<1024xi32, #tpu.memory_space<vmem>>, vector<16xi32>,
        %parallel_loop3A_465 = arith.constant 7 : i32
        %parallel_loop3A_466 = vector.broadcast %parallel_loop3A_465 : i32 to vector<16xi32>
        %parallel_loop3A_467 = arith.shrui %parallel_loop3A_464, %parallel_loop3A_466 : vector<16xi32>
        %parallel_loop3A_468 = arith.addi %parallel_loop3A_464, %parallel_loop3A_467 : vector<16xi32>
        %parallel_loop3A_469 = vector.broadcast %mul3A_196 : i32 to vector<16xi32>
        %parallel_loop3A_470 = arith.addi %parallel_loop3A_468, %parallel_loop3A_469 : vector<16xi32>
        %parallel_loop3A_471 = arith.constant 16 : i32
        %parallel_loop3A_472 = arith.muli %parallel_loop3A_460, %parallel_loop3A_471 : i32
        %parallel_loop3A_473 = arith.index_cast %parallel_loop3A_472 : i32 to index
        %parallel_loop3A_474 = tpu.vector_load %arg11[%parallel_loop3A_473] {strides = array<i32>} : memref<1024xf32, #tpu.memory_space<vmem>>, vector<16xf32>,
        %parallel_loop3A_475 = arith.constant 8 : i32
        %parallel_loop3A_476 = arith.divsi %parallel_loop3A_460, %parallel_loop3A_475 : i32
        %parallel_loop3A_477 = arith.constant 0 : i32
        %parallel_loop3A_478 = arith.cmpi sgt, %parallel_loop3A_460, %parallel_loop3A_477 : i32
        %parallel_loop3A_479 = arith.extui %parallel_loop3A_478 : i1 to i32
        %parallel_loop3A_480 = arith.constant 0 : i32
        %parallel_loop3A_481 = arith.cmpi slt, %parallel_loop3A_460, %parallel_loop3A_480 : i32
        %parallel_loop3A_482 = arith.extui %parallel_loop3A_481 : i1 to i32
        %parallel_loop3A_483 = arith.subi %parallel_loop3A_479, %parallel_loop3A_482 : i32
        %parallel_loop3A_484 = arith.constant 0 : i32
        %parallel_loop3A_485 = arith.cmpi sgt, %parallel_loop3A_475, %parallel_loop3A_484 : i32
        %parallel_loop3A_486 = arith.extui %parallel_loop3A_485 : i1 to i32
        %parallel_loop3A_487 = arith.constant 0 : i32
        %parallel_loop3A_488 = arith.cmpi slt, %parallel_loop3A_475, %parallel_loop3A_487 : i32
        %parallel_loop3A_489 = arith.extui %parallel_loop3A_488 : i1 to i32
        %parallel_loop3A_490 = arith.subi %parallel_loop3A_486, %parallel_loop3A_489 : i32
        %parallel_loop3A_491 = arith.cmpi ne, %parallel_loop3A_483, %parallel_loop3A_490 : i32
        %parallel_loop3A_492 = arith.remsi %parallel_loop3A_460, %parallel_loop3A_475 : i32
        %parallel_loop3A_493 = arith.constant 0 : i32
        %parallel_loop3A_494 = arith.cmpi ne, %parallel_loop3A_492, %parallel_loop3A_493 : i32
        %parallel_loop3A_495 = arith.andi %parallel_loop3A_491, %parallel_loop3A_494 : i1
        %parallel_loop3A_496 = arith.constant 1 : i32
        %parallel_loop3A_497 = arith.subi %parallel_loop3A_476, %parallel_loop3A_496 : i32
        %parallel_loop3A_498 = arith.select %parallel_loop3A_495, %parallel_loop3A_497, %parallel_loop3A_476 : i32
        %parallel_loop3A_499 = arith.constant 1024 : i32
        %parallel_loop3A_500 = arith.muli %parallel_loop3A_498, %parallel_loop3A_499 : i32
        %parallel_loop3A_501 = arith.constant 8 : i32
        %parallel_loop3A_502 = arith.constant 0 : i32
        %parallel_loop3A_503 = arith.cmpi eq, %parallel_loop3A_501, %parallel_loop3A_502 : i32
        %parallel_loop3A_504 = arith.constant 1 : i32
        %parallel_loop3A_505 = arith.select %parallel_loop3A_503, %parallel_loop3A_504, %parallel_loop3A_501 : i32
        %parallel_loop3A_506 = arith.remsi %parallel_loop3A_460, %parallel_loop3A_505 : i32
        %parallel_loop3A_507 = arith.constant 0 : i32
        %parallel_loop3A_508 = arith.cmpi ne, %parallel_loop3A_506, %parallel_loop3A_507 : i32
        %parallel_loop3A_509 = arith.constant 0 : i32
        %parallel_loop3A_510 = arith.cmpi slt, %parallel_loop3A_506, %parallel_loop3A_509 : i32
        %parallel_loop3A_511 = arith.constant 0 : i32
        %parallel_loop3A_512 = arith.cmpi slt, %parallel_loop3A_505, %parallel_loop3A_511 : i32
        %parallel_loop3A_513 = arith.xori %parallel_loop3A_510, %parallel_loop3A_512 : i1
        %parallel_loop3A_514 = arith.andi %parallel_loop3A_513, %parallel_loop3A_508 : i1
        %parallel_loop3A_515 = arith.addi %parallel_loop3A_506, %parallel_loop3A_505 : i32
        %parallel_loop3A_516 = arith.select %parallel_loop3A_514, %parallel_loop3A_515, %parallel_loop3A_506 : i32
        %parallel_loop3A_517 = arith.constant 16 : i32
        %parallel_loop3A_518 = arith.muli %parallel_loop3A_516, %parallel_loop3A_517 : i32
        %parallel_loop3A_519 = arith.addi %parallel_loop3A_500, %parallel_loop3A_518 : i32
        %parallel_loop3A_520 = arith.constant 0 : i32
        %parallel_loop3A_521 = vector.broadcast %parallel_loop3A_520 : i32 to vector<16xi32>
        %parallel_loop3A_522 = arith.addi %parallel_loop3A_470, %parallel_loop3A_521 : vector<16xi32>
        %parallel_loop3A_523 = tpu.vector_load_idx %arg7[%parallel_loop3A_522] : memref<6400xf32, #tpu.memory_space<vmem>>[vector<16xi32>], vector<16xf32>,
        %parallel_loop3A_524 = arith.mulf %parallel_loop3A_474, %get3A_217 : vector<16xf32>
        %parallel_loop3A_525 = arith.addf %parallel_loop3A_523, %parallel_loop3A_524 : vector<16xf32>
        %parallel_loop3A_526 = arith.constant 0 : i32
        %parallel_loop3A_527 = arith.addi %parallel_loop3A_519, %parallel_loop3A_526 : i32
        %parallel_loop3A_528 = arith.index_cast %parallel_loop3A_527 : i32 to index
        %parallel_loop3A_529 = tpu.vector_load %arg13[%parallel_loop3A_528] {strides = array<i32>} : memref<16384xf32, #tpu.memory_space<vmem>>, vector<16xf32>,
        tpu.vector_store %arg13[%parallel_loop3A_528], %parallel_loop3A_525 {strides = array<i32>} : memref<16384xf32, #tpu.memory_space<vmem>>, vector<16xf32>,
        %parallel_loop3A_530 = arith.constant 1 : i32
        %parallel_loop3A_531 = vector.broadcast %parallel_loop3A_530 : i32 to vector<16xi32>
        %parallel_loop3A_532 = arith.addi %parallel_loop3A_470, %parallel_loop3A_531 : vector<16xi32>
        %parallel_loop3A_533 = tpu.vector_load_idx %arg7[%parallel_loop3A_532] : memref<6400xf32, #tpu.memory_space<vmem>>[vector<16xi32>], vector<16xf32>,
        %parallel_loop3A_534 = arith.mulf %parallel_loop3A_474, %get3A_223 : vector<16xf32>
        %parallel_loop3A_535 = arith.addf %parallel_loop3A_533, %parallel_loop3A_534 : vector<16xf32>
        %parallel_loop3A_536 = arith.constant 128 : i32
        %parallel_loop3A_537 = arith.addi %parallel_loop3A_519, %parallel_loop3A_536 : i32
        %parallel_loop3A_538 = arith.index_cast %parallel_loop3A_537 : i32 to index
        %parallel_loop3A_539 = tpu.vector_load %arg13[%parallel_loop3A_538] {strides = array<i32>} : memref<16384xf32, #tpu.memory_space<vmem>>, vector<16xf32>,
        tpu.vector_store %arg13[%parallel_loop3A_538], %parallel_loop3A_535 {strides = array<i32>} : memref<16384xf32, #tpu.memory_space<vmem>>, vector<16xf32>,
        %parallel_loop3A_540 = arith.constant 2 : i32
        %parallel_loop3A_541 = vector.broadcast %parallel_loop3A_540 : i32 to vector<16xi32>
        %parallel_loop3A_542 = arith.addi %parallel_loop3A_470, %parallel_loop3A_541 : vector<16xi32>
        %parallel_loop3A_543 = tpu.vector_load_idx %arg7[%parallel_loop3A_542] : memref<6400xf32, #tpu.memory_space<vmem>>[vector<16xi32>], vector<16xf32>,
        %parallel_loop3A_544 = arith.mulf %parallel_loop3A_474, %get3A_229 : vector<16xf32>
        %parallel_loop3A_545 = arith.addf %parallel_loop3A_543, %parallel_loop3A_544 : vector<16xf32>
        %parallel_loop3A_546 = arith.constant 256 : i32
        %parallel_loop3A_547 = arith.addi %parallel_loop3A_519, %parallel_loop3A_546 : i32
        %parallel_loop3A_548 = arith.index_cast %parallel_loop3A_547 : i32 to index
        %parallel_loop3A_549 = tpu.vector_load %arg13[%parallel_loop3A_548] {strides = array<i32>} : memref<16384xf32, #tpu.memory_space<vmem>>, vector<16xf32>,
        tpu.vector_store %arg13[%parallel_loop3A_548], %parallel_loop3A_545 {strides = array<i32>} : memref<16384xf32, #tpu.memory_space<vmem>>, vector<16xf32>,
        %parallel_loop3A_550 = arith.constant 3 : i32
        %parallel_loop3A_551 = vector.broadcast %parallel_loop3A_550 : i32 to vector<16xi32>
        %parallel_loop3A_552 = arith.addi %parallel_loop3A_470, %parallel_loop3A_551 : vector<16xi32>
        %parallel_loop3A_553 = tpu.vector_load_idx %arg7[%parallel_loop3A_552] : memref<6400xf32, #tpu.memory_space<vmem>>[vector<16xi32>], vector<16xf32>,
        %parallel_loop3A_554 = arith.mulf %parallel_loop3A_474, %get3A_235 : vector<16xf32>
        %parallel_loop3A_555 = arith.addf %parallel_loop3A_553, %parallel_loop3A_554 : vector<16xf32>
        %parallel_loop3A_556 = arith.constant 384 : i32
        %parallel_loop3A_557 = arith.addi %parallel_loop3A_519, %parallel_loop3A_556 : i32
        %parallel_loop3A_558 = arith.index_cast %parallel_loop3A_557 : i32 to index
        %parallel_loop3A_559 = tpu.vector_load %arg13[%parallel_loop3A_558] {strides = array<i32>} : memref<16384xf32, #tpu.memory_space<vmem>>, vector<16xf32>,
        tpu.vector_store %arg13[%parallel_loop3A_558], %parallel_loop3A_555 {strides = array<i32>} : memref<16384xf32, #tpu.memory_space<vmem>>, vector<16xf32>,
        %parallel_loop3A_560 = arith.constant 4 : i32
        %parallel_loop3A_561 = vector.broadcast %parallel_loop3A_560 : i32 to vector<16xi32>
        %parallel_loop3A_562 = arith.addi %parallel_loop3A_470, %parallel_loop3A_561 : vector<16xi32>
        %parallel_loop3A_563 = tpu.vector_load_idx %arg7[%parallel_loop3A_562] : memref<6400xf32, #tpu.memory_space<vmem>>[vector<16xi32>], vector<16xf32>,
        %parallel_loop3A_564 = arith.mulf %parallel_loop3A_474, %get3A_241 : vector<16xf32>
        %parallel_loop3A_565 = arith.addf %parallel_loop3A_563, %parallel_loop3A_564 : vector<16xf32>
        %parallel_loop3A_566 = arith.constant 512 : i32
        %parallel_loop3A_567 = arith.addi %parallel_loop3A_519, %parallel_loop3A_566 : i32
        %parallel_loop3A_568 = arith.index_cast %parallel_loop3A_567 : i32 to index
        %parallel_loop3A_569 = tpu.vector_load %arg13[%parallel_loop3A_568] {strides = array<i32>} : memref<16384xf32, #tpu.memory_space<vmem>>, vector<16xf32>,
        tpu.vector_store %arg13[%parallel_loop3A_568], %parallel_loop3A_565 {strides = array<i32>} : memref<16384xf32, #tpu.memory_space<vmem>>, vector<16xf32>,
        %parallel_loop3A_570 = arith.constant 5 : i32
        %parallel_loop3A_571 = vector.broadcast %parallel_loop3A_570 : i32 to vector<16xi32>
        %parallel_loop3A_572 = arith.addi %parallel_loop3A_470, %parallel_loop3A_571 : vector<16xi32>
        %parallel_loop3A_573 = tpu.vector_load_idx %arg7[%parallel_loop3A_572] : memref<6400xf32, #tpu.memory_space<vmem>>[vector<16xi32>], vector<16xf32>,
        %parallel_loop3A_574 = arith.mulf %parallel_loop3A_474, %get3A_247 : vector<16xf32>
        %parallel_loop3A_575 = arith.addf %parallel_loop3A_573, %parallel_loop3A_574 : vector<16xf32>
        %parallel_loop3A_576 = arith.constant 640 : i32
        %parallel_loop3A_577 = arith.addi %parallel_loop3A_519, %parallel_loop3A_576 : i32
        %parallel_loop3A_578 = arith.index_cast %parallel_loop3A_577 : i32 to index
        %parallel_loop3A_579 = tpu.vector_load %arg13[%parallel_loop3A_578] {strides = array<i32>} : memref<16384xf32, #tpu.memory_space<vmem>>, vector<16xf32>,
        tpu.vector_store %arg13[%parallel_loop3A_578], %parallel_loop3A_575 {strides = array<i32>} : memref<16384xf32, #tpu.memory_space<vmem>>, vector<16xf32>,
        %parallel_loop3A_580 = arith.constant 6 : i32
        %parallel_loop3A_581 = vector.broadcast %parallel_loop3A_580 : i32 to vector<16xi32>
        %parallel_loop3A_582 = arith.addi %parallel_loop3A_470, %parallel_loop3A_581 : vector<16xi32>
        %parallel_loop3A_583 = tpu.vector_load_idx %arg7[%parallel_loop3A_582] : memref<6400xf32, #tpu.memory_space<vmem>>[vector<16xi32>], vector<16xf32>,
        %parallel_loop3A_584 = arith.mulf %parallel_loop3A_474, %get3A_253 : vector<16xf32>
        %parallel_loop3A_585 = arith.addf %parallel_loop3A_583, %parallel_loop3A_584 : vector<16xf32>
        %parallel_loop3A_586 = arith.constant 768 : i32
        %parallel_loop3A_587 = arith.addi %parallel_loop3A_519, %parallel_loop3A_586 : i32
        %parallel_loop3A_588 = arith.index_cast %parallel_loop3A_587 : i32 to index
        %parallel_loop3A_589 = tpu.vector_load %arg13[%parallel_loop3A_588] {strides = array<i32>} : memref<16384xf32, #tpu.memory_space<vmem>>, vector<16xf32>,
        tpu.vector_store %arg13[%parallel_loop3A_588], %parallel_loop3A_585 {strides = array<i32>} : memref<16384xf32, #tpu.memory_space<vmem>>, vector<16xf32>,
        %parallel_loop3A_590 = arith.constant 7 : i32
        %parallel_loop3A_591 = vector.broadcast %parallel_loop3A_590 : i32 to vector<16xi32>
        %parallel_loop3A_592 = arith.addi %parallel_loop3A_470, %parallel_loop3A_591 : vector<16xi32>
        %parallel_loop3A_593 = tpu.vector_load_idx %arg7[%parallel_loop3A_592] : memref<6400xf32, #tpu.memory_space<vmem>>[vector<16xi32>], vector<16xf32>,
        %parallel_loop3A_594 = arith.mulf %parallel_loop3A_474, %get3A_259 : vector<16xf32>
        %parallel_loop3A_595 = arith.addf %parallel_loop3A_593, %parallel_loop3A_594 : vector<16xf32>
        %parallel_loop3A_596 = arith.constant 896 : i32
        %parallel_loop3A_597 = arith.addi %parallel_loop3A_519, %parallel_loop3A_596 : i32
        %parallel_loop3A_598 = arith.index_cast %parallel_loop3A_597 : i32 to index
        %parallel_loop3A_599 = tpu.vector_load %arg13[%parallel_loop3A_598] {strides = array<i32>} : memref<16384xf32, #tpu.memory_space<vmem>>, vector<16xf32>,
        tpu.vector_store %arg13[%parallel_loop3A_598], %parallel_loop3A_595 {strides = array<i32>} : memref<16384xf32, #tpu.memory_space<vmem>>, vector<16xf32>,
        %parallel_loop3A_600 = arith.constant 8 : i32
        %parallel_loop3A_601 = vector.broadcast %parallel_loop3A_600 : i32 to vector<16xi32>
        %parallel_loop3A_602 = arith.addi %parallel_loop3A_470, %parallel_loop3A_601 : vector<16xi32>
        %parallel_loop3A_603 = tpu.vector_load_idx %arg7[%parallel_loop3A_602] : memref<6400xf32, #tpu.memory_space<vmem>>[vector<16xi32>], vector<16xf32>,
        %parallel_loop3A_604 = arith.mulf %parallel_loop3A_474, %get3A_265 : vector<16xf32>
        %parallel_loop3A_605 = arith.addf %parallel_loop3A_603, %parallel_loop3A_604 : vector<16xf32>
        %parallel_loop3A_606 = arith.constant 8192 : i32
        %parallel_loop3A_607 = arith.addi %parallel_loop3A_519, %parallel_loop3A_606 : i32
        %parallel_loop3A_608 = arith.index_cast %parallel_loop3A_607 : i32 to index
        %parallel_loop3A_609 = tpu.vector_load %arg13[%parallel_loop3A_608] {strides = array<i32>} : memref<16384xf32, #tpu.memory_space<vmem>>, vector<16xf32>,
        tpu.vector_store %arg13[%parallel_loop3A_608], %parallel_loop3A_605 {strides = array<i32>} : memref<16384xf32, #tpu.memory_space<vmem>>, vector<16xf32>,
        %parallel_loop3A_610 = arith.constant 9 : i32
        %parallel_loop3A_611 = vector.broadcast %parallel_loop3A_610 : i32 to vector<16xi32>
        %parallel_loop3A_612 = arith.addi %parallel_loop3A_470, %parallel_loop3A_611 : vector<16xi32>
        %parallel_loop3A_613 = tpu.vector_load_idx %arg7[%parallel_loop3A_612] : memref<6400xf32, #tpu.memory_space<vmem>>[vector<16xi32>], vector<16xf32>,
        %parallel_loop3A_614 = arith.mulf %parallel_loop3A_474, %get3A_271 : vector<16xf32>
        %parallel_loop3A_615 = arith.addf %parallel_loop3A_613, %parallel_loop3A_614 : vector<16xf32>
        %parallel_loop3A_616 = arith.constant 8320 : i32
        %parallel_loop3A_617 = arith.addi %parallel_loop3A_519, %parallel_loop3A_616 : i32
        %parallel_loop3A_618 = arith.index_cast %parallel_loop3A_617 : i32 to index
        %parallel_loop3A_619 = tpu.vector_load %arg13[%parallel_loop3A_618] {strides = array<i32>} : memref<16384xf32, #tpu.memory_space<vmem>>, vector<16xf32>,
        tpu.vector_store %arg13[%parallel_loop3A_618], %parallel_loop3A_615 {strides = array<i32>} : memref<16384xf32, #tpu.memory_space<vmem>>, vector<16xf32>,
        %parallel_loop3A_620 = arith.constant 10 : i32
        %parallel_loop3A_621 = vector.broadcast %parallel_loop3A_620 : i32 to vector<16xi32>
        %parallel_loop3A_622 = arith.addi %parallel_loop3A_470, %parallel_loop3A_621 : vector<16xi32>
        %parallel_loop3A_623 = tpu.vector_load_idx %arg7[%parallel_loop3A_622] : memref<6400xf32, #tpu.memory_space<vmem>>[vector<16xi32>], vector<16xf32>,
        %parallel_loop3A_624 = arith.mulf %parallel_loop3A_474, %get3A_277 : vector<16xf32>
        %parallel_loop3A_625 = arith.addf %parallel_loop3A_623, %parallel_loop3A_624 : vector<16xf32>
        %parallel_loop3A_626 = arith.constant 8448 : i32
        %parallel_loop3A_627 = arith.addi %parallel_loop3A_519, %parallel_loop3A_626 : i32
        %parallel_loop3A_628 = arith.index_cast %parallel_loop3A_627 : i32 to index
        %parallel_loop3A_629 = tpu.vector_load %arg13[%parallel_loop3A_628] {strides = array<i32>} : memref<16384xf32, #tpu.memory_space<vmem>>, vector<16xf32>,
        tpu.vector_store %arg13[%parallel_loop3A_628], %parallel_loop3A_625 {strides = array<i32>} : memref<16384xf32, #tpu.memory_space<vmem>>, vector<16xf32>,
        %parallel_loop3A_630 = arith.constant 11 : i32
        %parallel_loop3A_631 = vector.broadcast %parallel_loop3A_630 : i32 to vector<16xi32>
        %parallel_loop3A_632 = arith.addi %parallel_loop3A_470, %parallel_loop3A_631 : vector<16xi32>
        %parallel_loop3A_633 = tpu.vector_load_idx %arg7[%parallel_loop3A_632] : memref<6400xf32, #tpu.memory_space<vmem>>[vector<16xi32>], vector<16xf32>,
        %parallel_loop3A_634 = arith.mulf %parallel_loop3A_474, %get3A_283 : vector<16xf32>
        %parallel_loop3A_635 = arith.addf %parallel_loop3A_633, %parallel_loop3A_634 : vector<16xf32>
        %parallel_loop3A_636 = arith.constant 8576 : i32
        %parallel_loop3A_637 = arith.addi %parallel_loop3A_519, %parallel_loop3A_636 : i32
        %parallel_loop3A_638 = arith.index_cast %parallel_loop3A_637 : i32 to index
        %parallel_loop3A_639 = tpu.vector_load %arg13[%parallel_loop3A_638] {strides = array<i32>} : memref<16384xf32, #tpu.memory_space<vmem>>, vector<16xf32>,
        tpu.vector_store %arg13[%parallel_loop3A_638], %parallel_loop3A_635 {strides = array<i32>} : memref<16384xf32, #tpu.memory_space<vmem>>, vector<16xf32>,
        %parallel_loop3A_640 = arith.constant 12 : i32
        %parallel_loop3A_641 = vector.broadcast %parallel_loop3A_640 : i32 to vector<16xi32>
        %parallel_loop3A_642 = arith.addi %parallel_loop3A_470, %parallel_loop3A_641 : vector<16xi32>
        %parallel_loop3A_643 = tpu.vector_load_idx %arg7[%parallel_loop3A_642] : memref<6400xf32, #tpu.memory_space<vmem>>[vector<16xi32>], vector<16xf32>,
        %parallel_loop3A_644 = arith.mulf %parallel_loop3A_474, %get3A_289 : vector<16xf32>
        %parallel_loop3A_645 = arith.addf %parallel_loop3A_643, %parallel_loop3A_644 : vector<16xf32>
        %parallel_loop3A_646 = arith.constant 8704 : i32
        %parallel_loop3A_647 = arith.addi %parallel_loop3A_519, %parallel_loop3A_646 : i32
        %parallel_loop3A_648 = arith.index_cast %parallel_loop3A_647 : i32 to index
        %parallel_loop3A_649 = tpu.vector_load %arg13[%parallel_loop3A_648] {strides = array<i32>} : memref<16384xf32, #tpu.memory_space<vmem>>, vector<16xf32>,
        tpu.vector_store %arg13[%parallel_loop3A_648], %parallel_loop3A_645 {strides = array<i32>} : memref<16384xf32, #tpu.memory_space<vmem>>, vector<16xf32>,
        %parallel_loop3A_650 = arith.constant 13 : i32
        %parallel_loop3A_651 = vector.broadcast %parallel_loop3A_650 : i32 to vector<16xi32>
        %parallel_loop3A_652 = arith.addi %parallel_loop3A_470, %parallel_loop3A_651 : vector<16xi32>
        %parallel_loop3A_653 = tpu.vector_load_idx %arg7[%parallel_loop3A_652] : memref<6400xf32, #tpu.memory_space<vmem>>[vector<16xi32>], vector<16xf32>,
        %parallel_loop3A_654 = arith.mulf %parallel_loop3A_474, %get3A_295 : vector<16xf32>
        %parallel_loop3A_655 = arith.addf %parallel_loop3A_653, %parallel_loop3A_654 : vector<16xf32>
        %parallel_loop3A_656 = arith.constant 8832 : i32
        %parallel_loop3A_657 = arith.addi %parallel_loop3A_519, %parallel_loop3A_656 : i32
        %parallel_loop3A_658 = arith.index_cast %parallel_loop3A_657 : i32 to index
        %parallel_loop3A_659 = tpu.vector_load %arg13[%parallel_loop3A_658] {strides = array<i32>} : memref<16384xf32, #tpu.memory_space<vmem>>, vector<16xf32>,
        tpu.vector_store %arg13[%parallel_loop3A_658], %parallel_loop3A_655 {strides = array<i32>} : memref<16384xf32, #tpu.memory_space<vmem>>, vector<16xf32>,
        %parallel_loop3A_660 = arith.constant 14 : i32
        %parallel_loop3A_661 = vector.broadcast %parallel_loop3A_660 : i32 to vector<16xi32>
        %parallel_loop3A_662 = arith.addi %parallel_loop3A_470, %parallel_loop3A_661 : vector<16xi32>
        %parallel_loop3A_663 = tpu.vector_load_idx %arg7[%parallel_loop3A_662] : memref<6400xf32, #tpu.memory_space<vmem>>[vector<16xi32>], vector<16xf32>,
        %parallel_loop3A_664 = arith.mulf %parallel_loop3A_474, %get3A_301 : vector<16xf32>
        %parallel_loop3A_665 = arith.addf %parallel_loop3A_663, %parallel_loop3A_664 : vector<16xf32>
        %parallel_loop3A_666 = arith.constant 8960 : i32
        %parallel_loop3A_667 = arith.addi %parallel_loop3A_519, %parallel_loop3A_666 : i32
        %parallel_loop3A_668 = arith.index_cast %parallel_loop3A_667 : i32 to index
        %parallel_loop3A_669 = tpu.vector_load %arg13[%parallel_loop3A_668] {strides = array<i32>} : memref<16384xf32, #tpu.memory_space<vmem>>, vector<16xf32>,
        tpu.vector_store %arg13[%parallel_loop3A_668], %parallel_loop3A_665 {strides = array<i32>} : memref<16384xf32, #tpu.memory_space<vmem>>, vector<16xf32>,
        %parallel_loop3A_670 = arith.constant 15 : i32
        %parallel_loop3A_671 = vector.broadcast %parallel_loop3A_670 : i32 to vector<16xi32>
        %parallel_loop3A_672 = arith.addi %parallel_loop3A_470, %parallel_loop3A_671 : vector<16xi32>
        %parallel_loop3A_673 = tpu.vector_load_idx %arg7[%parallel_loop3A_672] : memref<6400xf32, #tpu.memory_space<vmem>>[vector<16xi32>], vector<16xf32>,
        %parallel_loop3A_674 = arith.mulf %parallel_loop3A_474, %get3A_307 : vector<16xf32>
        %parallel_loop3A_675 = arith.addf %parallel_loop3A_673, %parallel_loop3A_674 : vector<16xf32>
        %parallel_loop3A_676 = arith.constant 9088 : i32
        %parallel_loop3A_677 = arith.addi %parallel_loop3A_519, %parallel_loop3A_676 : i32
        %parallel_loop3A_678 = arith.index_cast %parallel_loop3A_677 : i32 to index
        %parallel_loop3A_679 = tpu.vector_load %arg13[%parallel_loop3A_678] {strides = array<i32>} : memref<16384xf32, #tpu.memory_space<vmem>>, vector<16xf32>,
        tpu.vector_store %arg13[%parallel_loop3A_678], %parallel_loop3A_675 {strides = array<i32>} : memref<16384xf32, #tpu.memory_space<vmem>>, vector<16xf32>,
      } {sc.loop_unroll_factor = 2 : i64, sc.parallel_access}
      %mul3A_311 = arith.constant 16384 : i32
      %mul3A_312 = arith.muli %add3A_176, %mul3A_311 : i32
      %dma_start3A_313 = tpu.memref_slice %arg6[%mul3A_312] : memref<65536000xf32, #tpu.memory_space<hbm>> -> memref<16384xf32, #tpu.memory_space<hbm>>
      %dma_start3A_314 = tpu.memref_slice %arg6[%mul3A_312] : memref<65536000xf32, #tpu.memory_space<hbm>> -> memref<16384xf32, #tpu.memory_space<hbm>>
      tpu.enqueue_dma source(%arg13 : memref<16384xf32, #tpu.memory_space<vmem>>) target(%dma_start3A_314 : memref<16384xf32, #tpu.memory_space<hbm>>) target_semaphore(%arg15 : memref<!tpu.dma_semaphore, #tpu.memory_space<semaphore_mem>>)
      %add3A_315 = arith.constant 1 : i32
      %add3A_316 = arith.addi %mul3A_175, %add3A_315 : i32
      %add3A_317 = arith.addi %mul3A_2, %add3A_316 : i32
      %ge3A_318 = arith.constant 2 : i32
      %ge3A_319 = arith.cmpi sge, %add3A_316, %ge3A_318 : i32
      %convert_element_type3A_320 = arith.extui %ge3A_319 : i1 to i32
      %cond3A_321 = arith.constant 0 : i32
      %cond3A_322 = arith.cmpi ne, %convert_element_type3A_320, %cond3A_321 : i32
      scf.if %cond3A_322 {
        %dma_wait3A_460 = arith.constant 0 : i32
        %dma_wait3A_461 = tpu.memref_slice %arg6[%dma_wait3A_460] : memref<65536000xf32, #tpu.memory_space<hbm>> -> memref<16384xf32, #tpu.memory_space<hbm>>
        %dma_wait3A_462 = arith.constant 0 : i32
        %dma_wait3A_463 = tpu.memref_slice %arg6[%dma_wait3A_462] : memref<65536000xf32, #tpu.memory_space<hbm>> -> memref<16384xf32, #tpu.memory_space<hbm>>
        tpu.wait_dma2 semaphore(%arg16 : memref<!tpu.dma_semaphore, #tpu.memory_space<semaphore_mem>>) src(%arg14 : memref<16384xf32, #tpu.memory_space<vmem>>) dst(%dma_wait3A_463 : memref<16384xf32, #tpu.memory_space<hbm>>)
      } else {
      }
      %jit3A_323 = arith.constant 4 : i32
      %eq3A_324 = arith.constant 0 : i32
      %eq3A_325 = arith.cmpi eq, %jit3A_323, %eq3A_324 : i32
      %jit3A_326 = arith.constant 1 : i32
      %select_n3A_327 = arith.select %eq3A_325, %jit3A_326, %jit3A_323 : i32
      %rem3A_328 = arith.remsi %add3A_317, %select_n3A_327 : i32
      %ne3A_329 = arith.constant 0 : i32
      %ne3A_330 = arith.cmpi ne, %rem3A_328, %ne3A_329 : i32
      %lt3A_331 = arith.constant 0 : i32
      %lt3A_332 = arith.cmpi slt, %rem3A_328, %lt3A_331 : i32
      %lt3A_333 = arith.constant 0 : i32
      %lt3A_334 = arith.cmpi slt, %select_n3A_327, %lt3A_333 : i32
      %ne3A_335 = arith.xori %lt3A_332, %lt3A_334 : i1
      %and3A_336 = arith.andi %ne3A_335, %ne3A_330 : i1
      %add3A_337 = arith.addi %rem3A_328, %select_n3A_327 : i32
      %select_n3A_338 = arith.select %and3A_336, %add3A_337, %rem3A_328 : i32
      %mul3A_339 = arith.constant 16 : i32
      %mul3A_340 = arith.muli %select_n3A_338, %mul3A_339 : i32
      %dma_wait3A_341 = arith.constant 0 : i32
      %dma_wait3A_342 = tpu.memref_slice %arg2[%dma_wait3A_341] : memref<1024000xi32, #tpu.memory_space<hbm>> -> memref<1024xi32, #tpu.memory_space<hbm>>
      %dma_wait3A_343 = arith.constant 0 : i32
      %dma_wait3A_344 = tpu.memref_slice %arg2[%dma_wait3A_343] : memref<1024000xi32, #tpu.memory_space<hbm>> -> memref<1024xi32, #tpu.memory_space<hbm>>
      tpu.wait_dma2 semaphore(%arg18 : memref<!tpu.dma_semaphore, #tpu.memory_space<semaphore_mem>>) src(%dma_wait3A_344 : memref<1024xi32, #tpu.memory_space<hbm>>) dst(%arg10 : memref<1024xi32, #tpu.memory_space<vmem>>)
      %dma_wait3A_345 = arith.constant 0 : i32
      %dma_wait3A_346 = tpu.memref_slice %arg3[%dma_wait3A_345] : memref<1024000xf32, #tpu.memory_space<hbm>> -> memref<1024xf32, #tpu.memory_space<hbm>>
      %dma_wait3A_347 = arith.constant 0 : i32
      %dma_wait3A_348 = tpu.memref_slice %arg3[%dma_wait3A_347] : memref<1024000xf32, #tpu.memory_space<hbm>> -> memref<1024xf32, #tpu.memory_space<hbm>>
      tpu.wait_dma2 semaphore(%arg18 : memref<!tpu.dma_semaphore, #tpu.memory_space<semaphore_mem>>) src(%dma_wait3A_348 : memref<1024xf32, #tpu.memory_space<hbm>>) dst(%arg12 : memref<1024xf32, #tpu.memory_space<vmem>>)
      %add3A_349 = arith.constant 1 : i32
      %add3A_350 = arith.addi %add3A_316, %add3A_349 : i32
      %lt3A_351 = arith.constant 125 : i32
      %lt3A_352 = arith.cmpi slt, %add3A_350, %lt3A_351 : i32
      %convert_element_type3A_353 = arith.extui %lt3A_352 : i1 to i32
      %cond3A_354 = arith.constant 0 : i32
      %cond3A_355 = arith.cmpi ne, %convert_element_type3A_353, %cond3A_354 : i32
      scf.if %cond3A_355 {
        %add3A_460 = arith.constant 1 : i32
        %add3A_461 = arith.addi %add3A_316, %add3A_460 : i32
        %add3A_462 = arith.addi %mul3A_2, %add3A_461 : i32
        %jit3A_463 = arith.constant 4 : i32
        %div3A_464 = arith.divsi %add3A_462, %jit3A_463 : i32
        %sign3A_465 = arith.constant 0 : i32
        %sign3A_466 = arith.cmpi sgt, %add3A_462, %sign3A_465 : i32
        %sign3A_467 = arith.extui %sign3A_466 : i1 to i32
        %sign3A_468 = arith.constant 0 : i32
        %sign3A_469 = arith.cmpi slt, %add3A_462, %sign3A_468 : i32
        %sign3A_470 = arith.extui %sign3A_469 : i1 to i32
        %sign3A_471 = arith.subi %sign3A_467, %sign3A_470 : i32
        %sign3A_472 = arith.constant 0 : i32
        %sign3A_473 = arith.cmpi sgt, %jit3A_463, %sign3A_472 : i32
        %sign3A_474 = arith.extui %sign3A_473 : i1 to i32
        %sign3A_475 = arith.constant 0 : i32
        %sign3A_476 = arith.cmpi slt, %jit3A_463, %sign3A_475 : i32
        %sign3A_477 = arith.extui %sign3A_476 : i1 to i32
        %sign3A_478 = arith.subi %sign3A_474, %sign3A_477 : i32
        %ne3A_479 = arith.cmpi ne, %sign3A_471, %sign3A_478 : i32
        %rem3A_480 = arith.remsi %add3A_462, %jit3A_463 : i32
        %ne3A_481 = arith.constant 0 : i32
        %ne3A_482 = arith.cmpi ne, %rem3A_480, %ne3A_481 : i32
        %and3A_483 = arith.andi %ne3A_479, %ne3A_482 : i1
        %sub3A_484 = arith.constant 1 : i32
        %sub3A_485 = arith.subi %div3A_464, %sub3A_484 : i32
        %select_n3A_486 = arith.select %and3A_483, %sub3A_485, %div3A_464 : i32
        %mul3A_487 = arith.constant 1024 : i32
        %mul3A_488 = arith.muli %select_n3A_486, %mul3A_487 : i32
        %dma_start3A_489 = tpu.memref_slice %arg2[%mul3A_488] : memref<1024000xi32, #tpu.memory_space<hbm>> -> memref<1024xi32, #tpu.memory_space<hbm>>
        %dma_start3A_490 = tpu.memref_slice %arg2[%mul3A_488] : memref<1024000xi32, #tpu.memory_space<hbm>> -> memref<1024xi32, #tpu.memory_space<hbm>>
        tpu.enqueue_dma source(%dma_start3A_490 : memref<1024xi32, #tpu.memory_space<hbm>>) target(%arg9 : memref<1024xi32, #tpu.memory_space<vmem>>) target_semaphore(%arg17 : memref<!tpu.dma_semaphore, #tpu.memory_space<semaphore_mem>>)
        %mul3A_491 = arith.constant 1024 : i32
        %mul3A_492 = arith.muli %select_n3A_486, %mul3A_491 : i32
        %dma_start3A_493 = tpu.memref_slice %arg3[%mul3A_492] : memref<1024000xf32, #tpu.memory_space<hbm>> -> memref<1024xf32, #tpu.memory_space<hbm>>
        %dma_start3A_494 = tpu.memref_slice %arg3[%mul3A_492] : memref<1024000xf32, #tpu.memory_space<hbm>> -> memref<1024xf32, #tpu.memory_space<hbm>>
        tpu.enqueue_dma source(%dma_start3A_494 : memref<1024xf32, #tpu.memory_space<hbm>>) target(%arg11 : memref<1024xf32, #tpu.memory_space<vmem>>) target_semaphore(%arg17 : memref<!tpu.dma_semaphore, #tpu.memory_space<semaphore_mem>>)
      } else {
      }
      %add3A_356 = arith.constant 0 : i32
      %add3A_357 = arith.addi %mul3A_340, %add3A_356 : i32
      %mul3A_358 = arith.constant 16 : i32
      %mul3A_359 = arith.muli %add3A_357, %mul3A_358 : i32
      %get3A_360 = arith.index_cast %mul3A_359 : i32 to index
      %get3A_361 = tpu.vector_load %arg8[%get3A_360] {strides = array<i32>} : memref<1024xf32, #tpu.memory_space<vmem>>, vector<16xf32>,
      %add3A_362 = arith.constant 1 : i32
      %add3A_363 = arith.addi %mul3A_340, %add3A_362 : i32
      %mul3A_364 = arith.constant 16 : i32
      %mul3A_365 = arith.muli %add3A_363, %mul3A_364 : i32
      %get3A_366 = arith.index_cast %mul3A_365 : i32 to index
      %get3A_367 = tpu.vector_load %arg8[%get3A_366] {strides = array<i32>} : memref<1024xf32, #tpu.memory_space<vmem>>, vector<16xf32>,
      %add3A_368 = arith.constant 2 : i32
      %add3A_369 = arith.addi %mul3A_340, %add3A_368 : i32
      %mul3A_370 = arith.constant 16 : i32
      %mul3A_371 = arith.muli %add3A_369, %mul3A_370 : i32
      %get3A_372 = arith.index_cast %mul3A_371 : i32 to index
      %get3A_373 = tpu.vector_load %arg8[%get3A_372] {strides = array<i32>} : memref<1024xf32, #tpu.memory_space<vmem>>, vector<16xf32>,
      %add3A_374 = arith.constant 3 : i32
      %add3A_375 = arith.addi %mul3A_340, %add3A_374 : i32
      %mul3A_376 = arith.constant 16 : i32
      %mul3A_377 = arith.muli %add3A_375, %mul3A_376 : i32
      %get3A_378 = arith.index_cast %mul3A_377 : i32 to index
      %get3A_379 = tpu.vector_load %arg8[%get3A_378] {strides = array<i32>} : memref<1024xf32, #tpu.memory_space<vmem>>, vector<16xf32>,
      %add3A_380 = arith.constant 4 : i32
      %add3A_381 = arith.addi %mul3A_340, %add3A_380 : i32
      %mul3A_382 = arith.constant 16 : i32
      %mul3A_383 = arith.muli %add3A_381, %mul3A_382 : i32
      %get3A_384 = arith.index_cast %mul3A_383 : i32 to index
      %get3A_385 = tpu.vector_load %arg8[%get3A_384] {strides = array<i32>} : memref<1024xf32, #tpu.memory_space<vmem>>, vector<16xf32>,
      %add3A_386 = arith.constant 5 : i32
      %add3A_387 = arith.addi %mul3A_340, %add3A_386 : i32
      %mul3A_388 = arith.constant 16 : i32
      %mul3A_389 = arith.muli %add3A_387, %mul3A_388 : i32
      %get3A_390 = arith.index_cast %mul3A_389 : i32 to index
      %get3A_391 = tpu.vector_load %arg8[%get3A_390] {strides = array<i32>} : memref<1024xf32, #tpu.memory_space<vmem>>, vector<16xf32>,
      %add3A_392 = arith.constant 6 : i32
      %add3A_393 = arith.addi %mul3A_340, %add3A_392 : i32
      %mul3A_394 = arith.constant 16 : i32
      %mul3A_395 = arith.muli %add3A_393, %mul3A_394 : i32
      %get3A_396 = arith.index_cast %mul3A_395 : i32 to index
      %get3A_397 = tpu.vector_load %arg8[%get3A_396] {strides = array<i32>} : memref<1024xf32, #tpu.memory_space<vmem>>, vector<16xf32>,
      %add3A_398 = arith.constant 7 : i32
      %add3A_399 = arith.addi %mul3A_340, %add3A_398 : i32
      %mul3A_400 = arith.constant 16 : i32
      %mul3A_401 = arith.muli %add3A_399, %mul3A_400 : i32
      %get3A_402 = arith.index_cast %mul3A_401 : i32 to index
      %get3A_403 = tpu.vector_load %arg8[%get3A_402] {strides = array<i32>} : memref<1024xf32, #tpu.memory_space<vmem>>, vector<16xf32>,
      %add3A_404 = arith.constant 8 : i32
      %add3A_405 = arith.addi %mul3A_340, %add3A_404 : i32
      %mul3A_406 = arith.constant 16 : i32
      %mul3A_407 = arith.muli %add3A_405, %mul3A_406 : i32
      %get3A_408 = arith.index_cast %mul3A_407 : i32 to index
      %get3A_409 = tpu.vector_load %arg8[%get3A_408] {strides = array<i32>} : memref<1024xf32, #tpu.memory_space<vmem>>, vector<16xf32>,
      %add3A_410 = arith.constant 9 : i32
      %add3A_411 = arith.addi %mul3A_340, %add3A_410 : i32
      %mul3A_412 = arith.constant 16 : i32
      %mul3A_413 = arith.muli %add3A_411, %mul3A_412 : i32
      %get3A_414 = arith.index_cast %mul3A_413 : i32 to index
      %get3A_415 = tpu.vector_load %arg8[%get3A_414] {strides = array<i32>} : memref<1024xf32, #tpu.memory_space<vmem>>, vector<16xf32>,
      %add3A_416 = arith.constant 10 : i32
      %add3A_417 = arith.addi %mul3A_340, %add3A_416 : i32
      %mul3A_418 = arith.constant 16 : i32
      %mul3A_419 = arith.muli %add3A_417, %mul3A_418 : i32
      %get3A_420 = arith.index_cast %mul3A_419 : i32 to index
      %get3A_421 = tpu.vector_load %arg8[%get3A_420] {strides = array<i32>} : memref<1024xf32, #tpu.memory_space<vmem>>, vector<16xf32>,
      %add3A_422 = arith.constant 11 : i32
      %add3A_423 = arith.addi %mul3A_340, %add3A_422 : i32
      %mul3A_424 = arith.constant 16 : i32
      %mul3A_425 = arith.muli %add3A_423, %mul3A_424 : i32
      %get3A_426 = arith.index_cast %mul3A_425 : i32 to index
      %get3A_427 = tpu.vector_load %arg8[%get3A_426] {strides = array<i32>} : memref<1024xf32, #tpu.memory_space<vmem>>, vector<16xf32>,
      %add3A_428 = arith.constant 12 : i32
      %add3A_429 = arith.addi %mul3A_340, %add3A_428 : i32
      %mul3A_430 = arith.constant 16 : i32
      %mul3A_431 = arith.muli %add3A_429, %mul3A_430 : i32
      %get3A_432 = arith.index_cast %mul3A_431 : i32 to index
      %get3A_433 = tpu.vector_load %arg8[%get3A_432] {strides = array<i32>} : memref<1024xf32, #tpu.memory_space<vmem>>, vector<16xf32>,
      %add3A_434 = arith.constant 13 : i32
      %add3A_435 = arith.addi %mul3A_340, %add3A_434 : i32
      %mul3A_436 = arith.constant 16 : i32
      %mul3A_437 = arith.muli %add3A_435, %mul3A_436 : i32
      %get3A_438 = arith.index_cast %mul3A_437 : i32 to index
      %get3A_439 = tpu.vector_load %arg8[%get3A_438] {strides = array<i32>} : memref<1024xf32, #tpu.memory_space<vmem>>, vector<16xf32>,
      %add3A_440 = arith.constant 14 : i32
      %add3A_441 = arith.addi %mul3A_340, %add3A_440 : i32
      %mul3A_442 = arith.constant 16 : i32
      %mul3A_443 = arith.muli %add3A_441, %mul3A_442 : i32
      %get3A_444 = arith.index_cast %mul3A_443 : i32 to index
      %get3A_445 = tpu.vector_load %arg8[%get3A_444] {strides = array<i32>} : memref<1024xf32, #tpu.memory_space<vmem>>, vector<16xf32>,
      %add3A_446 = arith.constant 15 : i32
      %add3A_447 = arith.addi %mul3A_340, %add3A_446 : i32
      %mul3A_448 = arith.constant 16 : i32
      %mul3A_449 = arith.muli %add3A_447, %mul3A_448 : i32
      %get3A_450 = arith.index_cast %mul3A_449 : i32 to index
      %get3A_451 = tpu.vector_load %arg8[%get3A_450] {strides = array<i32>} : memref<1024xf32, #tpu.memory_space<vmem>>, vector<16xf32>,
      %parallel_loop3A_452 = arith.constant 0 : i32
      %parallel_loop3A_453 = arith.constant 64 : i32
      %parallel_loop3A_454 = arith.constant 1 : i32
      scf.for %parallel_loop3A_460 = %parallel_loop3A_452 to %parallel_loop3A_453 step %parallel_loop3A_454  : i32 {
        %parallel_loop3A_461 = arith.constant 16 : i32
        %parallel_loop3A_462 = arith.muli %parallel_loop3A_460, %parallel_loop3A_461 : i32
        %parallel_loop3A_463 = arith.index_cast %parallel_loop3A_462 : i32 to index
        %parallel_loop3A_464 = tpu.vector_load %arg10[%parallel_loop3A_463] {strides = array<i32>} : memref<1024xi32, #tpu.memory_space<vmem>>, vector<16xi32>,
        %parallel_loop3A_465 = arith.constant 7 : i32
        %parallel_loop3A_466 = vector.broadcast %parallel_loop3A_465 : i32 to vector<16xi32>
        %parallel_loop3A_467 = arith.shrui %parallel_loop3A_464, %parallel_loop3A_466 : vector<16xi32>
        %parallel_loop3A_468 = arith.addi %parallel_loop3A_464, %parallel_loop3A_467 : vector<16xi32>
        %parallel_loop3A_469 = vector.broadcast %mul3A_340 : i32 to vector<16xi32>
        %parallel_loop3A_470 = arith.addi %parallel_loop3A_468, %parallel_loop3A_469 : vector<16xi32>
        %parallel_loop3A_471 = arith.constant 16 : i32
        %parallel_loop3A_472 = arith.muli %parallel_loop3A_460, %parallel_loop3A_471 : i32
        %parallel_loop3A_473 = arith.index_cast %parallel_loop3A_472 : i32 to index
        %parallel_loop3A_474 = tpu.vector_load %arg12[%parallel_loop3A_473] {strides = array<i32>} : memref<1024xf32, #tpu.memory_space<vmem>>, vector<16xf32>,
        %parallel_loop3A_475 = arith.constant 8 : i32
        %parallel_loop3A_476 = arith.divsi %parallel_loop3A_460, %parallel_loop3A_475 : i32
        %parallel_loop3A_477 = arith.constant 0 : i32
        %parallel_loop3A_478 = arith.cmpi sgt, %parallel_loop3A_460, %parallel_loop3A_477 : i32
        %parallel_loop3A_479 = arith.extui %parallel_loop3A_478 : i1 to i32
        %parallel_loop3A_480 = arith.constant 0 : i32
        %parallel_loop3A_481 = arith.cmpi slt, %parallel_loop3A_460, %parallel_loop3A_480 : i32
        %parallel_loop3A_482 = arith.extui %parallel_loop3A_481 : i1 to i32
        %parallel_loop3A_483 = arith.subi %parallel_loop3A_479, %parallel_loop3A_482 : i32
        %parallel_loop3A_484 = arith.constant 0 : i32
        %parallel_loop3A_485 = arith.cmpi sgt, %parallel_loop3A_475, %parallel_loop3A_484 : i32
        %parallel_loop3A_486 = arith.extui %parallel_loop3A_485 : i1 to i32
        %parallel_loop3A_487 = arith.constant 0 : i32
        %parallel_loop3A_488 = arith.cmpi slt, %parallel_loop3A_475, %parallel_loop3A_487 : i32
        %parallel_loop3A_489 = arith.extui %parallel_loop3A_488 : i1 to i32
        %parallel_loop3A_490 = arith.subi %parallel_loop3A_486, %parallel_loop3A_489 : i32
        %parallel_loop3A_491 = arith.cmpi ne, %parallel_loop3A_483, %parallel_loop3A_490 : i32
        %parallel_loop3A_492 = arith.remsi %parallel_loop3A_460, %parallel_loop3A_475 : i32
        %parallel_loop3A_493 = arith.constant 0 : i32
        %parallel_loop3A_494 = arith.cmpi ne, %parallel_loop3A_492, %parallel_loop3A_493 : i32
        %parallel_loop3A_495 = arith.andi %parallel_loop3A_491, %parallel_loop3A_494 : i1
        %parallel_loop3A_496 = arith.constant 1 : i32
        %parallel_loop3A_497 = arith.subi %parallel_loop3A_476, %parallel_loop3A_496 : i32
        %parallel_loop3A_498 = arith.select %parallel_loop3A_495, %parallel_loop3A_497, %parallel_loop3A_476 : i32
        %parallel_loop3A_499 = arith.constant 1024 : i32
        %parallel_loop3A_500 = arith.muli %parallel_loop3A_498, %parallel_loop3A_499 : i32
        %parallel_loop3A_501 = arith.constant 8 : i32
        %parallel_loop3A_502 = arith.constant 0 : i32
        %parallel_loop3A_503 = arith.cmpi eq, %parallel_loop3A_501, %parallel_loop3A_502 : i32
        %parallel_loop3A_504 = arith.constant 1 : i32
        %parallel_loop3A_505 = arith.select %parallel_loop3A_503, %parallel_loop3A_504, %parallel_loop3A_501 : i32
        %parallel_loop3A_506 = arith.remsi %parallel_loop3A_460, %parallel_loop3A_505 : i32
        %parallel_loop3A_507 = arith.constant 0 : i32
        %parallel_loop3A_508 = arith.cmpi ne, %parallel_loop3A_506, %parallel_loop3A_507 : i32
        %parallel_loop3A_509 = arith.constant 0 : i32
        %parallel_loop3A_510 = arith.cmpi slt, %parallel_loop3A_506, %parallel_loop3A_509 : i32
        %parallel_loop3A_511 = arith.constant 0 : i32
        %parallel_loop3A_512 = arith.cmpi slt, %parallel_loop3A_505, %parallel_loop3A_511 : i32
        %parallel_loop3A_513 = arith.xori %parallel_loop3A_510, %parallel_loop3A_512 : i1
        %parallel_loop3A_514 = arith.andi %parallel_loop3A_513, %parallel_loop3A_508 : i1
        %parallel_loop3A_515 = arith.addi %parallel_loop3A_506, %parallel_loop3A_505 : i32
        %parallel_loop3A_516 = arith.select %parallel_loop3A_514, %parallel_loop3A_515, %parallel_loop3A_506 : i32
        %parallel_loop3A_517 = arith.constant 16 : i32
        %parallel_loop3A_518 = arith.muli %parallel_loop3A_516, %parallel_loop3A_517 : i32
        %parallel_loop3A_519 = arith.addi %parallel_loop3A_500, %parallel_loop3A_518 : i32
        %parallel_loop3A_520 = arith.constant 0 : i32
        %parallel_loop3A_521 = vector.broadcast %parallel_loop3A_520 : i32 to vector<16xi32>
        %parallel_loop3A_522 = arith.addi %parallel_loop3A_470, %parallel_loop3A_521 : vector<16xi32>
        %parallel_loop3A_523 = tpu.vector_load_idx %arg7[%parallel_loop3A_522] : memref<6400xf32, #tpu.memory_space<vmem>>[vector<16xi32>], vector<16xf32>,
        %parallel_loop3A_524 = arith.mulf %parallel_loop3A_474, %get3A_361 : vector<16xf32>
        %parallel_loop3A_525 = arith.addf %parallel_loop3A_523, %parallel_loop3A_524 : vector<16xf32>
        %parallel_loop3A_526 = arith.constant 0 : i32
        %parallel_loop3A_527 = arith.addi %parallel_loop3A_519, %parallel_loop3A_526 : i32
        %parallel_loop3A_528 = arith.index_cast %parallel_loop3A_527 : i32 to index
        %parallel_loop3A_529 = tpu.vector_load %arg14[%parallel_loop3A_528] {strides = array<i32>} : memref<16384xf32, #tpu.memory_space<vmem>>, vector<16xf32>,
        tpu.vector_store %arg14[%parallel_loop3A_528], %parallel_loop3A_525 {strides = array<i32>} : memref<16384xf32, #tpu.memory_space<vmem>>, vector<16xf32>,
        %parallel_loop3A_530 = arith.constant 1 : i32
        %parallel_loop3A_531 = vector.broadcast %parallel_loop3A_530 : i32 to vector<16xi32>
        %parallel_loop3A_532 = arith.addi %parallel_loop3A_470, %parallel_loop3A_531 : vector<16xi32>
        %parallel_loop3A_533 = tpu.vector_load_idx %arg7[%parallel_loop3A_532] : memref<6400xf32, #tpu.memory_space<vmem>>[vector<16xi32>], vector<16xf32>,
        %parallel_loop3A_534 = arith.mulf %parallel_loop3A_474, %get3A_367 : vector<16xf32>
        %parallel_loop3A_535 = arith.addf %parallel_loop3A_533, %parallel_loop3A_534 : vector<16xf32>
        %parallel_loop3A_536 = arith.constant 128 : i32
        %parallel_loop3A_537 = arith.addi %parallel_loop3A_519, %parallel_loop3A_536 : i32
        %parallel_loop3A_538 = arith.index_cast %parallel_loop3A_537 : i32 to index
        %parallel_loop3A_539 = tpu.vector_load %arg14[%parallel_loop3A_538] {strides = array<i32>} : memref<16384xf32, #tpu.memory_space<vmem>>, vector<16xf32>,
        tpu.vector_store %arg14[%parallel_loop3A_538], %parallel_loop3A_535 {strides = array<i32>} : memref<16384xf32, #tpu.memory_space<vmem>>, vector<16xf32>,
        %parallel_loop3A_540 = arith.constant 2 : i32
        %parallel_loop3A_541 = vector.broadcast %parallel_loop3A_540 : i32 to vector<16xi32>
        %parallel_loop3A_542 = arith.addi %parallel_loop3A_470, %parallel_loop3A_541 : vector<16xi32>
        %parallel_loop3A_543 = tpu.vector_load_idx %arg7[%parallel_loop3A_542] : memref<6400xf32, #tpu.memory_space<vmem>>[vector<16xi32>], vector<16xf32>,
        %parallel_loop3A_544 = arith.mulf %parallel_loop3A_474, %get3A_373 : vector<16xf32>
        %parallel_loop3A_545 = arith.addf %parallel_loop3A_543, %parallel_loop3A_544 : vector<16xf32>
        %parallel_loop3A_546 = arith.constant 256 : i32
        %parallel_loop3A_547 = arith.addi %parallel_loop3A_519, %parallel_loop3A_546 : i32
        %parallel_loop3A_548 = arith.index_cast %parallel_loop3A_547 : i32 to index
        %parallel_loop3A_549 = tpu.vector_load %arg14[%parallel_loop3A_548] {strides = array<i32>} : memref<16384xf32, #tpu.memory_space<vmem>>, vector<16xf32>,
        tpu.vector_store %arg14[%parallel_loop3A_548], %parallel_loop3A_545 {strides = array<i32>} : memref<16384xf32, #tpu.memory_space<vmem>>, vector<16xf32>,
        %parallel_loop3A_550 = arith.constant 3 : i32
        %parallel_loop3A_551 = vector.broadcast %parallel_loop3A_550 : i32 to vector<16xi32>
        %parallel_loop3A_552 = arith.addi %parallel_loop3A_470, %parallel_loop3A_551 : vector<16xi32>
        %parallel_loop3A_553 = tpu.vector_load_idx %arg7[%parallel_loop3A_552] : memref<6400xf32, #tpu.memory_space<vmem>>[vector<16xi32>], vector<16xf32>,
        %parallel_loop3A_554 = arith.mulf %parallel_loop3A_474, %get3A_379 : vector<16xf32>
        %parallel_loop3A_555 = arith.addf %parallel_loop3A_553, %parallel_loop3A_554 : vector<16xf32>
        %parallel_loop3A_556 = arith.constant 384 : i32
        %parallel_loop3A_557 = arith.addi %parallel_loop3A_519, %parallel_loop3A_556 : i32
        %parallel_loop3A_558 = arith.index_cast %parallel_loop3A_557 : i32 to index
        %parallel_loop3A_559 = tpu.vector_load %arg14[%parallel_loop3A_558] {strides = array<i32>} : memref<16384xf32, #tpu.memory_space<vmem>>, vector<16xf32>,
        tpu.vector_store %arg14[%parallel_loop3A_558], %parallel_loop3A_555 {strides = array<i32>} : memref<16384xf32, #tpu.memory_space<vmem>>, vector<16xf32>,
        %parallel_loop3A_560 = arith.constant 4 : i32
        %parallel_loop3A_561 = vector.broadcast %parallel_loop3A_560 : i32 to vector<16xi32>
        %parallel_loop3A_562 = arith.addi %parallel_loop3A_470, %parallel_loop3A_561 : vector<16xi32>
        %parallel_loop3A_563 = tpu.vector_load_idx %arg7[%parallel_loop3A_562] : memref<6400xf32, #tpu.memory_space<vmem>>[vector<16xi32>], vector<16xf32>,
        %parallel_loop3A_564 = arith.mulf %parallel_loop3A_474, %get3A_385 : vector<16xf32>
        %parallel_loop3A_565 = arith.addf %parallel_loop3A_563, %parallel_loop3A_564 : vector<16xf32>
        %parallel_loop3A_566 = arith.constant 512 : i32
        %parallel_loop3A_567 = arith.addi %parallel_loop3A_519, %parallel_loop3A_566 : i32
        %parallel_loop3A_568 = arith.index_cast %parallel_loop3A_567 : i32 to index
        %parallel_loop3A_569 = tpu.vector_load %arg14[%parallel_loop3A_568] {strides = array<i32>} : memref<16384xf32, #tpu.memory_space<vmem>>, vector<16xf32>,
        tpu.vector_store %arg14[%parallel_loop3A_568], %parallel_loop3A_565 {strides = array<i32>} : memref<16384xf32, #tpu.memory_space<vmem>>, vector<16xf32>,
        %parallel_loop3A_570 = arith.constant 5 : i32
        %parallel_loop3A_571 = vector.broadcast %parallel_loop3A_570 : i32 to vector<16xi32>
        %parallel_loop3A_572 = arith.addi %parallel_loop3A_470, %parallel_loop3A_571 : vector<16xi32>
        %parallel_loop3A_573 = tpu.vector_load_idx %arg7[%parallel_loop3A_572] : memref<6400xf32, #tpu.memory_space<vmem>>[vector<16xi32>], vector<16xf32>,
        %parallel_loop3A_574 = arith.mulf %parallel_loop3A_474, %get3A_391 : vector<16xf32>
        %parallel_loop3A_575 = arith.addf %parallel_loop3A_573, %parallel_loop3A_574 : vector<16xf32>
        %parallel_loop3A_576 = arith.constant 640 : i32
        %parallel_loop3A_577 = arith.addi %parallel_loop3A_519, %parallel_loop3A_576 : i32
        %parallel_loop3A_578 = arith.index_cast %parallel_loop3A_577 : i32 to index
        %parallel_loop3A_579 = tpu.vector_load %arg14[%parallel_loop3A_578] {strides = array<i32>} : memref<16384xf32, #tpu.memory_space<vmem>>, vector<16xf32>,
        tpu.vector_store %arg14[%parallel_loop3A_578], %parallel_loop3A_575 {strides = array<i32>} : memref<16384xf32, #tpu.memory_space<vmem>>, vector<16xf32>,
        %parallel_loop3A_580 = arith.constant 6 : i32
        %parallel_loop3A_581 = vector.broadcast %parallel_loop3A_580 : i32 to vector<16xi32>
        %parallel_loop3A_582 = arith.addi %parallel_loop3A_470, %parallel_loop3A_581 : vector<16xi32>
        %parallel_loop3A_583 = tpu.vector_load_idx %arg7[%parallel_loop3A_582] : memref<6400xf32, #tpu.memory_space<vmem>>[vector<16xi32>], vector<16xf32>,
        %parallel_loop3A_584 = arith.mulf %parallel_loop3A_474, %get3A_397 : vector<16xf32>
        %parallel_loop3A_585 = arith.addf %parallel_loop3A_583, %parallel_loop3A_584 : vector<16xf32>
        %parallel_loop3A_586 = arith.constant 768 : i32
        %parallel_loop3A_587 = arith.addi %parallel_loop3A_519, %parallel_loop3A_586 : i32
        %parallel_loop3A_588 = arith.index_cast %parallel_loop3A_587 : i32 to index
        %parallel_loop3A_589 = tpu.vector_load %arg14[%parallel_loop3A_588] {strides = array<i32>} : memref<16384xf32, #tpu.memory_space<vmem>>, vector<16xf32>,
        tpu.vector_store %arg14[%parallel_loop3A_588], %parallel_loop3A_585 {strides = array<i32>} : memref<16384xf32, #tpu.memory_space<vmem>>, vector<16xf32>,
        %parallel_loop3A_590 = arith.constant 7 : i32
        %parallel_loop3A_591 = vector.broadcast %parallel_loop3A_590 : i32 to vector<16xi32>
        %parallel_loop3A_592 = arith.addi %parallel_loop3A_470, %parallel_loop3A_591 : vector<16xi32>
        %parallel_loop3A_593 = tpu.vector_load_idx %arg7[%parallel_loop3A_592] : memref<6400xf32, #tpu.memory_space<vmem>>[vector<16xi32>], vector<16xf32>,
        %parallel_loop3A_594 = arith.mulf %parallel_loop3A_474, %get3A_403 : vector<16xf32>
        %parallel_loop3A_595 = arith.addf %parallel_loop3A_593, %parallel_loop3A_594 : vector<16xf32>
        %parallel_loop3A_596 = arith.constant 896 : i32
        %parallel_loop3A_597 = arith.addi %parallel_loop3A_519, %parallel_loop3A_596 : i32
        %parallel_loop3A_598 = arith.index_cast %parallel_loop3A_597 : i32 to index
        %parallel_loop3A_599 = tpu.vector_load %arg14[%parallel_loop3A_598] {strides = array<i32>} : memref<16384xf32, #tpu.memory_space<vmem>>, vector<16xf32>,
        tpu.vector_store %arg14[%parallel_loop3A_598], %parallel_loop3A_595 {strides = array<i32>} : memref<16384xf32, #tpu.memory_space<vmem>>, vector<16xf32>,
        %parallel_loop3A_600 = arith.constant 8 : i32
        %parallel_loop3A_601 = vector.broadcast %parallel_loop3A_600 : i32 to vector<16xi32>
        %parallel_loop3A_602 = arith.addi %parallel_loop3A_470, %parallel_loop3A_601 : vector<16xi32>
        %parallel_loop3A_603 = tpu.vector_load_idx %arg7[%parallel_loop3A_602] : memref<6400xf32, #tpu.memory_space<vmem>>[vector<16xi32>], vector<16xf32>,
        %parallel_loop3A_604 = arith.mulf %parallel_loop3A_474, %get3A_409 : vector<16xf32>
        %parallel_loop3A_605 = arith.addf %parallel_loop3A_603, %parallel_loop3A_604 : vector<16xf32>
        %parallel_loop3A_606 = arith.constant 8192 : i32
        %parallel_loop3A_607 = arith.addi %parallel_loop3A_519, %parallel_loop3A_606 : i32
        %parallel_loop3A_608 = arith.index_cast %parallel_loop3A_607 : i32 to index
        %parallel_loop3A_609 = tpu.vector_load %arg14[%parallel_loop3A_608] {strides = array<i32>} : memref<16384xf32, #tpu.memory_space<vmem>>, vector<16xf32>,
        tpu.vector_store %arg14[%parallel_loop3A_608], %parallel_loop3A_605 {strides = array<i32>} : memref<16384xf32, #tpu.memory_space<vmem>>, vector<16xf32>,
        %parallel_loop3A_610 = arith.constant 9 : i32
        %parallel_loop3A_611 = vector.broadcast %parallel_loop3A_610 : i32 to vector<16xi32>
        %parallel_loop3A_612 = arith.addi %parallel_loop3A_470, %parallel_loop3A_611 : vector<16xi32>
        %parallel_loop3A_613 = tpu.vector_load_idx %arg7[%parallel_loop3A_612] : memref<6400xf32, #tpu.memory_space<vmem>>[vector<16xi32>], vector<16xf32>,
        %parallel_loop3A_614 = arith.mulf %parallel_loop3A_474, %get3A_415 : vector<16xf32>
        %parallel_loop3A_615 = arith.addf %parallel_loop3A_613, %parallel_loop3A_614 : vector<16xf32>
        %parallel_loop3A_616 = arith.constant 8320 : i32
        %parallel_loop3A_617 = arith.addi %parallel_loop3A_519, %parallel_loop3A_616 : i32
        %parallel_loop3A_618 = arith.index_cast %parallel_loop3A_617 : i32 to index
        %parallel_loop3A_619 = tpu.vector_load %arg14[%parallel_loop3A_618] {strides = array<i32>} : memref<16384xf32, #tpu.memory_space<vmem>>, vector<16xf32>,
        tpu.vector_store %arg14[%parallel_loop3A_618], %parallel_loop3A_615 {strides = array<i32>} : memref<16384xf32, #tpu.memory_space<vmem>>, vector<16xf32>,
        %parallel_loop3A_620 = arith.constant 10 : i32
        %parallel_loop3A_621 = vector.broadcast %parallel_loop3A_620 : i32 to vector<16xi32>
        %parallel_loop3A_622 = arith.addi %parallel_loop3A_470, %parallel_loop3A_621 : vector<16xi32>
        %parallel_loop3A_623 = tpu.vector_load_idx %arg7[%parallel_loop3A_622] : memref<6400xf32, #tpu.memory_space<vmem>>[vector<16xi32>], vector<16xf32>,
        %parallel_loop3A_624 = arith.mulf %parallel_loop3A_474, %get3A_421 : vector<16xf32>
        %parallel_loop3A_625 = arith.addf %parallel_loop3A_623, %parallel_loop3A_624 : vector<16xf32>
        %parallel_loop3A_626 = arith.constant 8448 : i32
        %parallel_loop3A_627 = arith.addi %parallel_loop3A_519, %parallel_loop3A_626 : i32
        %parallel_loop3A_628 = arith.index_cast %parallel_loop3A_627 : i32 to index
        %parallel_loop3A_629 = tpu.vector_load %arg14[%parallel_loop3A_628] {strides = array<i32>} : memref<16384xf32, #tpu.memory_space<vmem>>, vector<16xf32>,
        tpu.vector_store %arg14[%parallel_loop3A_628], %parallel_loop3A_625 {strides = array<i32>} : memref<16384xf32, #tpu.memory_space<vmem>>, vector<16xf32>,
        %parallel_loop3A_630 = arith.constant 11 : i32
        %parallel_loop3A_631 = vector.broadcast %parallel_loop3A_630 : i32 to vector<16xi32>
        %parallel_loop3A_632 = arith.addi %parallel_loop3A_470, %parallel_loop3A_631 : vector<16xi32>
        %parallel_loop3A_633 = tpu.vector_load_idx %arg7[%parallel_loop3A_632] : memref<6400xf32, #tpu.memory_space<vmem>>[vector<16xi32>], vector<16xf32>,
        %parallel_loop3A_634 = arith.mulf %parallel_loop3A_474, %get3A_427 : vector<16xf32>
        %parallel_loop3A_635 = arith.addf %parallel_loop3A_633, %parallel_loop3A_634 : vector<16xf32>
        %parallel_loop3A_636 = arith.constant 8576 : i32
        %parallel_loop3A_637 = arith.addi %parallel_loop3A_519, %parallel_loop3A_636 : i32
        %parallel_loop3A_638 = arith.index_cast %parallel_loop3A_637 : i32 to index
        %parallel_loop3A_639 = tpu.vector_load %arg14[%parallel_loop3A_638] {strides = array<i32>} : memref<16384xf32, #tpu.memory_space<vmem>>, vector<16xf32>,
        tpu.vector_store %arg14[%parallel_loop3A_638], %parallel_loop3A_635 {strides = array<i32>} : memref<16384xf32, #tpu.memory_space<vmem>>, vector<16xf32>,
        %parallel_loop3A_640 = arith.constant 12 : i32
        %parallel_loop3A_641 = vector.broadcast %parallel_loop3A_640 : i32 to vector<16xi32>
        %parallel_loop3A_642 = arith.addi %parallel_loop3A_470, %parallel_loop3A_641 : vector<16xi32>
        %parallel_loop3A_643 = tpu.vector_load_idx %arg7[%parallel_loop3A_642] : memref<6400xf32, #tpu.memory_space<vmem>>[vector<16xi32>], vector<16xf32>,
        %parallel_loop3A_644 = arith.mulf %parallel_loop3A_474, %get3A_433 : vector<16xf32>
        %parallel_loop3A_645 = arith.addf %parallel_loop3A_643, %parallel_loop3A_644 : vector<16xf32>
        %parallel_loop3A_646 = arith.constant 8704 : i32
        %parallel_loop3A_647 = arith.addi %parallel_loop3A_519, %parallel_loop3A_646 : i32
        %parallel_loop3A_648 = arith.index_cast %parallel_loop3A_647 : i32 to index
        %parallel_loop3A_649 = tpu.vector_load %arg14[%parallel_loop3A_648] {strides = array<i32>} : memref<16384xf32, #tpu.memory_space<vmem>>, vector<16xf32>,
        tpu.vector_store %arg14[%parallel_loop3A_648], %parallel_loop3A_645 {strides = array<i32>} : memref<16384xf32, #tpu.memory_space<vmem>>, vector<16xf32>,
        %parallel_loop3A_650 = arith.constant 13 : i32
        %parallel_loop3A_651 = vector.broadcast %parallel_loop3A_650 : i32 to vector<16xi32>
        %parallel_loop3A_652 = arith.addi %parallel_loop3A_470, %parallel_loop3A_651 : vector<16xi32>
        %parallel_loop3A_653 = tpu.vector_load_idx %arg7[%parallel_loop3A_652] : memref<6400xf32, #tpu.memory_space<vmem>>[vector<16xi32>], vector<16xf32>,
        %parallel_loop3A_654 = arith.mulf %parallel_loop3A_474, %get3A_439 : vector<16xf32>
        %parallel_loop3A_655 = arith.addf %parallel_loop3A_653, %parallel_loop3A_654 : vector<16xf32>
        %parallel_loop3A_656 = arith.constant 8832 : i32
        %parallel_loop3A_657 = arith.addi %parallel_loop3A_519, %parallel_loop3A_656 : i32
        %parallel_loop3A_658 = arith.index_cast %parallel_loop3A_657 : i32 to index
        %parallel_loop3A_659 = tpu.vector_load %arg14[%parallel_loop3A_658] {strides = array<i32>} : memref<16384xf32, #tpu.memory_space<vmem>>, vector<16xf32>,
        tpu.vector_store %arg14[%parallel_loop3A_658], %parallel_loop3A_655 {strides = array<i32>} : memref<16384xf32, #tpu.memory_space<vmem>>, vector<16xf32>,
        %parallel_loop3A_660 = arith.constant 14 : i32
        %parallel_loop3A_661 = vector.broadcast %parallel_loop3A_660 : i32 to vector<16xi32>
        %parallel_loop3A_662 = arith.addi %parallel_loop3A_470, %parallel_loop3A_661 : vector<16xi32>
        %parallel_loop3A_663 = tpu.vector_load_idx %arg7[%parallel_loop3A_662] : memref<6400xf32, #tpu.memory_space<vmem>>[vector<16xi32>], vector<16xf32>,
        %parallel_loop3A_664 = arith.mulf %parallel_loop3A_474, %get3A_445 : vector<16xf32>
        %parallel_loop3A_665 = arith.addf %parallel_loop3A_663, %parallel_loop3A_664 : vector<16xf32>
        %parallel_loop3A_666 = arith.constant 8960 : i32
        %parallel_loop3A_667 = arith.addi %parallel_loop3A_519, %parallel_loop3A_666 : i32
        %parallel_loop3A_668 = arith.index_cast %parallel_loop3A_667 : i32 to index
        %parallel_loop3A_669 = tpu.vector_load %arg14[%parallel_loop3A_668] {strides = array<i32>} : memref<16384xf32, #tpu.memory_space<vmem>>, vector<16xf32>,
        tpu.vector_store %arg14[%parallel_loop3A_668], %parallel_loop3A_665 {strides = array<i32>} : memref<16384xf32, #tpu.memory_space<vmem>>, vector<16xf32>,
        %parallel_loop3A_670 = arith.constant 15 : i32
        %parallel_loop3A_671 = vector.broadcast %parallel_loop3A_670 : i32 to vector<16xi32>
        %parallel_loop3A_672 = arith.addi %parallel_loop3A_470, %parallel_loop3A_671 : vector<16xi32>
        %parallel_loop3A_673 = tpu.vector_load_idx %arg7[%parallel_loop3A_672] : memref<6400xf32, #tpu.memory_space<vmem>>[vector<16xi32>], vector<16xf32>,
        %parallel_loop3A_674 = arith.mulf %parallel_loop3A_474, %get3A_451 : vector<16xf32>
        %parallel_loop3A_675 = arith.addf %parallel_loop3A_673, %parallel_loop3A_674 : vector<16xf32>
        %parallel_loop3A_676 = arith.constant 9088 : i32
        %parallel_loop3A_677 = arith.addi %parallel_loop3A_519, %parallel_loop3A_676 : i32
        %parallel_loop3A_678 = arith.index_cast %parallel_loop3A_677 : i32 to index
        %parallel_loop3A_679 = tpu.vector_load %arg14[%parallel_loop3A_678] {strides = array<i32>} : memref<16384xf32, #tpu.memory_space<vmem>>, vector<16xf32>,
        tpu.vector_store %arg14[%parallel_loop3A_678], %parallel_loop3A_675 {strides = array<i32>} : memref<16384xf32, #tpu.memory_space<vmem>>, vector<16xf32>,
      } {sc.loop_unroll_factor = 2 : i64, sc.parallel_access}
      %mul3A_455 = arith.constant 16384 : i32
      %mul3A_456 = arith.muli %add3A_317, %mul3A_455 : i32
      %dma_start3A_457 = tpu.memref_slice %arg6[%mul3A_456] : memref<65536000xf32, #tpu.memory_space<hbm>> -> memref<16384xf32, #tpu.memory_space<hbm>>
      %dma_start3A_458 = tpu.memref_slice %arg6[%mul3A_456] : memref<65536000xf32, #tpu.memory_space<hbm>> -> memref<16384xf32, #tpu.memory_space<hbm>>
      tpu.enqueue_dma source(%arg14 : memref<16384xf32, #tpu.memory_space<vmem>>) target(%dma_start3A_458 : memref<16384xf32, #tpu.memory_space<hbm>>) target_semaphore(%arg16 : memref<!tpu.dma_semaphore, #tpu.memory_space<semaphore_mem>>)
      %scan3A_459 = arith.constant 0 : i32
      scf.yield %scan3A_459 : i32
    }
    %scan3A_33 = arith.constant 62 : i32
    %add3A_34 = arith.constant 124 : i32
    %add3A_35 = arith.addi %mul3A_2, %add3A_34 : i32
    %dma_wait3A = arith.constant 0 : i32
    %dma_wait3A_36 = tpu.memref_slice %arg6[%dma_wait3A] : memref<65536000xf32, #tpu.memory_space<hbm>> -> memref<16384xf32, #tpu.memory_space<hbm>>
    %dma_wait3A_37 = arith.constant 0 : i32
    %dma_wait3A_38 = tpu.memref_slice %arg6[%dma_wait3A_37] : memref<65536000xf32, #tpu.memory_space<hbm>> -> memref<16384xf32, #tpu.memory_space<hbm>>
    tpu.wait_dma2 semaphore(%arg15 : memref<!tpu.dma_semaphore, #tpu.memory_space<semaphore_mem>>) src(%arg13 : memref<16384xf32, #tpu.memory_space<vmem>>) dst(%dma_wait3A_38 : memref<16384xf32, #tpu.memory_space<hbm>>)
    %jit3A_39 = arith.constant 4 : i32
    %eq3A = arith.constant 0 : i32
    %eq3A_40 = arith.cmpi eq, %jit3A_39, %eq3A : i32
    %jit3A_41 = arith.constant 1 : i32
    %select_n3A_42 = arith.select %eq3A_40, %jit3A_41, %jit3A_39 : i32
    %rem3A_43 = arith.remsi %add3A_35, %select_n3A_42 : i32
    %ne3A_44 = arith.constant 0 : i32
    %ne3A_45 = arith.cmpi ne, %rem3A_43, %ne3A_44 : i32
    %lt3A = arith.constant 0 : i32
    %lt3A_46 = arith.cmpi slt, %rem3A_43, %lt3A : i32
    %lt3A_47 = arith.constant 0 : i32
    %lt3A_48 = arith.cmpi slt, %select_n3A_42, %lt3A_47 : i32
    %ne3A_49 = arith.xori %lt3A_46, %lt3A_48 : i1
    %and3A_50 = arith.andi %ne3A_49, %ne3A_45 : i1
    %add3A_51 = arith.addi %rem3A_43, %select_n3A_42 : i32
    %select_n3A_52 = arith.select %and3A_50, %add3A_51, %rem3A_43 : i32
    %mul3A_53 = arith.constant 16 : i32
    %mul3A_54 = arith.muli %select_n3A_52, %mul3A_53 : i32
    %dma_wait3A_55 = arith.constant 0 : i32
    %dma_wait3A_56 = tpu.memref_slice %arg2[%dma_wait3A_55] : memref<1024000xi32, #tpu.memory_space<hbm>> -> memref<1024xi32, #tpu.memory_space<hbm>>
    %dma_wait3A_57 = arith.constant 0 : i32
    %dma_wait3A_58 = tpu.memref_slice %arg2[%dma_wait3A_57] : memref<1024000xi32, #tpu.memory_space<hbm>> -> memref<1024xi32, #tpu.memory_space<hbm>>
    tpu.wait_dma2 semaphore(%arg17 : memref<!tpu.dma_semaphore, #tpu.memory_space<semaphore_mem>>) src(%dma_wait3A_58 : memref<1024xi32, #tpu.memory_space<hbm>>) dst(%arg9 : memref<1024xi32, #tpu.memory_space<vmem>>)
    %dma_wait3A_59 = arith.constant 0 : i32
    %dma_wait3A_60 = tpu.memref_slice %arg3[%dma_wait3A_59] : memref<1024000xf32, #tpu.memory_space<hbm>> -> memref<1024xf32, #tpu.memory_space<hbm>>
    %dma_wait3A_61 = arith.constant 0 : i32
    %dma_wait3A_62 = tpu.memref_slice %arg3[%dma_wait3A_61] : memref<1024000xf32, #tpu.memory_space<hbm>> -> memref<1024xf32, #tpu.memory_space<hbm>>
    tpu.wait_dma2 semaphore(%arg17 : memref<!tpu.dma_semaphore, #tpu.memory_space<semaphore_mem>>) src(%dma_wait3A_62 : memref<1024xf32, #tpu.memory_space<hbm>>) dst(%arg11 : memref<1024xf32, #tpu.memory_space<vmem>>)
    %add3A_63 = arith.constant 0 : i32
    %add3A_64 = arith.addi %mul3A_54, %add3A_63 : i32
    %mul3A_65 = arith.constant 16 : i32
    %mul3A_66 = arith.muli %add3A_64, %mul3A_65 : i32
    %get3A = arith.index_cast %mul3A_66 : i32 to index
    %get3A_67 = tpu.vector_load %arg8[%get3A] {strides = array<i32>} : memref<1024xf32, #tpu.memory_space<vmem>>, vector<16xf32>,
    %add3A_68 = arith.constant 1 : i32
    %add3A_69 = arith.addi %mul3A_54, %add3A_68 : i32
    %mul3A_70 = arith.constant 16 : i32
    %mul3A_71 = arith.muli %add3A_69, %mul3A_70 : i32
    %get3A_72 = arith.index_cast %mul3A_71 : i32 to index
    %get3A_73 = tpu.vector_load %arg8[%get3A_72] {strides = array<i32>} : memref<1024xf32, #tpu.memory_space<vmem>>, vector<16xf32>,
    %add3A_74 = arith.constant 2 : i32
    %add3A_75 = arith.addi %mul3A_54, %add3A_74 : i32
    %mul3A_76 = arith.constant 16 : i32
    %mul3A_77 = arith.muli %add3A_75, %mul3A_76 : i32
    %get3A_78 = arith.index_cast %mul3A_77 : i32 to index
    %get3A_79 = tpu.vector_load %arg8[%get3A_78] {strides = array<i32>} : memref<1024xf32, #tpu.memory_space<vmem>>, vector<16xf32>,
    %add3A_80 = arith.constant 3 : i32
    %add3A_81 = arith.addi %mul3A_54, %add3A_80 : i32
    %mul3A_82 = arith.constant 16 : i32
    %mul3A_83 = arith.muli %add3A_81, %mul3A_82 : i32
    %get3A_84 = arith.index_cast %mul3A_83 : i32 to index
    %get3A_85 = tpu.vector_load %arg8[%get3A_84] {strides = array<i32>} : memref<1024xf32, #tpu.memory_space<vmem>>, vector<16xf32>,
    %add3A_86 = arith.constant 4 : i32
    %add3A_87 = arith.addi %mul3A_54, %add3A_86 : i32
    %mul3A_88 = arith.constant 16 : i32
    %mul3A_89 = arith.muli %add3A_87, %mul3A_88 : i32
    %get3A_90 = arith.index_cast %mul3A_89 : i32 to index
    %get3A_91 = tpu.vector_load %arg8[%get3A_90] {strides = array<i32>} : memref<1024xf32, #tpu.memory_space<vmem>>, vector<16xf32>,
    %add3A_92 = arith.constant 5 : i32
    %add3A_93 = arith.addi %mul3A_54, %add3A_92 : i32
    %mul3A_94 = arith.constant 16 : i32
    %mul3A_95 = arith.muli %add3A_93, %mul3A_94 : i32
    %get3A_96 = arith.index_cast %mul3A_95 : i32 to index
    %get3A_97 = tpu.vector_load %arg8[%get3A_96] {strides = array<i32>} : memref<1024xf32, #tpu.memory_space<vmem>>, vector<16xf32>,
    %add3A_98 = arith.constant 6 : i32
    %add3A_99 = arith.addi %mul3A_54, %add3A_98 : i32
    %mul3A_100 = arith.constant 16 : i32
    %mul3A_101 = arith.muli %add3A_99, %mul3A_100 : i32
    %get3A_102 = arith.index_cast %mul3A_101 : i32 to index
    %get3A_103 = tpu.vector_load %arg8[%get3A_102] {strides = array<i32>} : memref<1024xf32, #tpu.memory_space<vmem>>, vector<16xf32>,
    %add3A_104 = arith.constant 7 : i32
    %add3A_105 = arith.addi %mul3A_54, %add3A_104 : i32
    %mul3A_106 = arith.constant 16 : i32
    %mul3A_107 = arith.muli %add3A_105, %mul3A_106 : i32
    %get3A_108 = arith.index_cast %mul3A_107 : i32 to index
    %get3A_109 = tpu.vector_load %arg8[%get3A_108] {strides = array<i32>} : memref<1024xf32, #tpu.memory_space<vmem>>, vector<16xf32>,
    %add3A_110 = arith.constant 8 : i32
    %add3A_111 = arith.addi %mul3A_54, %add3A_110 : i32
    %mul3A_112 = arith.constant 16 : i32
    %mul3A_113 = arith.muli %add3A_111, %mul3A_112 : i32
    %get3A_114 = arith.index_cast %mul3A_113 : i32 to index
    %get3A_115 = tpu.vector_load %arg8[%get3A_114] {strides = array<i32>} : memref<1024xf32, #tpu.memory_space<vmem>>, vector<16xf32>,
    %add3A_116 = arith.constant 9 : i32
    %add3A_117 = arith.addi %mul3A_54, %add3A_116 : i32
    %mul3A_118 = arith.constant 16 : i32
    %mul3A_119 = arith.muli %add3A_117, %mul3A_118 : i32
    %get3A_120 = arith.index_cast %mul3A_119 : i32 to index
    %get3A_121 = tpu.vector_load %arg8[%get3A_120] {strides = array<i32>} : memref<1024xf32, #tpu.memory_space<vmem>>, vector<16xf32>,
    %add3A_122 = arith.constant 10 : i32
    %add3A_123 = arith.addi %mul3A_54, %add3A_122 : i32
    %mul3A_124 = arith.constant 16 : i32
    %mul3A_125 = arith.muli %add3A_123, %mul3A_124 : i32
    %get3A_126 = arith.index_cast %mul3A_125 : i32 to index
    %get3A_127 = tpu.vector_load %arg8[%get3A_126] {strides = array<i32>} : memref<1024xf32, #tpu.memory_space<vmem>>, vector<16xf32>,
    %add3A_128 = arith.constant 11 : i32
    %add3A_129 = arith.addi %mul3A_54, %add3A_128 : i32
    %mul3A_130 = arith.constant 16 : i32
    %mul3A_131 = arith.muli %add3A_129, %mul3A_130 : i32
    %get3A_132 = arith.index_cast %mul3A_131 : i32 to index
    %get3A_133 = tpu.vector_load %arg8[%get3A_132] {strides = array<i32>} : memref<1024xf32, #tpu.memory_space<vmem>>, vector<16xf32>,
    %add3A_134 = arith.constant 12 : i32
    %add3A_135 = arith.addi %mul3A_54, %add3A_134 : i32
    %mul3A_136 = arith.constant 16 : i32
    %mul3A_137 = arith.muli %add3A_135, %mul3A_136 : i32
    %get3A_138 = arith.index_cast %mul3A_137 : i32 to index
    %get3A_139 = tpu.vector_load %arg8[%get3A_138] {strides = array<i32>} : memref<1024xf32, #tpu.memory_space<vmem>>, vector<16xf32>,
    %add3A_140 = arith.constant 13 : i32
    %add3A_141 = arith.addi %mul3A_54, %add3A_140 : i32
    %mul3A_142 = arith.constant 16 : i32
    %mul3A_143 = arith.muli %add3A_141, %mul3A_142 : i32
    %get3A_144 = arith.index_cast %mul3A_143 : i32 to index
    %get3A_145 = tpu.vector_load %arg8[%get3A_144] {strides = array<i32>} : memref<1024xf32, #tpu.memory_space<vmem>>, vector<16xf32>,
    %add3A_146 = arith.constant 14 : i32
    %add3A_147 = arith.addi %mul3A_54, %add3A_146 : i32
    %mul3A_148 = arith.constant 16 : i32
    %mul3A_149 = arith.muli %add3A_147, %mul3A_148 : i32
    %get3A_150 = arith.index_cast %mul3A_149 : i32 to index
    %get3A_151 = tpu.vector_load %arg8[%get3A_150] {strides = array<i32>} : memref<1024xf32, #tpu.memory_space<vmem>>, vector<16xf32>,
    %add3A_152 = arith.constant 15 : i32
    %add3A_153 = arith.addi %mul3A_54, %add3A_152 : i32
    %mul3A_154 = arith.constant 16 : i32
    %mul3A_155 = arith.muli %add3A_153, %mul3A_154 : i32
    %get3A_156 = arith.index_cast %mul3A_155 : i32 to index
    %get3A_157 = tpu.vector_load %arg8[%get3A_156] {strides = array<i32>} : memref<1024xf32, #tpu.memory_space<vmem>>, vector<16xf32>,
    %parallel_loop3A = arith.constant 0 : i32
    %parallel_loop3A_158 = arith.constant 64 : i32
    %parallel_loop3A_159 = arith.constant 1 : i32
    scf.for %parallel_loop3A_172 = %parallel_loop3A to %parallel_loop3A_158 step %parallel_loop3A_159  : i32 {
      %parallel_loop3A_173 = arith.constant 16 : i32
      %parallel_loop3A_174 = arith.muli %parallel_loop3A_172, %parallel_loop3A_173 : i32
      %parallel_loop3A_175 = arith.index_cast %parallel_loop3A_174 : i32 to index
      %parallel_loop3A_176 = tpu.vector_load %arg9[%parallel_loop3A_175] {strides = array<i32>} : memref<1024xi32, #tpu.memory_space<vmem>>, vector<16xi32>,
      %parallel_loop3A_177 = arith.constant 7 : i32
      %parallel_loop3A_178 = vector.broadcast %parallel_loop3A_177 : i32 to vector<16xi32>
      %parallel_loop3A_179 = arith.shrui %parallel_loop3A_176, %parallel_loop3A_178 : vector<16xi32>
      %parallel_loop3A_180 = arith.addi %parallel_loop3A_176, %parallel_loop3A_179 : vector<16xi32>
      %parallel_loop3A_181 = vector.broadcast %mul3A_54 : i32 to vector<16xi32>
      %parallel_loop3A_182 = arith.addi %parallel_loop3A_180, %parallel_loop3A_181 : vector<16xi32>
      %parallel_loop3A_183 = arith.constant 16 : i32
      %parallel_loop3A_184 = arith.muli %parallel_loop3A_172, %parallel_loop3A_183 : i32
      %parallel_loop3A_185 = arith.index_cast %parallel_loop3A_184 : i32 to index
      %parallel_loop3A_186 = tpu.vector_load %arg11[%parallel_loop3A_185] {strides = array<i32>} : memref<1024xf32, #tpu.memory_space<vmem>>, vector<16xf32>,
      %parallel_loop3A_187 = arith.constant 8 : i32
      %parallel_loop3A_188 = arith.divsi %parallel_loop3A_172, %parallel_loop3A_187 : i32
      %parallel_loop3A_189 = arith.constant 0 : i32
      %parallel_loop3A_190 = arith.cmpi sgt, %parallel_loop3A_172, %parallel_loop3A_189 : i32
      %parallel_loop3A_191 = arith.extui %parallel_loop3A_190 : i1 to i32
      %parallel_loop3A_192 = arith.constant 0 : i32
      %parallel_loop3A_193 = arith.cmpi slt, %parallel_loop3A_172, %parallel_loop3A_192 : i32
      %parallel_loop3A_194 = arith.extui %parallel_loop3A_193 : i1 to i32
      %parallel_loop3A_195 = arith.subi %parallel_loop3A_191, %parallel_loop3A_194 : i32
      %parallel_loop3A_196 = arith.constant 0 : i32
      %parallel_loop3A_197 = arith.cmpi sgt, %parallel_loop3A_187, %parallel_loop3A_196 : i32
      %parallel_loop3A_198 = arith.extui %parallel_loop3A_197 : i1 to i32
      %parallel_loop3A_199 = arith.constant 0 : i32
      %parallel_loop3A_200 = arith.cmpi slt, %parallel_loop3A_187, %parallel_loop3A_199 : i32
      %parallel_loop3A_201 = arith.extui %parallel_loop3A_200 : i1 to i32
      %parallel_loop3A_202 = arith.subi %parallel_loop3A_198, %parallel_loop3A_201 : i32
      %parallel_loop3A_203 = arith.cmpi ne, %parallel_loop3A_195, %parallel_loop3A_202 : i32
      %parallel_loop3A_204 = arith.remsi %parallel_loop3A_172, %parallel_loop3A_187 : i32
      %parallel_loop3A_205 = arith.constant 0 : i32
      %parallel_loop3A_206 = arith.cmpi ne, %parallel_loop3A_204, %parallel_loop3A_205 : i32
      %parallel_loop3A_207 = arith.andi %parallel_loop3A_203, %parallel_loop3A_206 : i1
      %parallel_loop3A_208 = arith.constant 1 : i32
      %parallel_loop3A_209 = arith.subi %parallel_loop3A_188, %parallel_loop3A_208 : i32
      %parallel_loop3A_210 = arith.select %parallel_loop3A_207, %parallel_loop3A_209, %parallel_loop3A_188 : i32
      %parallel_loop3A_211 = arith.constant 1024 : i32
      %parallel_loop3A_212 = arith.muli %parallel_loop3A_210, %parallel_loop3A_211 : i32
      %parallel_loop3A_213 = arith.constant 8 : i32
      %parallel_loop3A_214 = arith.constant 0 : i32
      %parallel_loop3A_215 = arith.cmpi eq, %parallel_loop3A_213, %parallel_loop3A_214 : i32
      %parallel_loop3A_216 = arith.constant 1 : i32
      %parallel_loop3A_217 = arith.select %parallel_loop3A_215, %parallel_loop3A_216, %parallel_loop3A_213 : i32
      %parallel_loop3A_218 = arith.remsi %parallel_loop3A_172, %parallel_loop3A_217 : i32
      %parallel_loop3A_219 = arith.constant 0 : i32
      %parallel_loop3A_220 = arith.cmpi ne, %parallel_loop3A_218, %parallel_loop3A_219 : i32
      %parallel_loop3A_221 = arith.constant 0 : i32
      %parallel_loop3A_222 = arith.cmpi slt, %parallel_loop3A_218, %parallel_loop3A_221 : i32
      %parallel_loop3A_223 = arith.constant 0 : i32
      %parallel_loop3A_224 = arith.cmpi slt, %parallel_loop3A_217, %parallel_loop3A_223 : i32
      %parallel_loop3A_225 = arith.xori %parallel_loop3A_222, %parallel_loop3A_224 : i1
      %parallel_loop3A_226 = arith.andi %parallel_loop3A_225, %parallel_loop3A_220 : i1
      %parallel_loop3A_227 = arith.addi %parallel_loop3A_218, %parallel_loop3A_217 : i32
      %parallel_loop3A_228 = arith.select %parallel_loop3A_226, %parallel_loop3A_227, %parallel_loop3A_218 : i32
      %parallel_loop3A_229 = arith.constant 16 : i32
      %parallel_loop3A_230 = arith.muli %parallel_loop3A_228, %parallel_loop3A_229 : i32
      %parallel_loop3A_231 = arith.addi %parallel_loop3A_212, %parallel_loop3A_230 : i32
      %parallel_loop3A_232 = arith.constant 0 : i32
      %parallel_loop3A_233 = vector.broadcast %parallel_loop3A_232 : i32 to vector<16xi32>
      %parallel_loop3A_234 = arith.addi %parallel_loop3A_182, %parallel_loop3A_233 : vector<16xi32>
      %parallel_loop3A_235 = tpu.vector_load_idx %arg7[%parallel_loop3A_234] : memref<6400xf32, #tpu.memory_space<vmem>>[vector<16xi32>], vector<16xf32>,
      %parallel_loop3A_236 = arith.mulf %parallel_loop3A_186, %get3A_67 : vector<16xf32>
      %parallel_loop3A_237 = arith.addf %parallel_loop3A_235, %parallel_loop3A_236 : vector<16xf32>
      %parallel_loop3A_238 = arith.constant 0 : i32
      %parallel_loop3A_239 = arith.addi %parallel_loop3A_231, %parallel_loop3A_238 : i32
      %parallel_loop3A_240 = arith.index_cast %parallel_loop3A_239 : i32 to index
      %parallel_loop3A_241 = tpu.vector_load %arg13[%parallel_loop3A_240] {strides = array<i32>} : memref<16384xf32, #tpu.memory_space<vmem>>, vector<16xf32>,
      tpu.vector_store %arg13[%parallel_loop3A_240], %parallel_loop3A_237 {strides = array<i32>} : memref<16384xf32, #tpu.memory_space<vmem>>, vector<16xf32>,
      %parallel_loop3A_242 = arith.constant 1 : i32
      %parallel_loop3A_243 = vector.broadcast %parallel_loop3A_242 : i32 to vector<16xi32>
      %parallel_loop3A_244 = arith.addi %parallel_loop3A_182, %parallel_loop3A_243 : vector<16xi32>
      %parallel_loop3A_245 = tpu.vector_load_idx %arg7[%parallel_loop3A_244] : memref<6400xf32, #tpu.memory_space<vmem>>[vector<16xi32>], vector<16xf32>,
      %parallel_loop3A_246 = arith.mulf %parallel_loop3A_186, %get3A_73 : vector<16xf32>
      %parallel_loop3A_247 = arith.addf %parallel_loop3A_245, %parallel_loop3A_246 : vector<16xf32>
      %parallel_loop3A_248 = arith.constant 128 : i32
      %parallel_loop3A_249 = arith.addi %parallel_loop3A_231, %parallel_loop3A_248 : i32
      %parallel_loop3A_250 = arith.index_cast %parallel_loop3A_249 : i32 to index
      %parallel_loop3A_251 = tpu.vector_load %arg13[%parallel_loop3A_250] {strides = array<i32>} : memref<16384xf32, #tpu.memory_space<vmem>>, vector<16xf32>,
      tpu.vector_store %arg13[%parallel_loop3A_250], %parallel_loop3A_247 {strides = array<i32>} : memref<16384xf32, #tpu.memory_space<vmem>>, vector<16xf32>,
      %parallel_loop3A_252 = arith.constant 2 : i32
      %parallel_loop3A_253 = vector.broadcast %parallel_loop3A_252 : i32 to vector<16xi32>
      %parallel_loop3A_254 = arith.addi %parallel_loop3A_182, %parallel_loop3A_253 : vector<16xi32>
      %parallel_loop3A_255 = tpu.vector_load_idx %arg7[%parallel_loop3A_254] : memref<6400xf32, #tpu.memory_space<vmem>>[vector<16xi32>], vector<16xf32>,
      %parallel_loop3A_256 = arith.mulf %parallel_loop3A_186, %get3A_79 : vector<16xf32>
      %parallel_loop3A_257 = arith.addf %parallel_loop3A_255, %parallel_loop3A_256 : vector<16xf32>
      %parallel_loop3A_258 = arith.constant 256 : i32
      %parallel_loop3A_259 = arith.addi %parallel_loop3A_231, %parallel_loop3A_258 : i32
      %parallel_loop3A_260 = arith.index_cast %parallel_loop3A_259 : i32 to index
      %parallel_loop3A_261 = tpu.vector_load %arg13[%parallel_loop3A_260] {strides = array<i32>} : memref<16384xf32, #tpu.memory_space<vmem>>, vector<16xf32>,
      tpu.vector_store %arg13[%parallel_loop3A_260], %parallel_loop3A_257 {strides = array<i32>} : memref<16384xf32, #tpu.memory_space<vmem>>, vector<16xf32>,
      %parallel_loop3A_262 = arith.constant 3 : i32
      %parallel_loop3A_263 = vector.broadcast %parallel_loop3A_262 : i32 to vector<16xi32>
      %parallel_loop3A_264 = arith.addi %parallel_loop3A_182, %parallel_loop3A_263 : vector<16xi32>
      %parallel_loop3A_265 = tpu.vector_load_idx %arg7[%parallel_loop3A_264] : memref<6400xf32, #tpu.memory_space<vmem>>[vector<16xi32>], vector<16xf32>,
      %parallel_loop3A_266 = arith.mulf %parallel_loop3A_186, %get3A_85 : vector<16xf32>
      %parallel_loop3A_267 = arith.addf %parallel_loop3A_265, %parallel_loop3A_266 : vector<16xf32>
      %parallel_loop3A_268 = arith.constant 384 : i32
      %parallel_loop3A_269 = arith.addi %parallel_loop3A_231, %parallel_loop3A_268 : i32
      %parallel_loop3A_270 = arith.index_cast %parallel_loop3A_269 : i32 to index
      %parallel_loop3A_271 = tpu.vector_load %arg13[%parallel_loop3A_270] {strides = array<i32>} : memref<16384xf32, #tpu.memory_space<vmem>>, vector<16xf32>,
      tpu.vector_store %arg13[%parallel_loop3A_270], %parallel_loop3A_267 {strides = array<i32>} : memref<16384xf32, #tpu.memory_space<vmem>>, vector<16xf32>,
      %parallel_loop3A_272 = arith.constant 4 : i32
      %parallel_loop3A_273 = vector.broadcast %parallel_loop3A_272 : i32 to vector<16xi32>
      %parallel_loop3A_274 = arith.addi %parallel_loop3A_182, %parallel_loop3A_273 : vector<16xi32>
      %parallel_loop3A_275 = tpu.vector_load_idx %arg7[%parallel_loop3A_274] : memref<6400xf32, #tpu.memory_space<vmem>>[vector<16xi32>], vector<16xf32>,
      %parallel_loop3A_276 = arith.mulf %parallel_loop3A_186, %get3A_91 : vector<16xf32>
      %parallel_loop3A_277 = arith.addf %parallel_loop3A_275, %parallel_loop3A_276 : vector<16xf32>
      %parallel_loop3A_278 = arith.constant 512 : i32
      %parallel_loop3A_279 = arith.addi %parallel_loop3A_231, %parallel_loop3A_278 : i32
      %parallel_loop3A_280 = arith.index_cast %parallel_loop3A_279 : i32 to index
      %parallel_loop3A_281 = tpu.vector_load %arg13[%parallel_loop3A_280] {strides = array<i32>} : memref<16384xf32, #tpu.memory_space<vmem>>, vector<16xf32>,
      tpu.vector_store %arg13[%parallel_loop3A_280], %parallel_loop3A_277 {strides = array<i32>} : memref<16384xf32, #tpu.memory_space<vmem>>, vector<16xf32>,
      %parallel_loop3A_282 = arith.constant 5 : i32
      %parallel_loop3A_283 = vector.broadcast %parallel_loop3A_282 : i32 to vector<16xi32>
      %parallel_loop3A_284 = arith.addi %parallel_loop3A_182, %parallel_loop3A_283 : vector<16xi32>
      %parallel_loop3A_285 = tpu.vector_load_idx %arg7[%parallel_loop3A_284] : memref<6400xf32, #tpu.memory_space<vmem>>[vector<16xi32>], vector<16xf32>,
      %parallel_loop3A_286 = arith.mulf %parallel_loop3A_186, %get3A_97 : vector<16xf32>
      %parallel_loop3A_287 = arith.addf %parallel_loop3A_285, %parallel_loop3A_286 : vector<16xf32>
      %parallel_loop3A_288 = arith.constant 640 : i32
      %parallel_loop3A_289 = arith.addi %parallel_loop3A_231, %parallel_loop3A_288 : i32
      %parallel_loop3A_290 = arith.index_cast %parallel_loop3A_289 : i32 to index
      %parallel_loop3A_291 = tpu.vector_load %arg13[%parallel_loop3A_290] {strides = array<i32>} : memref<16384xf32, #tpu.memory_space<vmem>>, vector<16xf32>,
      tpu.vector_store %arg13[%parallel_loop3A_290], %parallel_loop3A_287 {strides = array<i32>} : memref<16384xf32, #tpu.memory_space<vmem>>, vector<16xf32>,
      %parallel_loop3A_292 = arith.constant 6 : i32
      %parallel_loop3A_293 = vector.broadcast %parallel_loop3A_292 : i32 to vector<16xi32>
      %parallel_loop3A_294 = arith.addi %parallel_loop3A_182, %parallel_loop3A_293 : vector<16xi32>
      %parallel_loop3A_295 = tpu.vector_load_idx %arg7[%parallel_loop3A_294] : memref<6400xf32, #tpu.memory_space<vmem>>[vector<16xi32>], vector<16xf32>,
      %parallel_loop3A_296 = arith.mulf %parallel_loop3A_186, %get3A_103 : vector<16xf32>
      %parallel_loop3A_297 = arith.addf %parallel_loop3A_295, %parallel_loop3A_296 : vector<16xf32>
      %parallel_loop3A_298 = arith.constant 768 : i32
      %parallel_loop3A_299 = arith.addi %parallel_loop3A_231, %parallel_loop3A_298 : i32
      %parallel_loop3A_300 = arith.index_cast %parallel_loop3A_299 : i32 to index
      %parallel_loop3A_301 = tpu.vector_load %arg13[%parallel_loop3A_300] {strides = array<i32>} : memref<16384xf32, #tpu.memory_space<vmem>>, vector<16xf32>,
      tpu.vector_store %arg13[%parallel_loop3A_300], %parallel_loop3A_297 {strides = array<i32>} : memref<16384xf32, #tpu.memory_space<vmem>>, vector<16xf32>,
      %parallel_loop3A_302 = arith.constant 7 : i32
      %parallel_loop3A_303 = vector.broadcast %parallel_loop3A_302 : i32 to vector<16xi32>
      %parallel_loop3A_304 = arith.addi %parallel_loop3A_182, %parallel_loop3A_303 : vector<16xi32>
      %parallel_loop3A_305 = tpu.vector_load_idx %arg7[%parallel_loop3A_304] : memref<6400xf32, #tpu.memory_space<vmem>>[vector<16xi32>], vector<16xf32>,
      %parallel_loop3A_306 = arith.mulf %parallel_loop3A_186, %get3A_109 : vector<16xf32>
      %parallel_loop3A_307 = arith.addf %parallel_loop3A_305, %parallel_loop3A_306 : vector<16xf32>
      %parallel_loop3A_308 = arith.constant 896 : i32
      %parallel_loop3A_309 = arith.addi %parallel_loop3A_231, %parallel_loop3A_308 : i32
      %parallel_loop3A_310 = arith.index_cast %parallel_loop3A_309 : i32 to index
      %parallel_loop3A_311 = tpu.vector_load %arg13[%parallel_loop3A_310] {strides = array<i32>} : memref<16384xf32, #tpu.memory_space<vmem>>, vector<16xf32>,
      tpu.vector_store %arg13[%parallel_loop3A_310], %parallel_loop3A_307 {strides = array<i32>} : memref<16384xf32, #tpu.memory_space<vmem>>, vector<16xf32>,
      %parallel_loop3A_312 = arith.constant 8 : i32
      %parallel_loop3A_313 = vector.broadcast %parallel_loop3A_312 : i32 to vector<16xi32>
      %parallel_loop3A_314 = arith.addi %parallel_loop3A_182, %parallel_loop3A_313 : vector<16xi32>
      %parallel_loop3A_315 = tpu.vector_load_idx %arg7[%parallel_loop3A_314] : memref<6400xf32, #tpu.memory_space<vmem>>[vector<16xi32>], vector<16xf32>,
      %parallel_loop3A_316 = arith.mulf %parallel_loop3A_186, %get3A_115 : vector<16xf32>
      %parallel_loop3A_317 = arith.addf %parallel_loop3A_315, %parallel_loop3A_316 : vector<16xf32>
      %parallel_loop3A_318 = arith.constant 8192 : i32
      %parallel_loop3A_319 = arith.addi %parallel_loop3A_231, %parallel_loop3A_318 : i32
      %parallel_loop3A_320 = arith.index_cast %parallel_loop3A_319 : i32 to index
      %parallel_loop3A_321 = tpu.vector_load %arg13[%parallel_loop3A_320] {strides = array<i32>} : memref<16384xf32, #tpu.memory_space<vmem>>, vector<16xf32>,
      tpu.vector_store %arg13[%parallel_loop3A_320], %parallel_loop3A_317 {strides = array<i32>} : memref<16384xf32, #tpu.memory_space<vmem>>, vector<16xf32>,
      %parallel_loop3A_322 = arith.constant 9 : i32
      %parallel_loop3A_323 = vector.broadcast %parallel_loop3A_322 : i32 to vector<16xi32>
      %parallel_loop3A_324 = arith.addi %parallel_loop3A_182, %parallel_loop3A_323 : vector<16xi32>
      %parallel_loop3A_325 = tpu.vector_load_idx %arg7[%parallel_loop3A_324] : memref<6400xf32, #tpu.memory_space<vmem>>[vector<16xi32>], vector<16xf32>,
      %parallel_loop3A_326 = arith.mulf %parallel_loop3A_186, %get3A_121 : vector<16xf32>
      %parallel_loop3A_327 = arith.addf %parallel_loop3A_325, %parallel_loop3A_326 : vector<16xf32>
      %parallel_loop3A_328 = arith.constant 8320 : i32
      %parallel_loop3A_329 = arith.addi %parallel_loop3A_231, %parallel_loop3A_328 : i32
      %parallel_loop3A_330 = arith.index_cast %parallel_loop3A_329 : i32 to index
      %parallel_loop3A_331 = tpu.vector_load %arg13[%parallel_loop3A_330] {strides = array<i32>} : memref<16384xf32, #tpu.memory_space<vmem>>, vector<16xf32>,
      tpu.vector_store %arg13[%parallel_loop3A_330], %parallel_loop3A_327 {strides = array<i32>} : memref<16384xf32, #tpu.memory_space<vmem>>, vector<16xf32>,
      %parallel_loop3A_332 = arith.constant 10 : i32
      %parallel_loop3A_333 = vector.broadcast %parallel_loop3A_332 : i32 to vector<16xi32>
      %parallel_loop3A_334 = arith.addi %parallel_loop3A_182, %parallel_loop3A_333 : vector<16xi32>
      %parallel_loop3A_335 = tpu.vector_load_idx %arg7[%parallel_loop3A_334] : memref<6400xf32, #tpu.memory_space<vmem>>[vector<16xi32>], vector<16xf32>,
      %parallel_loop3A_336 = arith.mulf %parallel_loop3A_186, %get3A_127 : vector<16xf32>
      %parallel_loop3A_337 = arith.addf %parallel_loop3A_335, %parallel_loop3A_336 : vector<16xf32>
      %parallel_loop3A_338 = arith.constant 8448 : i32
      %parallel_loop3A_339 = arith.addi %parallel_loop3A_231, %parallel_loop3A_338 : i32
      %parallel_loop3A_340 = arith.index_cast %parallel_loop3A_339 : i32 to index
      %parallel_loop3A_341 = tpu.vector_load %arg13[%parallel_loop3A_340] {strides = array<i32>} : memref<16384xf32, #tpu.memory_space<vmem>>, vector<16xf32>,
      tpu.vector_store %arg13[%parallel_loop3A_340], %parallel_loop3A_337 {strides = array<i32>} : memref<16384xf32, #tpu.memory_space<vmem>>, vector<16xf32>,
      %parallel_loop3A_342 = arith.constant 11 : i32
      %parallel_loop3A_343 = vector.broadcast %parallel_loop3A_342 : i32 to vector<16xi32>
      %parallel_loop3A_344 = arith.addi %parallel_loop3A_182, %parallel_loop3A_343 : vector<16xi32>
      %parallel_loop3A_345 = tpu.vector_load_idx %arg7[%parallel_loop3A_344] : memref<6400xf32, #tpu.memory_space<vmem>>[vector<16xi32>], vector<16xf32>,
      %parallel_loop3A_346 = arith.mulf %parallel_loop3A_186, %get3A_133 : vector<16xf32>
      %parallel_loop3A_347 = arith.addf %parallel_loop3A_345, %parallel_loop3A_346 : vector<16xf32>
      %parallel_loop3A_348 = arith.constant 8576 : i32
      %parallel_loop3A_349 = arith.addi %parallel_loop3A_231, %parallel_loop3A_348 : i32
      %parallel_loop3A_350 = arith.index_cast %parallel_loop3A_349 : i32 to index
      %parallel_loop3A_351 = tpu.vector_load %arg13[%parallel_loop3A_350] {strides = array<i32>} : memref<16384xf32, #tpu.memory_space<vmem>>, vector<16xf32>,
      tpu.vector_store %arg13[%parallel_loop3A_350], %parallel_loop3A_347 {strides = array<i32>} : memref<16384xf32, #tpu.memory_space<vmem>>, vector<16xf32>,
      %parallel_loop3A_352 = arith.constant 12 : i32
      %parallel_loop3A_353 = vector.broadcast %parallel_loop3A_352 : i32 to vector<16xi32>
      %parallel_loop3A_354 = arith.addi %parallel_loop3A_182, %parallel_loop3A_353 : vector<16xi32>
      %parallel_loop3A_355 = tpu.vector_load_idx %arg7[%parallel_loop3A_354] : memref<6400xf32, #tpu.memory_space<vmem>>[vector<16xi32>], vector<16xf32>,
      %parallel_loop3A_356 = arith.mulf %parallel_loop3A_186, %get3A_139 : vector<16xf32>
      %parallel_loop3A_357 = arith.addf %parallel_loop3A_355, %parallel_loop3A_356 : vector<16xf32>
      %parallel_loop3A_358 = arith.constant 8704 : i32
      %parallel_loop3A_359 = arith.addi %parallel_loop3A_231, %parallel_loop3A_358 : i32
      %parallel_loop3A_360 = arith.index_cast %parallel_loop3A_359 : i32 to index
      %parallel_loop3A_361 = tpu.vector_load %arg13[%parallel_loop3A_360] {strides = array<i32>} : memref<16384xf32, #tpu.memory_space<vmem>>, vector<16xf32>,
      tpu.vector_store %arg13[%parallel_loop3A_360], %parallel_loop3A_357 {strides = array<i32>} : memref<16384xf32, #tpu.memory_space<vmem>>, vector<16xf32>,
      %parallel_loop3A_362 = arith.constant 13 : i32
      %parallel_loop3A_363 = vector.broadcast %parallel_loop3A_362 : i32 to vector<16xi32>
      %parallel_loop3A_364 = arith.addi %parallel_loop3A_182, %parallel_loop3A_363 : vector<16xi32>
      %parallel_loop3A_365 = tpu.vector_load_idx %arg7[%parallel_loop3A_364] : memref<6400xf32, #tpu.memory_space<vmem>>[vector<16xi32>], vector<16xf32>,
      %parallel_loop3A_366 = arith.mulf %parallel_loop3A_186, %get3A_145 : vector<16xf32>
      %parallel_loop3A_367 = arith.addf %parallel_loop3A_365, %parallel_loop3A_366 : vector<16xf32>
      %parallel_loop3A_368 = arith.constant 8832 : i32
      %parallel_loop3A_369 = arith.addi %parallel_loop3A_231, %parallel_loop3A_368 : i32
      %parallel_loop3A_370 = arith.index_cast %parallel_loop3A_369 : i32 to index
      %parallel_loop3A_371 = tpu.vector_load %arg13[%parallel_loop3A_370] {strides = array<i32>} : memref<16384xf32, #tpu.memory_space<vmem>>, vector<16xf32>,
      tpu.vector_store %arg13[%parallel_loop3A_370], %parallel_loop3A_367 {strides = array<i32>} : memref<16384xf32, #tpu.memory_space<vmem>>, vector<16xf32>,
      %parallel_loop3A_372 = arith.constant 14 : i32
      %parallel_loop3A_373 = vector.broadcast %parallel_loop3A_372 : i32 to vector<16xi32>
      %parallel_loop3A_374 = arith.addi %parallel_loop3A_182, %parallel_loop3A_373 : vector<16xi32>
      %parallel_loop3A_375 = tpu.vector_load_idx %arg7[%parallel_loop3A_374] : memref<6400xf32, #tpu.memory_space<vmem>>[vector<16xi32>], vector<16xf32>,
      %parallel_loop3A_376 = arith.mulf %parallel_loop3A_186, %get3A_151 : vector<16xf32>
      %parallel_loop3A_377 = arith.addf %parallel_loop3A_375, %parallel_loop3A_376 : vector<16xf32>
      %parallel_loop3A_378 = arith.constant 8960 : i32
      %parallel_loop3A_379 = arith.addi %parallel_loop3A_231, %parallel_loop3A_378 : i32
      %parallel_loop3A_380 = arith.index_cast %parallel_loop3A_379 : i32 to index
      %parallel_loop3A_381 = tpu.vector_load %arg13[%parallel_loop3A_380] {strides = array<i32>} : memref<16384xf32, #tpu.memory_space<vmem>>, vector<16xf32>,
      tpu.vector_store %arg13[%parallel_loop3A_380], %parallel_loop3A_377 {strides = array<i32>} : memref<16384xf32, #tpu.memory_space<vmem>>, vector<16xf32>,
      %parallel_loop3A_382 = arith.constant 15 : i32
      %parallel_loop3A_383 = vector.broadcast %parallel_loop3A_382 : i32 to vector<16xi32>
      %parallel_loop3A_384 = arith.addi %parallel_loop3A_182, %parallel_loop3A_383 : vector<16xi32>
      %parallel_loop3A_385 = tpu.vector_load_idx %arg7[%parallel_loop3A_384] : memref<6400xf32, #tpu.memory_space<vmem>>[vector<16xi32>], vector<16xf32>,
      %parallel_loop3A_386 = arith.mulf %parallel_loop3A_186, %get3A_157 : vector<16xf32>
      %parallel_loop3A_387 = arith.addf %parallel_loop3A_385, %parallel_loop3A_386 : vector<16xf32>
      %parallel_loop3A_388 = arith.constant 9088 : i32
      %parallel_loop3A_389 = arith.addi %parallel_loop3A_231, %parallel_loop3A_388 : i32
      %parallel_loop3A_390 = arith.index_cast %parallel_loop3A_389 : i32 to index
      %parallel_loop3A_391 = tpu.vector_load %arg13[%parallel_loop3A_390] {strides = array<i32>} : memref<16384xf32, #tpu.memory_space<vmem>>, vector<16xf32>,
      tpu.vector_store %arg13[%parallel_loop3A_390], %parallel_loop3A_387 {strides = array<i32>} : memref<16384xf32, #tpu.memory_space<vmem>>, vector<16xf32>,
    } {sc.loop_unroll_factor = 2 : i64, sc.parallel_access}
    %mul3A_160 = arith.constant 16384 : i32
    %mul3A_161 = arith.muli %add3A_35, %mul3A_160 : i32
    %dma_start3A_162 = tpu.memref_slice %arg6[%mul3A_161] : memref<65536000xf32, #tpu.memory_space<hbm>> -> memref<16384xf32, #tpu.memory_space<hbm>>
    %dma_start3A_163 = tpu.memref_slice %arg6[%mul3A_161] : memref<65536000xf32, #tpu.memory_space<hbm>> -> memref<16384xf32, #tpu.memory_space<hbm>>
    tpu.enqueue_dma source(%arg13 : memref<16384xf32, #tpu.memory_space<vmem>>) target(%dma_start3A_163 : memref<16384xf32, #tpu.memory_space<hbm>>) target_semaphore(%arg15 : memref<!tpu.dma_semaphore, #tpu.memory_space<semaphore_mem>>)
    %dma_wait3A_164 = arith.constant 0 : i32
    %dma_wait3A_165 = tpu.memref_slice %arg6[%dma_wait3A_164] : memref<65536000xf32, #tpu.memory_space<hbm>> -> memref<16384xf32, #tpu.memory_space<hbm>>
    %dma_wait3A_166 = arith.constant 0 : i32
    %dma_wait3A_167 = tpu.memref_slice %arg6[%dma_wait3A_166] : memref<65536000xf32, #tpu.memory_space<hbm>> -> memref<16384xf32, #tpu.memory_space<hbm>>
    tpu.wait_dma2 semaphore(%arg15 : memref<!tpu.dma_semaphore, #tpu.memory_space<semaphore_mem>>) src(%arg13 : memref<16384xf32, #tpu.memory_space<vmem>>) dst(%dma_wait3A_167 : memref<16384xf32, #tpu.memory_space<hbm>>)
    %dma_wait3A_168 = arith.constant 0 : i32
    %dma_wait3A_169 = tpu.memref_slice %arg6[%dma_wait3A_168] : memref<65536000xf32, #tpu.memory_space<hbm>> -> memref<16384xf32, #tpu.memory_space<hbm>>
    %dma_wait3A_170 = arith.constant 0 : i32
    %dma_wait3A_171 = tpu.memref_slice %arg6[%dma_wait3A_170] : memref<65536000xf32, #tpu.memory_space<hbm>> -> memref<16384xf32, #tpu.memory_space<hbm>>
    tpu.wait_dma2 semaphore(%arg16 : memref<!tpu.dma_semaphore, #tpu.memory_space<semaphore_mem>>) src(%arg14 : memref<16384xf32, #tpu.memory_space<vmem>>) dst(%dma_wait3A_171 : memref<16384xf32, #tpu.memory_space<hbm>>)
    return
  }
}

module attributes {stable_mosaic.version = 14 : i64} {
  func.func @_prep_body(%arg0: memref<1024000xf32, #tpu.memory_space<vmem>>, %arg1: memref<1024000xi32, #tpu.memory_space<vmem>>, %arg2: memref<1024000xf32, #tpu.memory_space<vmem>>) attributes {dimension_semantics = [], scalar_prefetch = 0 : i64, scratch_operands = 0 : i64, tpu.core_type = #tpu.core_type<tc>} {
    %get3A = arith.constant 0 : index
    %get3A_0 = vector.load %arg0[%get3A] : memref<1024000xf32, #tpu.memory_space<vmem>>, vector<1024000xf32>
    %reduce_min3A = vector.shape_cast %get3A_0 : vector<1024000xf32> to vector<1x1024000xf32>
    %reduce_min3A_1 = arith.constant dense<0x7F800000> : vector<1xf32>
    %reduce_min3A_2 = vector.multi_reduction <minimumf>, %reduce_min3A, %reduce_min3A_1 [1] : vector<1x1024000xf32> to vector<1xf32>
    %reduce_min3A_3 = vector.shape_cast %reduce_min3A_2 : vector<1xf32> to vector<1x1xf32>
    %reduce_min3A_4 = vector.extract %reduce_min3A_3[0, 0] : f32 from vector<1x1xf32>
    %reduce_max3A = vector.shape_cast %get3A_0 : vector<1024000xf32> to vector<1x1024000xf32>
    %reduce_max3A_5 = arith.constant dense<0xFF800000> : vector<1xf32>
    %reduce_max3A_6 = vector.multi_reduction <maximumf>, %reduce_max3A, %reduce_max3A_5 [1] : vector<1x1024000xf32> to vector<1xf32>
    %reduce_max3A_7 = vector.shape_cast %reduce_max3A_6 : vector<1xf32> to vector<1x1xf32>
    %reduce_max3A_8 = vector.extract %reduce_max3A_7[0, 0] : f32 from vector<1x1xf32>
    %sub3A = vector.broadcast %reduce_min3A_4 : f32 to vector<1024000xf32>
    %sub3A_9 = arith.subf %get3A_0, %sub3A : vector<1024000xf32>
    %sub3A_10 = arith.subf %reduce_max3A_8, %reduce_min3A_4 : f32
    %add3A = arith.constant 9.99999993E-9 : f32
    %add3A_11 = arith.addf %sub3A_10, %add3A : f32
    %div3A = vector.broadcast %add3A_11 : f32 to vector<1024000xf32>
    %div3A_12 = arith.divf %sub3A_9, %div3A : vector<1024000xf32>
    %mul3A = arith.constant 4.900000e+01 : f32
    %mul3A_13 = vector.broadcast %mul3A : f32 to vector<1024000xf32>
    %mul3A_14 = arith.mulf %div3A_12, %mul3A_13 : vector<1024000xf32>
    %floor3A = math.floor %mul3A_14 : vector<1024000xf32>
    %convert_element_type3A = arith.fptosi %floor3A : vector<1024000xf32> to vector<1024000xi32>
    %jit3A = arith.constant 0 : i32
    %jit3A_15 = arith.constant 49 : i32
    %max3A = vector.broadcast %jit3A : i32 to vector<1024000xi32>
    %max3A_16 = arith.maxsi %max3A, %convert_element_type3A : vector<1024000xi32>
    %min3A = vector.broadcast %jit3A_15 : i32 to vector<1024000xi32>
    %min3A_17 = arith.minsi %min3A, %max3A_16 : vector<1024000xi32>
    %mul3A_18 = arith.constant 128 : i32
    %mul3A_19 = vector.broadcast %mul3A_18 : i32 to vector<1024000xi32>
    %mul3A_20 = arith.muli %min3A_17, %mul3A_19 : vector<1024000xi32>
    %swap3A = arith.constant 0 : index
    %swap3A_21 = vector.load %arg1[%swap3A] : memref<1024000xi32, #tpu.memory_space<vmem>>, vector<1024000xi32>
    tpu.vector_store %arg1[%swap3A], %mul3A_20 {strides = array<i32>} : memref<1024000xi32, #tpu.memory_space<vmem>>, vector<1024000xi32>,
    %mul3A_22 = arith.constant 1.000000e-01 : f32
    %mul3A_23 = vector.broadcast %mul3A_22 : f32 to vector<1024000xf32>
    %mul3A_24 = arith.mulf %mul3A_23, %get3A_0 : vector<1024000xf32>
    %swap3A_25 = arith.constant 0 : index
    %swap3A_26 = vector.load %arg2[%swap3A_25] : memref<1024000xf32, #tpu.memory_space<vmem>>, vector<1024000xf32>
    tpu.vector_store %arg2[%swap3A_25], %mul3A_24 {strides = array<i32>} : memref<1024000xf32, #tpu.memory_space<vmem>>, vector<1024000xf32>,
    return
  }
}

</mosaic_0001>

<sc_bundles>
// kernel: kernel.4.cloned.1.call-start
scs
__scs_entry_jumppad:
0x0: {  	(pc) =	sbr.rel $0x88, $3  }
0x1: {  	(tag) =	ssettag $0x0;
	lr =	simm.s32 $0x1  }
0x2: {  	[smem:$0x3F9E] =	sst lr;
	_ =	strace $0xD0000000  }
0x3: {  	_ = 	snop  }
0x4: {  	_ = 	snop  }
0x5: {  	_ = 	snop  }
0x6: {  	_ = 	snop  }
0x7: {  	_ = 	snop  }
__scs_overlays_trampoline_lowered:
0x8: {  	[smem:$0x3FAD] =	sst s0  }
0x9: {  	[smem:$0x3FAE] =	sst s1  }
0xa: {  	[smem:$0x3FAF] =	sst s2  }
0xb: {  	[smem:$0x3FB0] =	sst s3  }
0xc: {  	[smem:$0x3FB1] =	sst s4  }
0xd: {  	[smem:$0x3FB2] =	sst s5  }
0xe: {  	[smem:$0x3FB3] =	sst s6  }
0xf: {  	[smem:$0x3FB4] =	sst s7  }
0x10: {  	[smem:$0x3FB5] =	sst s8  }
0x11: {  	[smem:$0x3FB6] =	sst s9;
	s0 =	simm.s32 @!p0 $0x0  }
0x12: {  	s1 =	sld [smem:$0x3F9C];
	s0 =	simm.s32 @p0 $0x1  }
0x13: {  	[smem:$0x3FB7] =	sst s0;
	s0 =	simm.s32 @!p1 $0x0  }
0x14: {  	s2 =	sld [smem:$0x3F9B];
	s0 =	simm.s32 @p1 $0x1  }
0x15: {  	[smem:$0x3FB8] =	sst s0;
	s0 =	simm.s32 @!p2 $0x0  }
0x16: {  	s3 =	sld [smem:$0x3FDB];
	s0 =	simm.s32 @p2 $0x1  }
0x17: {  	s4 =	simm.s32 $0x1BF5;
	[smem:$0x3FBA] =	sst s0  }
0x18: {  	s0 =	sld [smem:$0x3F9D];
	_ =	swait.ge [sflag:s4], $0x0  }
0x19: {  	s7 =	sld [smem:$0x3F9E]  }
0x1a: {  	s8 =	sadd.s32 $0xFFFFE003, lr  }
0x1b: {  	s9 =	sadd.s32 $0xFFFFFEF7, lr;
	s5 =	simm.s32 $0xFFFFFFFF;
	p2 =	slt.u32 s8, $0xFFFFF086  }
0x1c: {  	p1 =	slt.u32 s9, $0xF7A;
	s5 =	simm.s32 @!p2 $0x0  }
0x1d: {  	s5 =	simm.s32 @p1 $0x1;
	p0 =	seq.s32 s7, s2  }
0x1e: {  	s7 =	smul.u32 @!p0 $0xF7A, s2;
	p2 =	seq.s32 @!p0 s5, $0x0  }
0x1f: {  	s9 =	smul.u32 $0xF7A, s1;
	s8 =	simm.s32 @!p0 $0x1BF5;
	p2 =	por !p2, p0  }
0x20: {  	[sflag:s8] =	ssyncset.s32 @!p0 $0xFFFFF086;
	s6 =	sadd.s32 @!p0 s3, s7;
	s7 =	simm.s32 @!p0 $0x108  }
0x21: {  	s3 =	sadd.s32 s3, s9;
	s6 =	sadd.s32 @!p0 $0x88, s6;
	s7 =	simm.s32 @p2 $0x1082  }
0x22: {  	[simem:s7], [sflag:s8] =	dma.local @!p0 [hbm:s6], $0xF7A  }
0x23: {  	s9 =	sor.u32 $0xD0000000, s2;
	s6 =	simm.s32 $0x108;
	_ =	swait.ge @!p0 [sflag:s8], $0x0  }
0x24: {  	s3 =	sadd.s32 $0x88, s3;
	s6 =	simm.s32 @!p1 $0x1082;
	[sflag:s4] =	ssyncset.s32 $0xFFFFF086  }
0x25: {  	[simem:s6], [sflag:s4] =	dma.local [hbm:s3], $0xF7A  }
0x26: {  	[smem:$0x3F9E] =	sst s1;
	(tag) =	ssettag s2;
	_ =	strace s9  }
0x27: {  	s1 =	sld [smem:$0x3FAE]  }
0x28: {  	s2 =	sld [smem:$0x3FAF]  }
0x29: {  	s4 =	sld [smem:$0x3FB1]  }
0x2a: {  	p0 =	seq.s32 s5, $0x0;
	s5 =	sld [smem:$0x3FB2]  }
0x2b: {  	s6 =	sld [smem:$0x3FB3]  }
0x2c: {  	s7 =	sld [smem:$0x3FB4]  }
0x2d: {  	s3 =	simm.s32 $0x108;
	s8 =	sld [smem:$0x3FB5]  }
0x2e: {  	s3 =	simm.s32 @!p0 $0x1082;
	s9 =	sld [smem:$0x3FB6]  }
0x2f: {  	lr =	sadd.s32 s0, s3;
	s0 =	sld [smem:$0x3FAD]  }
0x30: {  	s3 =	sld [smem:$0x3FB0]  }
0x31: {  	[smem:$0x3FB9] =	sst s10  }
0x32: {  	s10 =	sld [smem:$0x3FB7];
	_ =	sdelay $0x3  }
0x33: {  	p0 =	seq.s32 s10, $0x1;
	s10 =	sld [smem:$0x3FB9];
	_ =	sdelay $0x3  }
0x34: {  	[smem:$0x3FB9] =	sst s10  }
0x35: {  	s10 =	sld [smem:$0x3FB8];
	_ =	sdelay $0x3  }
0x36: {  	p1 =	seq.s32 s10, $0x1;
	s10 =	sld [smem:$0x3FB9];
	_ =	sdelay $0x3  }
0x37: {  	[smem:$0x3FB9] =	sst s10  }
0x38: {  	s10 =	sld [smem:$0x3FBA]  }
0x39: {  	_ = 	snop;
	(pc) =	sbr.ind lr, $3  }
0x3a: {  	_ = 	snop  }
0x3b: {  	_ = 	snop  }
0x3c: {  	p2 =	seq.s32 s10, $0x1;
	s10 =	sld [smem:$0x3FB9]  }
0x3d: {  	_ =	shalt  }
0x3e: {  	_ =	shalt  }
0x3f: {  	_ =	shalt  }
0x40: {  	_ =	shalt  }
0x41: {  	_ =	shalt  }
0x42: {  	_ =	shalt  }
0x43: {  	_ =	shalt  }
0x44: {  	_ =	shalt  }
0x45: {  	_ =	shalt  }
0x46: {  	_ =	shalt  }
0x47: {  	_ =	shalt  }
0x48: {  	_ =	shalt  }
0x49: {  	_ =	shalt  }
0x4a: {  	_ =	shalt  }
0x4b: {  	_ =	shalt  }
0x4c: {  	_ =	shalt  }
0x4d: {  	_ =	shalt  }
0x4e: {  	_ =	shalt  }
0x4f: {  	_ =	shalt  }
0x50: {  	_ =	shalt  }
0x51: {  	_ =	shalt  }
0x52: {  	_ =	shalt  }
0x53: {  	_ =	shalt  }
0x54: {  	_ =	shalt  }
0x55: {  	_ =	shalt  }
0x56: {  	_ =	shalt  }
0x57: {  	_ =	shalt  }
0x58: {  	_ =	shalt  }
0x59: {  	_ =	shalt  }
0x5a: {  	_ =	shalt  }
0x5b: {  	_ =	shalt  }
0x5c: {  	_ =	shalt  }
0x5d: {  	_ =	shalt  }
0x5e: {  	_ =	shalt  }
0x5f: {  	_ =	shalt  }
0x60: {  	_ =	shalt  }
0x61: {  	_ =	shalt  }
0x62: {  	_ =	shalt  }
0x63: {  	_ =	shalt  }
0x64: {  	_ =	shalt  }
0x65: {  	_ =	shalt  }
0x66: {  	_ =	shalt  }
0x67: {  	_ =	shalt  }
0x68: {  	_ =	shalt  }
0x69: {  	_ =	shalt  }
0x6a: {  	_ =	shalt  }
0x6b: {  	_ =	shalt  }
0x6c: {  	_ =	shalt  }
0x6d: {  	_ =	shalt  }
0x6e: {  	_ =	shalt  }
0x6f: {  	_ =	shalt  }
0x70: {  	_ =	shalt  }
0x71: {  	_ =	shalt  }
0x72: {  	_ =	shalt  }
0x73: {  	_ =	shalt  }
0x74: {  	_ =	shalt  }
0x75: {  	_ =	shalt  }
0x76: {  	_ =	shalt  }
0x77: {  	_ =	shalt  }
0x78: {  	_ =	shalt  }
0x79: {  	_ =	shalt  }
0x7a: {  	_ =	shalt  }
0x7b: {  	_ =	shalt  }
0x7c: {  	_ =	shalt  }
0x7d: {  	_ =	shalt  }
0x7e: {  	_ =	shalt  }
0x7f: {  	_ =	shalt  }
0x80: {  	_ =	shalt  }
0x81: {  	_ =	shalt  }
0x82: {  	_ =	shalt  }
0x83: {  	_ =	shalt  }
0x84: {  	_ =	shalt  }
0x85: {  	_ =	shalt  }
0x86: {  	_ =	shalt  }
0x87: {  	_ =	shalt  }
.Lfunc_end0:
.L_simem_size_0:
called_computation_lowered:
.L_overlay_start_0:
0x88: {  	s2 =	sld [smem:$0x3FD9]  }
0x89: {  	s3 =	sld [smem:$0x3FFE];
	_ =	sdelay $0x1  }
0x8a: {  	s1 =	srdreg.scid  }
0x8b: {  	s0 =	sand.u32 $0x1, s1  }
0x8c: {  	s17 =	sshll.u32 s0, $0xA;
	s2 =	sadd.s32 s3, s2  }
0x8d: {  	s2 =	sadd.s32 s2, s17  }
0x8e: {  	[smem:$0x3FC5] =	sst s2  }
0x8f: {  	_ = 	snop  }
0x90: {  	s2 =	sld [smem:$0x3FD0];
	(tm) =	ssettm $0x1  }
0x91: {  	s18 =	sld [smem:$0x3FFB];
	_ =	sdelay $0x3  }
0x92: {  	_ =	strace s18  }
0x93: {  	s3 =	sld [smem:$0x3FFC];
	_ =	sdelay $0x3  }
0x94: {  	_ =	strace s3  }
0x95: {  	s3 =	sld [smem:$0x3FFD];
	_ =	sdelay $0x3  }
0x96: {  	_ =	strace s3  }
0x97: {  	_ =	strace $0x8FFFFFFF  }
0x98: {  	s19 =	sld [smem:$0x3FDB];
	_ =	sdelay $0x1  }
0x99: {  	s4 =	simm.s32 $_scs_section_size  }
0x9a: {  	s5 =	simm.s32 $_size__tile_overlayer_lowered;
	s6 =	simm.s32 $_tile_overlayer_lowered  }
0x9b: {  	s22 =	simm.s32 $0x1BFF;
	s21 =	sshll.u32 s6, $0x1;
	s3 =	sadd.s32 s4, s19  }
0x9c: {  	s7 =	simm.s32 $0x0;
	s20 =	sshll.u32 s5, $0x1;
	s5 =	sadd.s32 s21, s3  }
0x9d: {  	[timem:s7], [sflag:s22] =	dma.local [hbm:s5], s20  }
0x9e: {  	_ =	swait.ge [sflag:s22], s20  }
0x9f: {  	s4 =	ssub.s32 $0x0, s20;
	[sflag:s22] =	ssyncset.done $0x0  }
0xa0: {  	[sflag:s22] =	ssyncadd.s32 s4;
	_ =	sdelay $0x1  }
0xa1: {  	s23 =	simm.s32 $0x1B8B  }
0xa2: {  	_ =	swait.ge [sflag:s23], $0x1  }
0xa3: {  	[sflag:s23] =	ssyncset.done $0x0  }
0xa4: {  	s25 =	simm.s32 $0x1B8E;
	s24 =	sld [smem:$0x3FFE];
	[sflag:s23] =	ssyncadd.s32 $0xFFFFFFFF  }
0xa5: {  	s26 =	simm.s32 $execute0_lowered;
	[smem:$0x3FD2] =	sst s25  }
0xa6: {  	s5 =	sshll.u32 s26, $0x1;
	_ =	strace $0x80000046;
	[dreg:$0x1] =	wrdreg $0xFFFFFFFF  }
0xa7: {  	s28 =	simm.s32 $_size_execute0_lowered;
	s3 =	sadd.s32 s3, s5;
	[dreg:$0x0] =	wrdreg $0x0  }
0xa8: {  	s5 =	sshll.u32 s28, $0x1;
	[dreg:$0x2] =	wrdreg s3  }
0xa9: {  	[dreg:$0x3] =	wrdreg s5  }
0xaa: {  	[dreg:$0x4] =	wrdreg $0xC0  }
0xab: {  	_ =	task [dreg:s7], $0x5FFFF  }
0xac: {  	[dreg:$0x1] =	wrdreg $0xFFFFFFFF  }
0xad: {  	[dreg:$0x0] =	wrdreg $0x60  }
0xae: {  	[dreg:$0x2] =	wrdreg s24  }
0xaf: {  	[dreg:$0x3] =	wrdreg s2  }
0xb0: {  	[dreg:$0x4] =	wrdreg $0x9  }
0xb1: {  	_ =	task.clear_ibuf [dreg:s7], $0x5FFFF;
	_ =	strace $0x90000046  }
0xb2: {  	s29 =	simm.s32 $0x9;
	_ =	strace $0x80000048  }
0xb3: {  	_ =	swait.ge [sflag:s29], $0x1  }
0xb4: {  	[sflag:s29] =	ssyncadd.s32 $0xFFFFFFFF  }
0xb5: {  	_ =	strace $0x90000048  }
0xb6: {  	_ =	sfence  }
0xb7: {  	s30 =	sld [smem:$0x0];
	_ =	sdelay $0x2  }
0xb8: {  	s31 =	sshll.u32 s1, $0xD;
	s1 =	sshrl.u32 s1, $0x2  }
0xb9: {  	s3 =	sand.u32 $0x4000, s31;
	s1 =	sadd.s32 s1, s30  }
0xba: {  	s0 =	sor.u32 s3, s0;
	s1 =	sshll.u32 s1, $0x11  }
0xbb: {  	s0 =	sor.u32 s1, s0  }
0xbc: {  	s0 =	sadd.s32 $0x8F2B, s0  }
0xbd: {  	[sflag:s0] =	ssyncadd.remote.s32 $0x1  }
0xbe: {  	_ =	sfence.sel $0xFFFF  }
0xbf: {  	[dreg:$0x0] =	wrdreg $0xFFFFFFFF;
	(pc) =	sbr.abs _section_cstart, $3  }
0xc0: {  	[dreg:$0x1] =	wrdreg $0xFFFFFFFF  }
0xc1: {  	_ =	task.clear_ibuf [dreg:s7], $0x2FFFF;
	_ =	strace $0x9FFFFFFF  }
0xc2: {  	(tm) =	ssettm $0x7FFFFFFF  }
0xc3: {  	_ =	shalt  }
tec
execute0_lowered:
.L_overlay_start_1:
0x0: {  	(tag) =	ssettag $0x1  }
0x1: {  	s0 =	rddreg [dreg:$0x0]  }
0x2: {  	s2 =	rddreg [dreg:$0x1];
	s3 =	simm.s32 $0x0  }
0x3: {  	s1 =	srdreg.scid;
	s4 =	stileid.u32;
	s17 =	simm.s32 $0x1D00  }
0x4: {  	s18 =	simm.s32 $0x2500;
	s19 =	simm.s32 $0x3;
	s22 =	simm.s32 $0x2D00  }
0x5: {  	s23 =	simm.s32 $0x4;
	[smem:$0x7FF] =	sst s3;
	s1 =	sand.u32 $0x1, s1  }
0x6: {  	s5 =	sshll.u32 s4, $0x1;
	s4 =	sadd.s32 $0x1200, s0;
	s7 =	sadd.s32 $0xC00, s0  }
0x7: {  	_ =	strace $0x80000047;
	s6 =	sor.u32 s1, s5;
	s5 =	sadd.s32 $0x20600, s0  }
0x8: {  	[dreg:$0x3] =	wrdreg s7;
	s25 =	ssub.s32 $0x2, s1;
	s24 =	smul.u32 $0xFA0, s6  }
0x9: {  	s0 =	sadd.s32 $0x1000, s0;
	s8 =	smul.u32 $0x7D, s6;
	s1 =	sshrl.u32 s25, $0x1  }
0xa: {  	[dreg:$0x4] =	wrdreg s0;
	s6 =	smul.u32 $0x1F4000, s6;
	s0 =	ssub.s32 s25, s1  }
0xb: {  	s7 =	sand.u32 $0x1FF80, s24;
	s29 =	sand.u32 $0x3, s8;
	s0 =	smax.u32 s0, $0x1  }
0xc: {  	s6 =	sshrl.u32 s6, $0x3;
	s26 =	sadd.s32 s4, s7;
	[dreg:$0x9] =	wrdreg s0  }
0xd: {  	s28 =	sadd.s32 s5, s7;
	s30 =	sshll.u32 s29, $0x4;
	[dreg:$0x5] =	wrdreg s26  }
0xe: {  	s1 =	sshll.u32 s29, $0x8;
	s31 =	sadd.s32 s2, s6;
	[dreg:$0x6] =	wrdreg s28  }
0xf: {  	s11 =	sadd.s32 $0x2, s8;
	[dreg:$0x7] =	wrdreg s1;
	s1 =	sadd.s32 $0x3E000, s31;
	v0 =	vmov s30  }
0x10: {  	s24 =	simm.s32 $0x6D00;
	s6 =	simm.s32 $0x0;
	[dreg:$0x8] =	wrdreg s1;
	[tilespmem:$0x1FFF0] =	vst v0  }
.LBB2_1:
0x11: {  	[dreg:$0xa] =	wrdreg s6  }
0x12: {  	s0 =	rddreg [dreg:$0x3];
	s1 =	simm.s32 $0x5  }
0x13: {  	[tilespmem:s3], [sflag:$0x5] =	stream.linear.gather [hbm4b:s0+s3], $0x1900, $0x38;
	[tilespmem:$0xAD00] =	vst v63  }
0x14: {  	_ =	swait.ge [sflag:s1], $0x1900  }
0x15: {  	[sflag:s1] =	ssyncset.done $0x0  }
0x16: {  	s28 =	simm.s32 $0x1900;
	s26 =	rddreg [dreg:$0x4];
	[sflag:s1] =	ssyncadd.s32 $0xFFFFE700  }
0x17: {  	[tilespmem:s28], [sflag:$0x5] =	stream.linear.gather [hbm4b:s26+s3], $0x400, $0x38;
	[tilespmem:$0xAD00] =	vst v63  }
0x18: {  	_ =	swait.ge [sflag:s1], $0x400  }
0x19: {  	[sflag:s1] =	ssyncset.done $0x0  }
0x1a: {  	s30 =	rddreg [dreg:$0x5];
	[sflag:s1] =	ssyncadd.s32 $0xFFFFFC00  }
0x1b: {  	[tilespmem:s17], [sflag:$0x3] =	stream.linear.gather [hbm4b:s30+s3], $0x400, $0x38;
	[tilespmem:$0xAD00] =	vst v63  }
0x1c: {  	s29 =	simm.s32 $0x0;
	s31 =	rddreg [dreg:$0x6]  }
0x1d: {  	[tilespmem:s18], [sflag:$0x3] =	stream.linear.gather [hbm4b:s31+s3], $0x400, $0x38;
	[tilespmem:$0xAD00] =	vst v63  }
.LBB2_2:
0x1e: {  	p0 =	seq.s32 s29, $0x0  }
0x1f: {  	s0 =	simm.s32 @!p0 $0x1  }
0x20: {  	_ =	swait.ge @!p0 [sflag:s0], $0x4000  }
0x21: {  	[sflag:s0] =	ssyncset.done @!p0 $0x0  }
0x22: {  	[sflag:s0] =	ssyncadd.s32 @!p0 $0xFFFFC000  }
0x23: {  	s31 =	sshll.u32 s29, $0x1;
	_ =	swait.ge [sflag:s19], $0x400  }
0x24: {  	s16 =	sadd.s32 s31, s8;
	[sflag:s19] =	ssyncset.done $0x0  }
0x25: {  	s7 =	simm.s32 $0x0;
	s30 =	sadd.s32 $0x1, s16;
	[sflag:s19] =	ssyncadd.s32 $0xFFFFFC00  }
0x26: {  	s9 =	simm.s32 $0x2100;
	s1 =	sshll.u32 s30, $0x5;
	_ =	swait.ge [sflag:s19], $0x400  }
0x27: {  	s0 =	sadd.s32 s8, s31;
	s1 =	sand.u32 $0x1FFFFF80, s1;
	[sflag:s19] =	ssyncset.done $0x0  }
0x28: {  	s6 =	sadd.s32 s4, s1;
	s20 =	sand.u32 $0x3, s0;
	[sflag:s19] =	ssyncadd.s32 $0xFFFFFC00  }
0x29: {  	[tilespmem:s9], [sflag:$0x4] =	stream.linear.gather [hbm4b:s6+s7], $0x400, $0x38;
	[tilespmem:$0xAD00] =	vst v63  }
0x2a: {  	s21 =	simm.s32 $0x2900;
	s1 =	sadd.s32 s5, s1;
	s25 =	sshll.u32 s20, $0x8  }
0x2b: {  	[tilespmem:s21], [sflag:$0x4] =	stream.linear.gather [hbm4b:s1+s7], $0x400, $0x38;
	[tilespmem:$0xAD00] =	vst v63  }
0x2c: {  	v29 =	vld [tilespmem:s25+$0x1900]  }
0x2d: {  	s26 =	simm.s32 $0x1D10;
	v28 =	vld [tilespmem:s25+$0x1910]  }
0x2e: {  	v1 =	vld [tilespmem:s26+$0x0]  }
0x2f: {  	v26 =	vld [tilespmem:s25+$0x1920]  }
0x30: {  	v25 =	vld [tilespmem:s25+$0x1930]  }
0x31: {  	v2 =	vld [tilespmem:s26+$0xFFFFFFF0]  }
0x32: {  	v23 =	vld [tilespmem:s25+$0x1940]  }
0x33: {  	s6 =	sshll.u32 s20, $0x4;
	v21 =	vld [tilespmem:s25+$0x1950];
	v3 =	vshrl.u32 v1, $0x7  }
0x34: {  	v30 =	vmov s6;
	v19 =	vld [tilespmem:s25+$0x1960];
	v11 =	vadd.s32 v1, v3  }
0x35: {  	v18 =	vld [tilespmem:s25+$0x1970];
	v42 =	vadd.s32 v30, v11  }
0x36: {  	v17 =	vld [tilespmem:s25+$0x1980];
	v1 =	vshrl.u32 v2, $0x7  }
0x37: {  	s10 =	simm.s32 $0x2510;
	v13 =	vld [tilespmem:s25+$0x1990];
	v10 =	vadd.s32 v2, v1  }
0x38: {  	v14 =	vld [tilespmem:s10+$0x0];
	v39 =	vadd.s32 v30, v10  }
0x39: {  	v12 =	vld [tilespmem:s25+$0x19A0]  }
0x3a: {  	v1 =	vld.idx.msk [tilespmem:v42+s3+$0x0], $0xffff  }
0x3b: {  	v38 =	vld [tilespmem:s10+$0xFFFFFFF0]  }
0x3c: {  	v9 =	vld [tilespmem:s25+$0x19B0]  }
0x3d: {  	v6 =	vmul.f32 v14, v29;
	v7 =	vadd.s32 $0x1, v42;
	v4 =	vld.idx.msk [tilespmem:v39+s3+$0x0], $0xffff  }
0x3e: {  	s12 =	simm.s32 $0x10;
	s7 =	sand.u32 $0x1C00, s7;
	v5 =	vld [tilespmem:s25+$0x19C0]  }
0x3f: {  	s6 =	sand.u32 $0x70, s12;
	s7 =	sadd.s32 $0x2D00, s7;
	v0 =	vld [tilespmem:s25+$0x19F0];
	v6 =	vadd.f32 v6, v1  }
0x40: {  	s9 =	sor.u32 s6, s7;
	v8 =	vmul.f32 v38, v29;
	v3 =	vld [tilespmem:s25+$0x19D0];
	v15 =	vadd.s32 $0x1, v39  }
0x41: {  	s13 =	simm.s32 $0x0;
	v2 =	vld [tilespmem:s25+$0x19E0];
	[tilespmem:s9+$0x0] =	vst v6  }
0x42: {  	s1 =	sand.u32 $0x60, s13;
	v4 =	vadd.f32 v8, v4;
	v6 =	vld.idx.msk [tilespmem:v7+s3+$0x0], $0xffff  }
0x43: {  	s6 =	sor.u32 s1, s7  }
0x44: {  	[tilespmem:s6+$0x0] =	vst v4  }
0x45: {  	v8 =	vadd.s32 $0x2, v42;
	v7 =	vmul.f32 v14, v28;
	v4 =	vld.idx.msk [tilespmem:v15+s3+$0x0], $0xffff;
	_ =	sdelay $0x1  }
0x46: {  	v6 =	vadd.f32 v6, v7  }
0x47: {  	v15 =	vadd.s32 $0x2, v39;
	v7 =	vmul.f32 v38, v28  }
0x48: {  	[tilespmem:s9+$0x80] =	vst v6  }
0x49: {  	v4 =	vadd.f32 v4, v7;
	v6 =	vld.idx.msk [tilespmem:v8+s3+$0x0], $0xffff  }
0x4a: {  	s14 =	simm.s32 $0x1D30  }
0x4b: {  	v7 =	vld [tilespmem:s14+$0x0];
	[tilespmem:s6+$0x80] =	vst v4  }
0x4c: {  	v8 =	vmul.f32 v14, v26;
	v4 =	vld.idx.msk [tilespmem:v15+s3+$0x0], $0xffff;
	v15 =	vadd.s32 $0x3, v42;
	_ =	sdelay $0x1  }
0x4d: {  	v6 =	vadd.f32 v6, v8  }
0x4e: {  	v16 =	vmul.f32 v38, v26;
	v22 =	vadd.s32 $0x3, v39;
	v8 =	vld [tilespmem:s14+$0xFFFFFFF0]  }
0x4f: {  	[tilespmem:s9+$0x100] =	vst v6  }
0x50: {  	v4 =	vadd.f32 v4, v16;
	v6 =	vshrl.u32 v7, $0x7;
	v15 =	vld.idx.msk [tilespmem:v15+s3+$0x0], $0xffff  }
0x51: {  	v20 =	vadd.s32 v7, v6  }
0x52: {  	[tilespmem:s6+$0x100] =	vst v4;
	v7 =	vadd.s32 v30, v20  }
0x53: {  	v24 =	vmul.f32 v14, v25;
	v16 =	vadd.s32 $0x4, v42;
	v4 =	vshrl.u32 v8, $0x7;
	v27 =	vld.idx.msk [tilespmem:v22+s3+$0x0], $0xffff  }
0x54: {  	s15 =	simm.s32 $0x2530;
	v22 =	vadd.s32 v8, v4  }
0x55: {  	v4 =	vld [tilespmem:s15+$0x0];
	v6 =	vadd.s32 v30, v22;
	v15 =	vadd.f32 v15, v24  }
0x56: {  	v31 =	vadd.s32 $0x4, v39;
	v8 =	vld [tilespmem:s15+$0xFFFFFFF0];
	v24 =	vmul.f32 v38, v25  }
0x57: {  	[tilespmem:s9+$0x180] =	vst v15;
	v15 =	vld.idx.msk [tilespmem:v7+s3+$0x0], $0xffff  }
0x58: {  	v24 =	vadd.f32 v27, v24;
	v16 =	vld.idx.msk [tilespmem:v16+s3+$0x0], $0xffff;
	_ =	sdelay $0x1  }
0x59: {  	s16 =	simm.s32 $0x100;
	v32 =	vadd.s32 $0x1, v7;
	v27 =	vmul.f32 v4, v29;
	[tilespmem:s6+$0x180] =	vst v24;
	v24 =	vld.idx.msk [tilespmem:v6+s3+$0x0], $0xffff  }
0x5a: {  	s20 =	simm.s32 $0x30;
	s1 =	sand.u32 $0x1C00, s16;
	v33 =	vmul.f32 v14, v23;
	v34 =	vadd.s32 $0x5, v42;
	v31 =	vld.idx.msk [tilespmem:v31+s3+$0x0], $0xffff  }
0x5b: {  	s21 =	sand.u32 $0x70, s20;
	s10 =	sadd.s32 $0x2D00, s1;
	v15 =	vadd.f32 v27, v15  }
0x5c: {  	s1 =	sor.u32 s21, s10;
	v53 =	vadd.s32 $0x1, v6;
	v27 =	vmul.f32 v8, v29;
	v16 =	vadd.f32 v16, v33  }
0x5d: {  	v35 =	vmul.f32 v38, v23;
	s25 =	simm.s32 $0x20;
	[tilespmem:s1+$0x0] =	vst v15;
	v15 =	vadd.s32 $0x5, v39  }
0x5e: {  	s7 =	sand.u32 $0x60, s25;
	[tilespmem:s9+$0x200] =	vst v16;
	v16 =	vadd.f32 v27, v24;
	v24 =	vld.idx.msk [tilespmem:v32+s3+$0x0], $0xffff  }
0x5f: {  	s16 =	sor.u32 s7, s10;
	v31 =	vadd.f32 v31, v35;
	v27 =	vld.idx.msk [tilespmem:v34+s3+$0x0], $0xffff  }
0x60: {  	[tilespmem:s16+$0x0] =	vst v16  }
0x61: {  	v54 =	vadd.s32 $0x2, v7;
	[tilespmem:s6+$0x200] =	vst v31;
	v31 =	vmul.f32 v4, v28;
	v16 =	vld.idx.msk [tilespmem:v53+s3+$0x0], $0xffff  }
0x62: {  	v55 =	vmul.f32 v14, v21;
	v56 =	vadd.s32 $0x6, v42;
	v15 =	vld.idx.msk [tilespmem:v15+s3+$0x0], $0xffff  }
0x63: {  	v24 =	vadd.f32 v24, v31  }
0x64: {  	v57 =	vadd.s32 $0x2, v6;
	v31 =	vmul.f32 v8, v28;
	v27 =	vadd.f32 v27, v55  }
0x65: {  	v58 =	vadd.s32 $0x6, v39;
	[tilespmem:s1+$0x80] =	vst v24;
	v24 =	vmul.f32 v38, v21  }
0x66: {  	[tilespmem:s9+$0x280] =	vst v27;
	v16 =	vadd.f32 v16, v31;
	v27 =	vld.idx.msk [tilespmem:v54+s3+$0x0], $0xffff  }
0x67: {  	s26 =	simm.s32 $0x1D50;
	v31 =	vld.idx.msk [tilespmem:v56+s3+$0x0], $0xffff;
	v15 =	vadd.f32 v15, v24  }
0x68: {  	v24 =	vld [tilespmem:s26+$0x0];
	[tilespmem:s16+$0x80] =	vst v16  }
0x69: {  	v16 =	vld.idx.msk [tilespmem:v57+s3+$0x0], $0xffff;
	[tilespmem:s6+$0x280] =	vst v15;
	v15 =	vmul.f32 v4, v26  }
0x6a: {  	v60 =	vmul.f32 v14, v19;
	v59 =	vadd.s32 $0x3, v7;
	v35 =	vld.idx.msk [tilespmem:v58+s3+$0x0], $0xffff  }
0x6b: {  	v15 =	vadd.f32 v27, v15  }
0x6c: {  	v36 =	vld [tilespmem:s26+$0xFFFFFFF0];
	v61 =	vadd.s32 $0x7, v42;
	v27 =	vadd.f32 v31, v60;
	v31 =	vmul.f32 v8, v26  }
0x6d: {  	v62 =	vadd.s32 $0x3, v6;
	[tilespmem:s1+$0x100] =	vst v15;
	v15 =	vmul.f32 v38, v19  }
0x6e: {  	v37 =	vadd.s32 $0x7, v39;
	v16 =	vadd.f32 v16, v31  }
0x6f: {  	[tilespmem:s9+$0x300] =	vst v27;
	v27 =	vld.idx.msk [tilespmem:v59+s3+$0x0], $0xffff;
	v31 =	vshrl.u32 v24, $0x7;
	v15 =	vadd.f32 v35, v15  }
0x70: {  	v11 =	vand.u32 $0x7, v11;
	v44 =	vmul.f32 v4, v25;
	v1 =	vadd.s32 v24, v31;
	[tilespmem:s16+$0x100] =	vst v16  }
0x71: {  	v63 =	vld.idx.msk [tilespmem:v61+s3+$0x0], $0xffff;
	v24 =	vand.u32 $0xFFFFFFF8, v42;
	v16 =	vadd.s32 v30, v1;
	[tilespmem:s6+$0x300] =	vst v15;
	v15 =	vshrl.u32 v36, $0x7  }
0x72: {  	v31 =	vadd.s32 $0x4, v7;
	v11 =	vor.u32 v11, v24;
	v24 =	vld.idx.msk [tilespmem:v62+s3+$0x0], $0xffff;
	v15 =	vadd.s32 v36, v15  }
0x73: {  	v45 =	vmul.f32 v14, v18;
	v48 =	vand.u32 $0x7, v10;
	s10 =	simm.s32 $0x2550;
	v46 =	vld.idx.msk [tilespmem:v37+s3+$0x0], $0xffff;
	[tilespmem:$0x1FFD0] =	vst v15  }
0x74: {  	v40 =	vand.u32 $0xFFFFFFF8, v39;
	v47 =	vadd.s32 $0x8, v11;
	v27 =	vadd.f32 v27, v44;
	v11 =	vld [tilespmem:s10+$0x0]  }
0x75: {  	v49 =	vor.u32 v48, v40;
	v15 =	vadd.s32 v30, v15  }
0x76: {  	v51 =	vadd.s32 $0x4, v6;
	v50 =	vmul.f32 v8, v25;
	v32 =	vadd.f32 v63, v45;
	[tilespmem:s1+$0x180] =	vst v27;
	v27 =	vld.idx.msk [tilespmem:v16+s3+$0x0], $0xffff  }
0x77: {  	v52 =	vmul.f32 v38, v18;
	v33 =	vadd.s32 $0x8, v49;
	v31 =	vld.idx.msk [tilespmem:v31+s3+$0x0], $0xffff  }
0x78: {  	v10 =	vld [tilespmem:s10+$0xFFFFFFF0];
	[tilespmem:s9+$0x380] =	vst v32;
	v24 =	vadd.f32 v24, v50  }
0x79: {  	s12 =	simm.s32 $0x200;
	v55 =	vadd.s32 $0x1, v16;
	v32 =	vld.idx.msk [tilespmem:v47+s3+$0x0], $0xffff;
	v53 =	vadd.f32 v46, v52;
	v54 =	vmul.f32 v11, v29  }
0x7a: {  	s13 =	simm.s32 $0x50;
	s7 =	sand.u32 $0x1C00, s12;
	v41 =	vadd.s32 $0x5, v7;
	v56 =	vmul.f32 v4, v23;
	[tilespmem:s16+$0x180] =	vst v24;
	v24 =	vld.idx.msk [tilespmem:v15+s3+$0x0], $0xffff  }
0x7b: {  	s12 =	sadd.s32 $0x2D00, s7;
	s14 =	sand.u32 $0x70, s13;
	[tilespmem:s6+$0x380] =	vst v53;
	v57 =	vld.idx.msk [tilespmem:v51+s3+$0x0], $0xffff;
	v27 =	vadd.f32 v54, v27  }
0x7c: {  	v43 =	vadd.s32 $0x9, v42;
	s7 =	sor.u32 s14, s12;
	v58 =	vmul.f32 v14, v17;
	v33 =	vld.idx.msk [tilespmem:v33+s3+$0x0], $0xffff;
	v31 =	vadd.f32 v31, v56  }
0x7d: {  	v60 =	vadd.s32 $0x1, v15;
	v59 =	vmul.f32 v10, v29;
	[tilespmem:s7+$0x0] =	vst v27  }
0x7e: {  	s15 =	simm.s32 $0x40;
	v32 =	vadd.f32 v32, v58;
	v27 =	vmul.f32 v8, v23;
	[tilespmem:s1+$0x200] =	vst v31;
	v31 =	vadd.s32 $0x5, v6;
	v61 =	vld.idx.msk [tilespmem:v55+s3+$0x0], $0xffff  }
0x7f: {  	v62 =	vmul.f32 v38, v17;
	s10 =	sand.u32 $0x60, s15;
	v24 =	vadd.f32 v59, v24;
	v63 =	vld.idx.msk [tilespmem:v41+s3+$0x0], $0xffff  }
0x80: {  	v45 =	vadd.s32 $0x9, v39;
	s10 =	sor.u32 s10, s12;
	[tilespmem:s9+$0x2000] =	vst v32;
	v27 =	vadd.f32 v57, v27  }
0x81: {  	v47 =	vadd.s32 $0x2, v16;
	v46 =	vmul.f32 v11, v28;
	v32 =	vld.idx.msk [tilespmem:v43+s3+$0x0], $0xffff;
	[tilespmem:s10+$0x0] =	vst v24;
	v24 =	vadd.f32 v33, v62  }
0x82: {  	v48 =	vmul.f32 v4, v21;
	v49 =	vadd.s32 $0x6, v7;
	[tilespmem:s16+$0x200] =	vst v27;
	v27 =	vld.idx.msk [tilespmem:v60+s3+$0x0], $0xffff  }
0x83: {  	s20 =	simm.s32 $0x1D70;
	[tilespmem:s6+$0x2000] =	vst v24;
	v24 =	vld.idx.msk [tilespmem:v31+s3+$0x0], $0xffff;
	v33 =	vadd.f32 v61, v46  }
0x84: {  	v50 =	vadd.s32 $0xA, v42;
	v43 =	vld [tilespmem:s20+$0x0];
	v31 =	vmul.f32 v14, v13;
	v35 =	vadd.f32 v63, v48  }
0x85: {  	v52 =	vmul.f32 v10, v28;
	v53 =	vadd.s32 $0x2, v15;
	v51 =	vld.idx.msk [tilespmem:v45+s3+$0x0], $0xffff;
	[tilespmem:s7+$0x80] =	vst v33  }
0x86: {  	v54 =	vmul.f32 v8, v21;
	v55 =	vadd.s32 $0x6, v6;
	v31 =	vadd.f32 v32, v31;
	[tilespmem:s1+$0x280] =	vst v35;
	v34 =	vld.idx.msk [tilespmem:v47+s3+$0x0], $0xffff  }
0x87: {  	v20 =	vand.u32 $0x7, v20;
	v56 =	vmul.f32 v38, v13;
	v35 =	vld.idx.msk [tilespmem:v49+s3+$0x0], $0xffff;
	v27 =	vadd.f32 v27, v52  }
0x88: {  	v59 =	vmul.f32 v11, v26;
	v57 =	vadd.s32 $0xA, v39;
	v61 =	vld [tilespmem:s20+$0xFFFFFFF0];
	[tilespmem:s9+$0x2080] =	vst v31;
	v24 =	vadd.f32 v24, v54  }
0x89: {  	v62 =	vmul.f32 v38, v12;
	v60 =	vadd.s32 $0x3, v16;
	v48 =	vmul.f32 v14, v12;
	v58 =	vld.idx.msk [tilespmem:v50+s3+$0x0], $0xffff;
	[tilespmem:s10+$0x80] =	vst v27  }
0x8a: {  	v45 =	vadd.s32 $0xB, v39;
	v27 =	vadd.f32 v51, v56;
	v41 =	vld.idx.msk [tilespmem:v53+s3+$0x0], $0xffff;
	[tilespmem:s16+$0x280] =	vst v24;
	v24 =	vmul.f32 v4, v19  }
0x8b: {  	v63 =	vadd.s32 $0x7, v6;
	v47 =	vadd.s32 $0x7, v7;
	v33 =	vld.idx.msk [tilespmem:v55+s3+$0x0], $0xffff;
	v34 =	vadd.f32 v34, v59  }
0x8c: {  	v49 =	vadd.s32 $0xB, v42;
	v50 =	vmul.f32 v10, v26;
	[tilespmem:s6+$0x2080] =	vst v27;
	v24 =	vadd.f32 v35, v24  }
0x8d: {  	v51 =	vadd.s32 $0x3, v15;
	v56 =	vadd.s32 $0x4, v16;
	v27 =	vand.u32 $0xFFFFFFF8, v7;
	v40 =	vld.idx.msk [tilespmem:v57+s3+$0x0], $0xffff;
	[tilespmem:s7+$0x100] =	vst v34  }
0x8e: {  	s21 =	simm.s32 $0x2570;
	v55 =	vand.u32 $0x7, v22;
	v32 =	vadd.f32 v58, v48;
	[tilespmem:s1+$0x300] =	vst v24;
	v24 =	vmul.f32 v8, v19;
	v37 =	vld.idx.msk [tilespmem:v60+s3+$0x0], $0xffff  }
0x8f: {  	v22 =	vld [tilespmem:s21+$0xFFFFFFF0];
	v57 =	vshrl.u32 v43, $0x7;
	v20 =	vor.u32 v20, v27;
	v54 =	vadd.f32 v41, v50  }
0x90: {  	v27 =	vshrl.u32 v61, $0x7;
	v58 =	vmul.f32 v11, v25;
	v47 =	vld.idx.msk [tilespmem:v47+s3+$0x0], $0xffff;
	[tilespmem:s9+$0x2100] =	vst v32;
	v24 =	vadd.f32 v33, v24  }
0x91: {  	v36 =	vadd.s32 v61, v27;
	v34 =	vadd.s32 v43, v57;
	v60 =	vadd.s32 $0x8, v20;
	v20 =	vld [tilespmem:s21+$0x0];
	[tilespmem:s10+$0x100] =	vst v54  }
0x92: {  	v49 =	vld.idx.msk [tilespmem:v49+s3+$0x0], $0xffff;
	v59 =	vadd.f32 v40, v62;
	[tilespmem:s16+$0x300] =	vst v24;
	v24 =	vadd.s32 v30, v34  }
0x93: {  	v31 =	vand.u32 $0xFFFFFFF8, v6;
	v27 =	vadd.s32 v30, v36;
	v43 =	vld.idx.msk [tilespmem:v51+s3+$0x0], $0xffff;
	v37 =	vadd.f32 v37, v58  }
0x94: {  	v52 =	vmul.f32 v4, v18;
	v31 =	vor.u32 v55, v31;
	v35 =	vld.idx.msk [tilespmem:v63+s3+$0x0], $0xffff;
	[tilespmem:s6+$0x2100] =	vst v59  }
0x95: {  	v53 =	vadd.s32 $0x8, v31;
	v31 =	vand.u32 $0xFFFFFFF8, v15;
	v45 =	vld.idx.msk [tilespmem:v45+s3+$0x0], $0xffff;
	[tilespmem:s7+$0x180] =	vst v37  }
0x96: {  	v57 =	vadd.s32 $0x4, v15;
	v63 =	vmul.f32 v10, v25;
	v62 =	vadd.f32 v47, v52;
	v54 =	vld.idx.msk [tilespmem:v56+s3+$0x0], $0xffff;
	[tilespmem:$0x1FFE0] =	vst v31  }
0x97: {  	v61 =	vmul.f32 v14, v9;
	v58 =	vmul.f32 v8, v18;
	v41 =	vld.idx.msk [tilespmem:v24+s3+$0x0], $0xffff  }
0x98: {  	v50 =	vadd.s32 $0xC, v39;
	v59 =	vadd.f32 v43, v63;
	v43 =	vadd.s32 $0xC, v42;
	[tilespmem:s1+$0x380] =	vst v62;
	v52 =	vld.idx.msk [tilespmem:v27+s3+$0x0], $0xffff  }
0x99: {  	v35 =	vadd.f32 v35, v58;
	v40 =	vld.idx.msk [tilespmem:v60+s3+$0x0], $0xffff;
	v60 =	vadd.f32 v49, v61;
	v61 =	vmul.f32 v38, v9  }
0x9a: {  	v62 =	vmul.f32 v11, v23;
	[tilespmem:s10+$0x180] =	vst v59  }
0x9b: {  	s15 =	simm.s32 $0x300;
	v55 =	vadd.s32 $0x5, v16;
	v63 =	vmul.f32 v20, v29;
	[tilespmem:s16+$0x380] =	vst v35;
	v35 =	vld.idx.msk [tilespmem:v57+s3+$0x0], $0xffff;
	v45 =	vadd.f32 v45, v61  }
0x9c: {  	s26 =	simm.s32 $0x70;
	s25 =	sand.u32 $0x1C00, s15;
	v56 =	vadd.s32 $0x1, v24;
	v57 =	vmul.f32 v22, v29;
	[tilespmem:s9+$0x2180] =	vst v60;
	v53 =	vld.idx.msk [tilespmem:v53+s3+$0x0], $0xffff;
	v60 =	vadd.f32 v54, v62  }
0x9d: {  	s14 =	simm.s32 $0x60;
	s13 =	sand.u32 $0x70, s26;
	s12 =	sadd.s32 $0x2D00, s25;
	v61 =	vmul.f32 v4, v17;
	v54 =	vadd.s32 $0x9, v7;
	v43 =	vld.idx.msk [tilespmem:v43+s3+$0x0], $0xffff;
	v41 =	vadd.f32 v63, v41;
	[tilespmem:s6+$0x2180] =	vst v45  }
0x9e: {  	s14 =	sand.u32 $0x60, s14;
	s25 =	simm.s32 $0x1D90;
	s13 =	sor.u32 s13, s12;
	v58 =	vmul.f32 v10, v23;
	v62 =	vadd.s32 $0x1, v27;
	v63 =	vadd.f32 v57, v52;
	[tilespmem:s7+$0x200] =	vst v60;
	v49 =	vld.idx.msk [tilespmem:v50+s3+$0x0], $0xffff  }
0x9f: {  	s14 =	sor.u32 s14, s12;
	v51 =	vadd.s32 $0x5, v15;
	v40 =	vadd.f32 v40, v61;
	v50 =	vld [tilespmem:s25+$0xFFFFFFF0];
	[tilespmem:s13+$0x0] =	vst v41  }
0xa0: {  	v47 =	vmul.f32 v8, v17;
	v52 =	vld.idx.msk [tilespmem:v55+s3+$0x0], $0xffff;
	v60 =	vadd.f32 v35, v58;
	v58 =	vadd.s32 $0x9, v6;
	[tilespmem:s14+$0x0] =	vst v63  }
0xa1: {  	v48 =	vmul.f32 v10, v21;
	v61 =	vmul.f32 v14, v5;
	v55 =	vadd.s32 $0xD, v42;
	v56 =	vld.idx.msk [tilespmem:v56+s3+$0x0], $0xffff;
	[tilespmem:s1+$0x2000] =	vst v40  }
0xa2: {  	v59 =	vadd.s32 $0xD, v39;
	v47 =	vadd.f32 v53, v47;
	v53 =	vld.idx.msk [tilespmem:v54+s3+$0x0], $0xffff;
	v54 =	vmul.f32 v38, v5;
	[tilespmem:$0x1FFB0] =	vst v0  }
0xa3: {  	v57 =	vmul.f32 v11, v21;
	v43 =	vadd.f32 v43, v61;
	[tilespmem:s10+$0x200] =	vst v60;
	v45 =	vld.idx.msk [tilespmem:v62+s3+$0x0], $0xffff  }
0xa4: {  	v60 =	vadd.s32 $0x6, v16;
	[tilespmem:s16+$0x2000] =	vst v47;
	v47 =	vmul.f32 v20, v28;
	v51 =	vld.idx.msk [tilespmem:v51+s3+$0x0], $0xffff;
	v49 =	vadd.f32 v49, v54  }
0xa5: {  	v61 =	vadd.s32 $0x2, v24;
	v62 =	vmul.f32 v4, v13;
	[tilespmem:s9+$0x2200] =	vst v43;
	v43 =	vadd.f32 v52, v57;
	v52 =	vld.idx.msk [tilespmem:v58+s3+$0x0], $0xffff  }
0xa6: {  	v63 =	vmul.f32 v22, v28;
	v57 =	vadd.s32 $0xA, v7;
	v55 =	vld.idx.msk [tilespmem:v55+s3+$0x0], $0xffff;
	v47 =	vadd.f32 v56, v47;
	[tilespmem:s6+$0x2200] =	vst v49  }
0xa7: {  	v44 =	vadd.s32 $0xE, v39;
	v35 =	vmul.f32 v38, v0;
	[tilespmem:s7+$0x280] =	vst v43;
	v43 =	vadd.f32 v53, v62;
	v53 =	vld.idx.msk [tilespmem:v59+s3+$0x0], $0xffff  }
0xa8: {  	v41 =	vadd.s32 $0xF, v42;
	v40 =	vadd.s32 $0xF, v39;
	v62 =	vld [tilespmem:s25+$0x0];
	[tilespmem:s13+$0x80] =	vst v47;
	v45 =	vadd.f32 v45, v63  }
0xa9: {  	v39 =	vmul.f32 v14, v3;
	v58 =	vadd.s32 $0x2, v27;
	v59 =	vld.idx.msk [tilespmem:v60+s3+$0x0], $0xffff;
	v60 =	vmul.f32 v8, v13;
	[tilespmem:s1+$0x2080] =	vst v43  }
0xaa: {  	v54 =	vadd.s32 $0x6, v15;
	v49 =	vmul.f32 v38, v2;
	v56 =	vld.idx.msk [tilespmem:v61+s3+$0x0], $0xffff;
	v47 =	vadd.f32 v51, v48;
	[tilespmem:s14+$0x80] =	vst v45  }
0xab: {  	v38 =	vmul.f32 v38, v3;
	v61 =	vadd.s32 $0xA, v6;
	v51 =	vld.idx.msk [tilespmem:v57+s3+$0x0], $0xffff;
	v45 =	vadd.f32 v52, v60;
	[tilespmem:$0x1FFC0] =	vst v2  }
0xac: {  	v42 =	vadd.s32 $0xE, v42;
	v55 =	vadd.f32 v55, v39;
	[tilespmem:s10+$0x280] =	vst v47;
	v47 =	vmul.f32 v11, v19  }
0xad: {  	v48 =	vmul.f32 v20, v26;
	[tilespmem:s16+$0x2080] =	vst v45;
	v38 =	vadd.f32 v53, v38  }
0xae: {  	v52 =	vld.idx.msk [tilespmem:v58+s3+$0x0], $0xffff;
	[tilespmem:s9+$0x2280] =	vst v55;
	v53 =	vadd.f32 v59, v47  }
0xaf: {  	v39 =	vld.idx.msk [tilespmem:v54+s3+$0x0], $0xffff;
	v54 =	vmul.f32 v4, v12;
	v55 =	vadd.f32 v56, v48;
	[tilespmem:s6+$0x2280] =	vst v38  }
0xb0: {  	v33 =	vmul.f32 v4, v9;
	v58 =	vadd.s32 $0x7, v16;
	v45 =	vld.idx.msk [tilespmem:v61+s3+$0x0], $0xffff;
	[tilespmem:s7+$0x300] =	vst v53  }
0xb1: {  	v32 =	vmul.f32 v20, v9;
	v60 =	vadd.s32 $0x3, v24;
	v48 =	vld.idx.msk [tilespmem:v42+s3+$0x0], $0xffff;
	v51 =	vadd.f32 v51, v54;
	[tilespmem:s13+$0x100] =	vst v55  }
0xb2: {  	v37 =	vand.u32 $0xFFFFFFF8, v27;
	v31 =	vmul.f32 v11, v9;
	v61 =	vadd.s32 $0xB, v7;
	v0 =	vld [tilespmem:$0x1FFD0]  }
0xb3: {  	v63 =	vmul.f32 v14, v2;
	v43 =	vadd.s32 $0xB, v6;
	v57 =	vand.u32 $0xFFFFFFF8, v16;
	v46 =	vld.idx.msk [tilespmem:v44+s3+$0x0], $0xffff;
	[tilespmem:s1+$0x2100] =	vst v51  }
0xb4: {  	v42 =	vmul.f32 v22, v26;
	v38 =	vadd.s32 $0x3, v27;
	v55 =	vand.u32 $0x7, v1;
	v1 =	vld [tilespmem:$0x1FFE0]  }
0xb5: {  	v47 =	vmul.f32 v8, v12;
	v44 =	vmul.f32 v10, v19;
	v53 =	vadd.s32 $0x7, v15;
	v54 =	vld.idx.msk [tilespmem:v58+s3+$0x0], $0xffff  }
0xb6: {  	v42 =	vadd.f32 v52, v42;
	v59 =	vld.idx.msk [tilespmem:v60+s3+$0x0], $0xffff;
	v51 =	vshrl.u32 v62, $0x7;
	v57 =	vor.u32 v55, v57  }
0xb7: {  	s28 =	simm.s32 $0x2590;
	v55 =	vshrl.u32 v50, $0x7;
	v60 =	vand.u32 $0x7, v0;
	v0 =	vadd.f32 v39, v44;
	v44 =	vld.idx.msk [tilespmem:v61+s3+$0x0], $0xffff  }
0xb8: {  	v56 =	vmul.f32 v11, v18;
	v51 =	vadd.s32 v62, v51;
	v55 =	vadd.s32 v50, v55;
	[tilespmem:s14+$0x100] =	vst v42;
	v39 =	vld [tilespmem:s28+$0xFFFFFFF0]  }
0xb9: {  	v58 =	vadd.s32 $0x4, v24;
	v48 =	vadd.f32 v48, v63;
	v52 =	vor.u32 v60, v1;
	v60 =	vld.idx.msk [tilespmem:v38+s3+$0x0], $0xffff;
	[tilespmem:s10+$0x300] =	vst v0  }
0xba: {  	s12 =	simm.s32 $0x8;
	v49 =	vadd.f32 v46, v49;
	v61 =	vmul.f32 v20, v25;
	v38 =	vadd.s32 v30, v51;
	v53 =	vld.idx.msk [tilespmem:v53+s3+$0x0], $0xffff  }
.LBB2_3:
0xbb: {  	v0 =	vld [tilespmem:s28+$0x0];
	v45 =	vadd.f32 v45, v47;
	[tilespmem:s9+$0x2300] =	vst v48  }
0xbc: {  	v46 =	vadd.s32 v30, v55;
	v42 =	vmov v10;
	v1 =	vld [tilespmem:$0x1FFB0];
	[tilespmem:s6+$0x2300] =	vst v49  }
0xbd: {  	v10 =	vmovc v22;
	v50 =	vmov v34;
	v63 =	vadd.s32 $0x8, v57;
	v22 =	vadd.f32 v59, v61;
	v41 =	vld.idx.msk [tilespmem:v41+s3+$0x0], $0xffff;
	[tilespmem:s16+$0x2100] =	vst v45  }
0xbe: {  	v34 =	vmovc v51;
	v52 =	vadd.s32 $0x8, v52;
	v54 =	vadd.f32 v54, v56;
	v59 =	vmul.f32 v10, v25;
	v40 =	vld.idx.msk [tilespmem:v40+s3+$0x0], $0xffff  }
0xbf: {  	v62 =	vadd.s32 $0xC, v7;
	v45 =	vadd.s32 $0x4, v27;
	v43 =	vld.idx.msk [tilespmem:v43+s3+$0x0], $0xffff;
	v44 =	vadd.f32 v44, v33;
	v33 =	vmovc v31;
	[tilespmem:s13+$0x180] =	vst v22  }
0xc0: {  	v22 =	vmul.f32 v42, v18;
	v31 =	vmov v32;
	v49 =	vadd.f32 v60, v59;
	v60 =	vld.idx.msk [tilespmem:v58+s3+$0x0], $0xffff;
	[tilespmem:s7+$0x380] =	vst v54  }
0xc1: {  	v61 =	vmul.f32 v14, v1;
	v14 =	vmovc v4;
	v32 =	vmul.f32 v0, v9;
	v4 =	vmovc v11;
	v11 =	vmov v20  }
0xc2: {  	v20 =	vmovc v0;
	v0 =	vmov v7;
	v54 =	vadd.s32 $0x5, v24;
	v56 =	vld.idx.msk [tilespmem:v38+s3+$0x0], $0xffff;
	v2 =	vadd.f32 v53, v22;
	[tilespmem:s1+$0x2180] =	vst v44  }
0xc3: {  	v7 =	vmov v16;
	[tilespmem:s14+$0x180] =	vst v49;
	v47 =	vld.idx.msk [tilespmem:v63+s3+$0x0], $0xffff;
	v63 =	vmul.f32 v8, v9;
	v41 =	vadd.f32 v41, v61  }
0xc4: {  	s15 =	sadd.s32 $0x100, s15;
	v53 =	vadd.s32 $0xC, v6;
	v59 =	vmul.f32 v11, v23;
	v57 =	vld.idx.msk [tilespmem:v46+s3+$0x0], $0xffff;
	[tilespmem:s10+$0x380] =	vst v2;
	v35 =	vadd.f32 v40, v35  }
0xc5: {  	s26 =	sadd.s32 $0x20, s26;
	s20 =	sand.u32 $0x1C00, s15;
	v16 =	vmul.f32 v20, v29;
	v22 =	vmov v39;
	v39 =	vld.idx.msk [tilespmem:v45+s3+$0x0], $0xffff;
	v43 =	vadd.f32 v43, v63;
	[tilespmem:s9+$0x2380] =	vst v41  }
0xc6: {  	v51 =	vmovc v36;
	v36 =	vmov v55;
	s20 =	sadd.s32 $0x2D00, s20;
	v40 =	vadd.s32 $0x1, v38;
	v52 =	vld.idx.msk [tilespmem:v52+s3+$0x0], $0xffff;
	s9 =	smov.u32 s1;
	v41 =	vadd.f32 v60, v59;
	[tilespmem:s6+$0x2380] =	vst v35;
	s6 =	smov.u32 s16  }
0xc7: {  	v55 =	vmul.f32 v8, v5;
	s1 =	smov.u32 s7;
	s7 =	smov.u32 s13;
	s13 =	sand.u32 $0x70, s26;
	v60 =	vmul.f32 v4, v17;
	v2 =	vadd.f32 v16, v56;
	[tilespmem:s6+$0x2180] =	vst v43  }
0xc8: {  	v48 =	vand.u32 $0xFFFFFFF8, v46;
	v49 =	vadd.s32 $0x9, v7;
	v61 =	vmul.f32 v22, v29;
	v44 =	vld.idx.msk [tilespmem:v62+s3+$0x0], $0xffff;
	s13 =	sor.u32 s13, s20;
	[tilespmem:s7+$0x200] =	vst v41  }
0xc9: {  	s21 =	sadd.s32 $0xFFFFFFF0, s26;
	v50 =	vand.u32 $0x7, v50;
	v63 =	vmul.f32 v10, v23;
	v60 =	vadd.f32 v47, v60;
	v45 =	vld.idx.msk [tilespmem:v53+s3+$0x0], $0xffff;
	[tilespmem:s13+$0x0] =	vst v2  }
0xca: {  	s21 =	sand.u32 $0x60, s21;
	v62 =	vmul.f32 v42, v17;
	v43 =	vadd.s32 $0x1, v46;
	v35 =	vadd.f32 v61, v57;
	v53 =	vld.idx.msk [tilespmem:v54+s3+$0x0], $0xffff  }
0xcb: {  	s16 =	smov.u32 s10;
	s10 =	smov.u32 s14;
	s14 =	sor.u32 s21, s20;
	v56 =	vadd.s32 $0xD, v6;
	v47 =	vadd.s32 $0x5, v27;
	v57 =	vld.idx.msk [tilespmem:v40+s3+$0x0], $0xffff;
	v2 =	vadd.f32 v39, v63;
	[tilespmem:s1+$0x2000] =	vst v60  }
0xcc: {  	v39 =	vadd.s32 $0x9, v15;
	v40 =	vmul.f32 v14, v5;
	[tilespmem:s14+$0x0] =	vst v35;
	v35 =	vmul.f32 v8, v1;
	v1 =	vld [tilespmem:$0x1FFC0]  }
0xcd: {  	s25 =	sadd.s32 $0x20, s25;
	v16 =	vmovc v24;
	v41 =	vadd.s32 $0xF, v0;
	v54 =	vadd.s32 $0xD, v0;
	v52 =	vadd.f32 v52, v62;
	v49 =	vld.idx.msk [tilespmem:v49+s3+$0x0], $0xffff  }
0xce: {  	v24 =	vmovc v38;
	v61 =	vmul.f32 v11, v21;
	v58 =	vadd.s32 $0x6, v16;
	v62 =	vld [tilespmem:s25+$0xFFFFFFF0];
	[tilespmem:s10+$0x200] =	vst v2;
	v44 =	vadd.f32 v44, v40  }
0xcf: {  	v59 =	vadd.s32 $0x2, v24;
	v63 =	vmul.f32 v20, v28;
	v38 =	vld.idx.msk [tilespmem:v43+s3+$0x0], $0xffff;
	[tilespmem:s16+$0x2000] =	vst v52;
	v45 =	vadd.f32 v45, v55  }
0xd0: {  	v40 =	vadd.s32 $0xF, v6;
	v47 =	vld.idx.msk [tilespmem:v47+s3+$0x0], $0xffff;
	[tilespmem:s9+$0x2200] =	vst v44;
	v44 =	vmul.f32 v4, v13;
	v43 =	vadd.f32 v53, v61  }
0xd1: {  	v39 =	vld.idx.msk [tilespmem:v39+s3+$0x0], $0xffff;
	v53 =	vadd.s32 $0xA, v7;
	v52 =	vadd.f32 v57, v63;
	[tilespmem:s6+$0x2200] =	vst v45;
	v63 =	vmul.f32 v8, v1  }
0xd2: {  	v55 =	vadd.s32 $0x2, v46;
	v45 =	vld.idx.msk [tilespmem:v54+s3+$0x0], $0xffff;
	v54 =	vmul.f32 v22, v28;
	v61 =	vmul.f32 v10, v21;
	[tilespmem:s7+$0x280] =	vst v43  }
0xd3: {  	v57 =	vadd.s32 $0xE, v6;
	v6 =	vmovc v15;
	v60 =	vadd.f32 v49, v44;
	v44 =	vld.idx.msk [tilespmem:v56+s3+$0x0], $0xffff;
	[tilespmem:s13+$0x80] =	vst v52;
	v52 =	vadd.s32 $0x6, v27  }
0xd4: {  	v8 =	vmul.f32 v8, v3;
	v56 =	vld.idx.msk [tilespmem:v58+s3+$0x0], $0xffff;
	v2 =	vadd.f32 v38, v54;
	v54 =	vmul.f32 v42, v13  }
0xd5: {  	v38 =	vld.idx.msk [tilespmem:v59+s3+$0x0], $0xffff;
	v58 =	vadd.s32 $0xA, v6;
	[tilespmem:s1+$0x2080] =	vst v60;
	v59 =	vmul.f32 v14, v3;
	v47 =	vadd.f32 v47, v61  }
0xd6: {  	v0 =	vadd.s32 $0xE, v0;
	v1 =	vmul.f32 v14, v1;
	v49 =	vld.idx.msk [tilespmem:v53+s3+$0x0], $0xffff;
	[tilespmem:s14+$0x80] =	vst v2;
	v39 =	vadd.f32 v39, v54  }
0xd7: {  	v15 =	vmov v27;
	v61 =	vmul.f32 v11, v19;
	v53 =	vadd.f32 v45, v59;
	v27 =	vld.idx.msk [tilespmem:v55+s3+$0x0], $0xffff;
	[tilespmem:s10+$0x280] =	vst v47  }
0xd8: {  	v54 =	vadd.s32 $0x7, v16;
	v55 =	vmul.f32 v20, v26;
	v8 =	vadd.f32 v44, v8;
	v52 =	vld.idx.msk [tilespmem:v52+s3+$0x0], $0xffff;
	[tilespmem:s16+$0x2080] =	vst v39  }
0xd9: {  	v43 =	vadd.s32 $0xB, v6;
	v60 =	vld [tilespmem:s25+$0x0];
	v59 =	vadd.s32 $0x3, v24;
	[tilespmem:s9+$0x2280] =	vst v53;
	v39 =	vadd.f32 v56, v61  }
0xda: {  	v2 =	vadd.s32 $0x7, v15;
	v45 =	vld.idx.msk [tilespmem:v58+s3+$0x0], $0xffff;
	v58 =	vmul.f32 v4, v12;
	v38 =	vadd.f32 v38, v55;
	[tilespmem:s6+$0x2280] =	vst v8  }
0xdb: {  	v47 =	vmul.f32 v42, v12;
	v61 =	vadd.s32 $0xB, v7;
	v0 =	vld.idx.msk [tilespmem:v0+s3+$0x0], $0xffff;
	v8 =	vmul.f32 v22, v26;
	[tilespmem:s7+$0x300] =	vst v39  }
0xdc: {  	s12 =	sadd.s32 $0x2, s12;
	v44 =	vand.u32 $0x7, v51;
	v55 =	vadd.s32 $0x3, v46;
	v39 =	vadd.f32 v49, v58;
	v49 =	vld.idx.msk [tilespmem:v57+s3+$0x0], $0xffff;
	[tilespmem:s13+$0x100] =	vst v38  }
0xdd: {  	p1 =	slt.u32 s12, $0x3E;
	v53 =	vand.u32 $0xFFFFFFF8, v16;
	v38 =	vmul.f32 v10, v19;
	v54 =	vld.idx.msk [tilespmem:v54+s3+$0x0], $0xffff;
	v8 =	vadd.f32 v27, v8  }
.Ltmp0:
0xde: {  	s28 =	sadd.s32 $0x20, s28;
	v56 =	vmul.f32 v11, v18;
	v51 =	vshrl.u32 v60, $0x7;
	v58 =	vadd.s32 $0x4, v24;
	v59 =	vld.idx.msk [tilespmem:v59+s3+$0x0], $0xffff;
	(pc) =	sbr.rel @p1 .LBB2_3-.Ltmp0, $4  }
0xdf: {  	v57 =	vor.u32 v50, v53;
	v51 =	vadd.s32 v60, v51;
	[tilespmem:s1+$0x2100] =	vst v39;
	v38 =	vadd.f32 v52, v38;
	v39 =	vld [tilespmem:s28+$0xFFFFFFF0]  }
0xe0: {  	v27 =	vmov v46;
	v52 =	vor.u32 v44, v37;
	v44 =	vld.idx.msk [tilespmem:v61+s3+$0x0], $0xffff;
	[tilespmem:s14+$0x100] =	vst v8;
	v61 =	vmul.f32 v20, v25  }
0xe1: {  	v37 =	vmovc v48;
	v48 =	vadd.f32 v0, v1;
	v60 =	vld.idx.msk [tilespmem:v55+s3+$0x0], $0xffff;
	[tilespmem:s10+$0x300] =	vst v38;
	v8 =	vmov v42;
	v42 =	vshrl.u32 v62, $0x7  }
0xe2: {  	v38 =	vadd.s32 v30, v51;
	v53 =	vld.idx.msk [tilespmem:v2+s3+$0x0], $0xffff;
	v49 =	vadd.f32 v49, v63;
	v55 =	vadd.s32 v62, v42  }
0xe3: {  	v42 =	vadd.s32 v30, v55;
	_ =	sdelay $0x1  }
0xe4: {  	v30 =	vld [tilespmem:s28+$0x0];
	_ =	sdelay $0x1  }
0xe5: {  	v0 =	vld.idx.msk [tilespmem:v38+s3+$0x0], $0xffff  }
0xe6: {  	v1 =	vld.idx.msk [tilespmem:v42+s3+$0x0], $0xffff;
	_ =	sdelay $0x1  }
0xe7: {  	s12 =	sadd.s32 $0x100, s15;
	v46 =	vadd.s32 $0x1, v38;
	v2 =	vmul.f32 v30, v29  }
0xe8: {  	s21 =	sadd.s32 $0x20, s26;
	s12 =	sand.u32 $0x1C00, s12;
	v50 =	vadd.s32 $0x1, v42;
	v29 =	vmul.f32 v39, v29  }
0xe9: {  	s20 =	sand.u32 $0x70, s21;
	s15 =	sadd.s32 $0xFFFFFFF0, s21;
	s12 =	sadd.s32 $0x2D00, s12;
	v0 =	vadd.f32 v2, v0  }
0xea: {  	s15 =	sand.u32 $0x60, s15;
	s25 =	sor.u32 s20, s12;
	v1 =	vadd.f32 v29, v1  }
0xeb: {  	s15 =	sor.u32 s15, s12;
	[tilespmem:s25+$0x0] =	vst v0  }
0xec: {  	v0 =	vld.idx.msk [tilespmem:v46+s3+$0x0], $0xffff;
	[tilespmem:s15+$0x0] =	vst v1  }
0xed: {  	v1 =	vld.idx.msk [tilespmem:v50+s3+$0x0], $0xffff;
	_ =	sdelay $0x1  }
0xee: {  	v2 =	vmul.f32 v30, v28;
	v29 =	vadd.s32 $0x2, v38  }
0xef: {  	v28 =	vmul.f32 v39, v28;
	v50 =	vadd.s32 $0x2, v42  }
0xf0: {  	v0 =	vadd.f32 v0, v2  }
0xf1: {  	v1 =	vadd.f32 v1, v28  }
0xf2: {  	[tilespmem:s25+$0x80] =	vst v0  }
0xf3: {  	v0 =	vld.idx.msk [tilespmem:v29+s3+$0x0], $0xffff;
	[tilespmem:s15+$0x80] =	vst v1  }
0xf4: {  	v1 =	vld.idx.msk [tilespmem:v50+s3+$0x0], $0xffff;
	_ =	sdelay $0x1  }
0xf5: {  	v2 =	vmul.f32 v30, v26;
	v28 =	vadd.s32 $0x3, v38  }
0xf6: {  	v26 =	vmul.f32 v39, v26;
	v29 =	vadd.s32 $0x3, v42  }
0xf7: {  	v0 =	vadd.f32 v0, v2  }
0xf8: {  	v1 =	vadd.f32 v1, v26  }
0xf9: {  	[tilespmem:s25+$0x100] =	vst v0  }
0xfa: {  	v0 =	vadd.f32 v59, v61;
	v2 =	vld.idx.msk [tilespmem:v28+s3+$0x0], $0xffff;
	[tilespmem:s15+$0x100] =	vst v1  }
0xfb: {  	v1 =	vld.idx.msk [tilespmem:v29+s3+$0x0], $0xffff  }
0xfc: {  	v26 =	vmul.f32 v22, v25;
	v28 =	vadd.s32 $0x4, v27;
	[tilespmem:s13+$0x180] =	vst v0  }
0xfd: {  	v62 =	vmul.f32 v30, v25;
	v0 =	vld.idx.msk [tilespmem:v58+s3+$0x0], $0xffff;
	v29 =	vadd.s32 $0x4, v38  }
0xfe: {  	v63 =	vadd.s32 $0x4, v42;
	v25 =	vmul.f32 v39, v25;
	v26 =	vadd.f32 v60, v26  }
0xff: {  	v2 =	vadd.f32 v2, v62  }
0x100: {  	v58 =	vadd.s32 $0x5, v24;
	[tilespmem:s14+$0x180] =	vst v26;
	v26 =	vmul.f32 v20, v23;
	v1 =	vadd.f32 v1, v25  }
0x101: {  	[tilespmem:s25+$0x180] =	vst v2;
	v25 =	vld.idx.msk [tilespmem:v28+s3+$0x0], $0xffff  }
0x102: {  	v0 =	vadd.f32 v0, v26;
	v2 =	vld.idx.msk [tilespmem:v29+s3+$0x0], $0xffff;
	[tilespmem:s15+$0x180] =	vst v1  }
0x103: {  	v1 =	vld.idx.msk [tilespmem:v63+s3+$0x0], $0xffff  }
0x104: {  	v26 =	vmul.f32 v22, v23;
	[tilespmem:s13+$0x200] =	vst v0;
	v0 =	vadd.s32 $0x5, v27  }
0x105: {  	v59 =	vadd.s32 $0x5, v38;
	v29 =	vmul.f32 v30, v23;
	v28 =	vld.idx.msk [tilespmem:v58+s3+$0x0], $0xffff  }
0x106: {  	v23 =	vmul.f32 v39, v23;
	v25 =	vadd.f32 v25, v26;
	v26 =	vadd.s32 $0x5, v42  }
0x107: {  	v2 =	vadd.f32 v2, v29  }
0x108: {  	v29 =	vadd.s32 $0x6, v24;
	[tilespmem:s14+$0x200] =	vst v25;
	v25 =	vmul.f32 v20, v21;
	v1 =	vadd.f32 v1, v23  }
0x109: {  	[tilespmem:s25+$0x200] =	vst v2;
	v0 =	vld.idx.msk [tilespmem:v0+s3+$0x0], $0xffff  }
0x10a: {  	v23 =	vld.idx.msk [tilespmem:v59+s3+$0x0], $0xffff;
	v2 =	vadd.f32 v28, v25;
	[tilespmem:s15+$0x200] =	vst v1  }
0x10b: {  	v1 =	vld.idx.msk [tilespmem:v26+s3+$0x0], $0xffff  }
0x10c: {  	v25 =	vadd.s32 $0x6, v27;
	[tilespmem:s13+$0x280] =	vst v2;
	v2 =	vmul.f32 v22, v21  }
0x10d: {  	v28 =	vmul.f32 v30, v21;
	v26 =	vld.idx.msk [tilespmem:v29+s3+$0x0], $0xffff;
	v29 =	vadd.s32 $0x6, v38  }
0x10e: {  	v0 =	vadd.f32 v0, v2;
	v2 =	vmul.f32 v39, v21;
	v21 =	vadd.s32 $0x6, v42  }
0x10f: {  	v23 =	vadd.f32 v23, v28  }
0x110: {  	v28 =	vadd.s32 $0x7, v24;
	[tilespmem:s14+$0x280] =	vst v0;
	v0 =	vmul.f32 v20, v19;
	v1 =	vadd.f32 v1, v2  }
0x111: {  	[tilespmem:s25+$0x280] =	vst v23;
	v2 =	vld.idx.msk [tilespmem:v25+s3+$0x0], $0xffff  }
0x112: {  	v0 =	vadd.f32 v26, v0;
	v23 =	vld.idx.msk [tilespmem:v29+s3+$0x0], $0xffff;
	[tilespmem:s15+$0x280] =	vst v1  }
0x113: {  	v52 =	vadd.s32 $0x8, v52;
	v34 =	vand.u32 $0x7, v34;
	v21 =	vld.idx.msk [tilespmem:v21+s3+$0x0], $0xffff  }
0x114: {  	v61 =	vmul.f32 v30, v19;
	v29 =	vadd.s32 $0x7, v27;
	[tilespmem:s13+$0x300] =	vst v0;
	v0 =	vmul.f32 v22, v19  }
0x115: {  	v60 =	vmul.f32 v10, v18;
	v62 =	vadd.s32 $0x7, v38;
	v63 =	vand.u32 $0xFFFFFFF8, v24;
	v28 =	vld.idx.msk [tilespmem:v28+s3+$0x0], $0xffff  }
0x116: {  	v0 =	vadd.f32 v2, v0;
	v2 =	vmul.f32 v39, v19;
	v19 =	vadd.s32 $0x7, v42  }
0x117: {  	v34 =	vor.u32 v34, v63;
	v63 =	vand.u32 $0x7, v55;
	v23 =	vadd.f32 v23, v61  }
0x118: {  	v59 =	vmul.f32 v20, v18;
	v26 =	vadd.s32 $0x8, v57;
	[tilespmem:s14+$0x300] =	vst v0;
	v0 =	vadd.f32 v21, v2  }
0x119: {  	v25 =	vand.u32 $0xFFFFFFF8, v42;
	v1 =	vadd.f32 v54, v56;
	v2 =	vadd.f32 v53, v60;
	v29 =	vld.idx.msk [tilespmem:v29+s3+$0x0], $0xffff;
	[tilespmem:s25+$0x300] =	vst v23  }
0x11a: {  	v21 =	vand.u32 $0x7, v36;
	v23 =	vadd.f32 v28, v59;
	v28 =	vadd.s32 $0x8, v34;
	v60 =	vld.idx.msk [tilespmem:v62+s3+$0x0], $0xffff;
	[tilespmem:s15+$0x300] =	vst v0  }
0x11b: {  	v61 =	vand.u32 $0xFFFFFFF8, v38;
	v21 =	vor.u32 v21, v37;
	v62 =	vand.u32 $0x7, v51;
	v19 =	vld.idx.msk [tilespmem:v19+s3+$0x0], $0xffff  }
0x11c: {  	[tilespmem:s7+$0x380] =	vst v1;
	v0 =	vmul.f32 v22, v18;
	v21 =	vadd.s32 $0x8, v21;
	v36 =	vor.u32 v62, v61  }
0x11d: {  	v25 =	vor.u32 v63, v25;
	v1 =	vmul.f32 v30, v18;
	v26 =	vld.idx.msk [tilespmem:v26+s3+$0x0], $0xffff;
	[tilespmem:s10+$0x380] =	vst v2;
	v36 =	vadd.s32 $0x8, v36  }
0x11e: {  	v2 =	vmul.f32 v39, v18;
	v18 =	vadd.s32 $0x8, v25;
	v25 =	vld.idx.msk [tilespmem:v52+s3+$0x0], $0xffff;
	[tilespmem:s13+$0x380] =	vst v23;
	v0 =	vadd.f32 v29, v0  }
0x11f: {  	v1 =	vadd.f32 v60, v1;
	v23 =	vld.idx.msk [tilespmem:v28+s3+$0x0], $0xffff  }
0x120: {  	[tilespmem:s14+$0x380] =	vst v0;
	v0 =	vadd.f32 v19, v2;
	v2 =	vmul.f32 v11, v17;
	v19 =	vadd.s32 $0x9, v16  }
0x121: {  	v28 =	vadd.s32 $0x9, v15;
	v21 =	vld.idx.msk [tilespmem:v21+s3+$0x0], $0xffff;
	[tilespmem:s25+$0x380] =	vst v1;
	v1 =	vmul.f32 v10, v17  }
0x122: {  	v29 =	vld.idx.msk [tilespmem:v36+s3+$0x0], $0xffff;
	[tilespmem:s15+$0x380] =	vst v0;
	v0 =	vadd.f32 v26, v2;
	v2 =	vmul.f32 v20, v17;
	v26 =	vadd.s32 $0x9, v24  }
0x123: {  	[tilespmem:s9+$0x2300] =	vst v48;
	v1 =	vadd.f32 v25, v1;
	v18 =	vld.idx.msk [tilespmem:v18+s3+$0x0], $0xffff  }
0x124: {  	v25 =	vmul.f32 v22, v17;
	[tilespmem:s7+$0x2000] =	vst v0;
	v0 =	vadd.f32 v23, v2  }
0x125: {  	v2 =	vmul.f32 v30, v17;
	[tilespmem:s10+$0x2000] =	vst v1;
	v19 =	vld.idx.msk [tilespmem:v19+s3+$0x0], $0xffff  }
0x126: {  	v17 =	vmul.f32 v39, v17;
	v1 =	vadd.f32 v21, v25;
	v25 =	vld.idx.msk [tilespmem:v28+s3+$0x0], $0xffff;
	[tilespmem:s13+$0x2000] =	vst v0  }
0x127: {  	[tilespmem:s6+$0x2300] =	vst v49;
	v37 =	vadd.s32 $0x9, v27;
	v0 =	vadd.f32 v29, v2;
	v2 =	vld.idx.msk [tilespmem:v26+s3+$0x0], $0xffff  }
0x128: {  	v23 =	vadd.s32 $0x9, v38;
	[tilespmem:s14+$0x2000] =	vst v1;
	v1 =	vadd.f32 v18, v17;
	v17 =	vmul.f32 v11, v13  }
0x129: {  	v21 =	vadd.s32 $0x9, v42;
	v28 =	vmul.f32 v10, v13;
	[tilespmem:s25+$0x2000] =	vst v0;
	v0 =	vadd.f32 v45, v47  }
0x12a: {  	[tilespmem:s15+$0x2000] =	vst v1;
	v1 =	vadd.f32 v19, v17;
	v17 =	vmul.f32 v20, v13  }
0x12b: {  	[tilespmem:s16+$0x2100] =	vst v0;
	v0 =	vadd.f32 v25, v28  }
0x12c: {  	v26 =	vld.idx.msk [tilespmem:v37+s3+$0x0], $0xffff;
	[tilespmem:s7+$0x2080] =	vst v1;
	v1 =	vadd.f32 v2, v17  }
0x12d: {  	v18 =	vadd.s32 $0xA, v16;
	v23 =	vld.idx.msk [tilespmem:v23+s3+$0x0], $0xffff;
	[tilespmem:s10+$0x2080] =	vst v0  }
0x12e: {  	v29 =	vadd.s32 $0xA, v15;
	v21 =	vld.idx.msk [tilespmem:v21+s3+$0x0], $0xffff;
	[tilespmem:s13+$0x2080] =	vst v1  }
0x12f: {  	v19 =	vadd.s32 $0xA, v24;
	v47 =	vld [tilespmem:$0x1FFB0]  }
0x130: {  	v25 =	vmul.f32 v22, v13;
	v28 =	vadd.s32 $0xA, v27  }
0x131: {  	v46 =	vld.idx.msk [tilespmem:v41+s3+$0x0], $0xffff;
	v2 =	vmul.f32 v30, v13;
	v17 =	vadd.s32 $0xA, v38  }
0x132: {  	v13 =	vmul.f32 v39, v13;
	v18 =	vld.idx.msk [tilespmem:v18+s3+$0x0], $0xffff;
	v0 =	vadd.f32 v26, v25;
	v25 =	vadd.s32 $0xA, v42  }
0x133: {  	v26 =	vld.idx.msk [tilespmem:v29+s3+$0x0], $0xffff;
	v1 =	vadd.f32 v23, v2  }
0x134: {  	[tilespmem:s14+$0x2080] =	vst v0;
	v0 =	vadd.f32 v21, v13;
	v2 =	vmul.f32 v14, v47;
	v14 =	vld.idx.msk [tilespmem:v19+s3+$0x0], $0xffff  }
0x135: {  	v13 =	vadd.f32 v44, v33;
	v21 =	vadd.s32 $0xB, v16;
	v23 =	vld.idx.msk [tilespmem:v28+s3+$0x0], $0xffff;
	[tilespmem:s25+$0x2080] =	vst v1;
	v19 =	vmul.f32 v11, v12  }
0x136: {  	v28 =	vmul.f32 v10, v12;
	v17 =	vld.idx.msk [tilespmem:v17+s3+$0x0], $0xffff;
	[tilespmem:s15+$0x2080] =	vst v0;
	v1 =	vadd.f32 v46, v2;
	v2 =	vadd.s32 $0xB, v15  }
0x137: {  	[tilespmem:s1+$0x2180] =	vst v13;
	v13 =	vmul.f32 v20, v12;
	v0 =	vadd.f32 v18, v19;
	v18 =	vadd.s32 $0xB, v24;
	v19 =	vld.idx.msk [tilespmem:v25+s3+$0x0], $0xffff  }
0x138: {  	v25 =	vld.idx.msk [tilespmem:v40+s3+$0x0], $0xffff;
	[tilespmem:s9+$0x2380] =	vst v1;
	v1 =	vadd.f32 v26, v28;
	v26 =	vadd.s32 $0xB, v27;
	v28 =	vmul.f32 v22, v12  }
0x139: {  	v29 =	vld.idx.msk [tilespmem:v43+s3+$0x0], $0xffff;
	[tilespmem:s7+$0x2100] =	vst v0;
	v0 =	vadd.f32 v14, v13;
	v13 =	vmul.f32 v30, v12;
	v14 =	vadd.s32 $0xB, v38  }
0x13a: {  	v21 =	vld.idx.msk [tilespmem:v21+s3+$0x0], $0xffff;
	v12 =	vmul.f32 v39, v12;
	[tilespmem:s10+$0x2100] =	vst v1;
	v1 =	vadd.f32 v23, v28;
	v23 =	vadd.s32 $0xB, v42  }
0x13b: {  	v28 =	vadd.s32 $0xC, v7;
	v2 =	vld.idx.msk [tilespmem:v2+s3+$0x0], $0xffff;
	[tilespmem:s13+$0x2100] =	vst v0;
	v0 =	vadd.f32 v17, v13  }
0x13c: {  	v13 =	vmul.f32 v8, v9;
	v17 =	vadd.s32 $0xC, v6;
	v18 =	vld.idx.msk [tilespmem:v18+s3+$0x0], $0xffff;
	[tilespmem:s14+$0x2100] =	vst v1;
	v1 =	vadd.f32 v19, v12  }
0x13d: {  	v12 =	vadd.f32 v25, v35;
	v19 =	vadd.s32 $0xC, v16;
	v25 =	vld.idx.msk [tilespmem:v26+s3+$0x0], $0xffff;
	[tilespmem:s25+$0x2100] =	vst v0  }
0x13e: {  	v0 =	vadd.f32 v29, v13;
	v13 =	vmul.f32 v10, v9;
	v26 =	vadd.s32 $0xC, v15;
	v14 =	vld.idx.msk [tilespmem:v14+s3+$0x0], $0xffff;
	[tilespmem:s15+$0x2100] =	vst v1  }
0x13f: {  	[tilespmem:s6+$0x2380] =	vst v12;
	v1 =	vadd.f32 v21, v31;
	v12 =	vadd.s32 $0xC, v24;
	v21 =	vld.idx.msk [tilespmem:v23+s3+$0x0], $0xffff  }
0x140: {  	v23 =	vld.idx.msk [tilespmem:v28+s3+$0x0], $0xffff;
	[tilespmem:s16+$0x2180] =	vst v0;
	v0 =	vadd.f32 v2, v13;
	v2 =	vmul.f32 v22, v9;
	v13 =	vadd.s32 $0xC, v27  }
0x141: {  	v28 =	vmul.f32 v30, v9;
	v17 =	vld.idx.msk [tilespmem:v17+s3+$0x0], $0xffff;
	[tilespmem:s7+$0x2180] =	vst v1;
	v1 =	vadd.f32 v18, v32;
	v18 =	vadd.s32 $0xC, v38  }
0x142: {  	v19 =	vld.idx.msk [tilespmem:v19+s3+$0x0], $0xffff;
	[tilespmem:s10+$0x2180] =	vst v0;
	v0 =	vadd.f32 v25, v2;
	v2 =	vmul.f32 v39, v9;
	v9 =	vadd.s32 $0xC, v42  }
0x143: {  	v29 =	vmul.f32 v4, v5;
	v25 =	vadd.s32 $0xD, v7;
	v26 =	vld.idx.msk [tilespmem:v26+s3+$0x0], $0xffff;
	[tilespmem:s13+$0x2180] =	vst v1;
	v1 =	vadd.f32 v14, v28  }
0x144: {  	v14 =	vmul.f32 v8, v5;
	v28 =	vadd.s32 $0xD, v6;
	v12 =	vld.idx.msk [tilespmem:v12+s3+$0x0], $0xffff;
	[tilespmem:s14+$0x2180] =	vst v0;
	v0 =	vadd.f32 v21, v2  }
0x145: {  	v2 =	vadd.f32 v23, v29;
	v21 =	vadd.s32 $0xD, v16;
	v23 =	vmul.f32 v11, v5;
	v13 =	vld.idx.msk [tilespmem:v13+s3+$0x0], $0xffff;
	[tilespmem:s25+$0x2180] =	vst v1  }
0x146: {  	v1 =	vadd.f32 v17, v14;
	v14 =	vmul.f32 v10, v5;
	v17 =	vadd.s32 $0xD, v15;
	v18 =	vld.idx.msk [tilespmem:v18+s3+$0x0], $0xffff;
	[tilespmem:s15+$0x2180] =	vst v0  }
0x147: {  	[tilespmem:s1+$0x2200] =	vst v2;
	v0 =	vadd.f32 v19, v23;
	v19 =	vmul.f32 v20, v5;
	v9 =	vld.idx.msk [tilespmem:v9+s3+$0x0], $0xffff  }
0x148: {  	v23 =	vmul.f32 v22, v5;
	[tilespmem:s16+$0x2200] =	vst v1;
	v1 =	vld.idx.msk [tilespmem:v25+s3+$0x0], $0xffff;
	v14 =	vadd.f32 v26, v14  }
0x149: {  	v26 =	vld.idx.msk [tilespmem:v28+s3+$0x0], $0xffff;
	[tilespmem:s7+$0x2200] =	vst v0;
	v0 =	vadd.f32 v12, v19;
	v19 =	vmul.f32 v30, v5  }
0x14a: {  	v5 =	vmul.f32 v39, v5;
	[tilespmem:s10+$0x2200] =	vst v14;
	v14 =	vld.idx.msk [tilespmem:v21+s3+$0x0], $0xffff;
	v13 =	vadd.f32 v13, v23  }
0x14b: {  	v2 =	vadd.s32 $0xD, v24;
	v28 =	vmul.f32 v4, v3;
	v17 =	vld.idx.msk [tilespmem:v17+s3+$0x0], $0xffff;
	[tilespmem:s13+$0x2200] =	vst v0;
	v0 =	vadd.f32 v18, v19  }
0x14c: {  	v25 =	vadd.s32 $0xD, v27;
	v19 =	vmul.f32 v8, v3;
	[tilespmem:s14+$0x2200] =	vst v13;
	v5 =	vadd.f32 v9, v5  }
0x14d: {  	v12 =	vadd.s32 $0xD, v38;
	v1 =	vadd.f32 v1, v28;
	v13 =	vmul.f32 v11, v3;
	[tilespmem:s25+$0x2200] =	vst v0  }
0x14e: {  	v0 =	vadd.f32 v26, v19;
	v26 =	vmul.f32 v10, v3;
	[tilespmem:s15+$0x2200] =	vst v5  }
0x14f: {  	v21 =	vadd.s32 $0xD, v42;
	[tilespmem:s1+$0x2280] =	vst v1;
	v1 =	vadd.f32 v14, v13  }
0x150: {  	v23 =	vadd.s32 $0xE, v7;
	v2 =	vld.idx.msk [tilespmem:v2+s3+$0x0], $0xffff;
	[tilespmem:s16+$0x2280] =	vst v0;
	v17 =	vadd.f32 v17, v26  }
0x151: {  	v18 =	vadd.s32 $0xE, v6;
	v25 =	vld.idx.msk [tilespmem:v25+s3+$0x0], $0xffff;
	[tilespmem:s7+$0x2280] =	vst v1  }
0x152: {  	v9 =	vadd.s32 $0xE, v16;
	v5 =	vld.idx.msk [tilespmem:v12+s3+$0x0], $0xffff;
	[tilespmem:s10+$0x2280] =	vst v17  }
0x153: {  	v19 =	vadd.s32 $0xE, v15;
	v26 =	vld [tilespmem:$0x1FFC0]  }
0x154: {  	v12 =	vadd.s32 $0xE, v24;
	v13 =	vmul.f32 v20, v3;
	v14 =	vld.idx.msk [tilespmem:v21+s3+$0x0], $0xffff  }
0x155: {  	v0 =	vld.idx.msk [tilespmem:v23+s3+$0x0], $0xffff;
	v21 =	vadd.s32 $0xE, v27;
	v23 =	vmul.f32 v22, v3  }
0x156: {  	v18 =	vld.idx.msk [tilespmem:v18+s3+$0x0], $0xffff;
	v1 =	vadd.f32 v2, v13;
	v2 =	vadd.s32 $0xE, v38;
	v13 =	vmul.f32 v30, v3  }
0x157: {  	v3 =	vmul.f32 v39, v3;
	v9 =	vld.idx.msk [tilespmem:v9+s3+$0x0], $0xffff;
	v17 =	vadd.f32 v25, v23;
	v23 =	vadd.s32 $0xE, v42  }
0x158: {  	v7 =	vadd.s32 $0xF, v7;
	v19 =	vld.idx.msk [tilespmem:v19+s3+$0x0], $0xffff;
	[tilespmem:s13+$0x2280] =	vst v1;
	v1 =	vadd.f32 v5, v13;
	v25 =	vmul.f32 v4, v26  }
0x159: {  	v5 =	vadd.s32 $0xF, v6;
	[tilespmem:s14+$0x2280] =	vst v17;
	v12 =	vld.idx.msk [tilespmem:v12+s3+$0x0], $0xffff;
	v3 =	vadd.f32 v14, v3;
	v6 =	vmul.f32 v8, v26  }
0x15a: {  	v13 =	vadd.s32 $0xF, v16;
	v16 =	vld.idx.msk [tilespmem:v21+s3+$0x0], $0xffff;
	[tilespmem:s25+$0x2280] =	vst v1;
	v14 =	vmul.f32 v11, v26;
	v0 =	vadd.f32 v0, v25  }
0x15b: {  	[tilespmem:s15+$0x2280] =	vst v3;
	v2 =	vld.idx.msk [tilespmem:v2+s3+$0x0], $0xffff;
	v1 =	vadd.f32 v18, v6;
	v6 =	vadd.s32 $0xF, v15;
	v15 =	vmul.f32 v10, v26  }
0x15c: {  	v3 =	vadd.s32 $0xF, v24;
	[tilespmem:s1+$0x2300] =	vst v0;
	v0 =	vadd.f32 v9, v14;
	v9 =	vmul.f32 v20, v26;
	v14 =	vld.idx.msk [tilespmem:v23+s3+$0x0], $0xffff  }
0x15d: {  	v17 =	vmul.f32 v22, v26;
	[tilespmem:s16+$0x2300] =	vst v1;
	v1 =	vld.idx.msk [tilespmem:v7+s3+$0x0], $0xffff;
	v7 =	vadd.f32 v19, v15;
	v15 =	vadd.s32 $0xF, v27  }
0x15e: {  	v5 =	vld.idx.msk [tilespmem:v5+s3+$0x0], $0xffff;
	[tilespmem:s7+$0x2300] =	vst v0;
	v0 =	vadd.f32 v12, v9;
	v9 =	vadd.s32 $0xF, v38;
	v12 =	vmul.f32 v30, v26  }
0x15f: {  	[tilespmem:s10+$0x2300] =	vst v7;
	v7 =	vld.idx.msk [tilespmem:v13+s3+$0x0], $0xffff;
	v13 =	vadd.f32 v16, v17;
	v16 =	vadd.s32 $0xF, v42;
	v17 =	vmul.f32 v39, v26  }
0x160: {  	v4 =	vmul.f32 v4, v47;
	v6 =	vld.idx.msk [tilespmem:v6+s3+$0x0], $0xffff;
	[tilespmem:s13+$0x2300] =	vst v0;
	v0 =	vadd.f32 v2, v12  }
0x161: {  	v2 =	vmul.f32 v8, v47;
	[tilespmem:s14+$0x2300] =	vst v13;
	v3 =	vld.idx.msk [tilespmem:v3+s3+$0x0], $0xffff;
	v8 =	vadd.f32 v14, v17  }
0x162: {  	v1 =	vadd.f32 v1, v4;
	v4 =	vmul.f32 v11, v47;
	v11 =	vld.idx.msk [tilespmem:v15+s3+$0x0], $0xffff;
	[tilespmem:s25+$0x2300] =	vst v0  }
0x163: {  	v0 =	vadd.f32 v5, v2;
	v2 =	vmul.f32 v10, v47;
	[tilespmem:s15+$0x2300] =	vst v8;
	v5 =	vld.idx.msk [tilespmem:v9+s3+$0x0], $0xffff  }
0x164: {  	[tilespmem:s1+$0x2380] =	vst v1;
	v1 =	vadd.f32 v7, v4;
	v4 =	vmul.f32 v20, v47;
	v7 =	vld.idx.msk [tilespmem:v16+s3+$0x0], $0xffff  }
0x165: {  	[tilespmem:s16+$0x2380] =	vst v0;
	v0 =	vadd.f32 v6, v2;
	v2 =	vmul.f32 v22, v47  }
0x166: {  	[tilespmem:s7+$0x2380] =	vst v1;
	v1 =	vadd.f32 v3, v4;
	v3 =	vmul.f32 v30, v47  }
0x167: {  	[tilespmem:s10+$0x2380] =	vst v0;
	v0 =	vadd.f32 v11, v2;
	v2 =	vmul.f32 v39, v47  }
0x168: {  	[tilespmem:s13+$0x2380] =	vst v1;
	v1 =	vadd.f32 v5, v3  }
0x169: {  	[tilespmem:s14+$0x2380] =	vst v0;
	v0 =	vadd.f32 v7, v2  }
0x16a: {  	s0 =	sshll.u32 s0, $0xB;
	[tilespmem:s25+$0x2380] =	vst v1  }
0x16b: {  	s0 =	sadd.s32 s2, s0;
	[tilespmem:s15+$0x2380] =	vst v0  }
0x16c: {  	[hbm4b:s0+s3] =	stream.linear.scatter [tilespmem:s22], [sflag:$0x1], $0x4000, $0x38;
	[tilespmem:$0xAD00] =	vst v63  }
0x16d: {  	s0 =	simm.s32 @!p0 $0x2  }
0x16e: {  	_ =	swait.ge @!p0 [sflag:s0], $0x4000  }
0x16f: {  	[sflag:s0] =	ssyncset.done @!p0 $0x0  }
0x170: {  	[sflag:s0] =	ssyncadd.s32 @!p0 $0xFFFFC000  }
0x171: {  	_ =	swait.ge [sflag:s23], $0x400  }
0x172: {  	[sflag:s23] =	ssyncset.done $0x0  }
0x173: {  	s26 =	sadd.s32 s31, s11;
	[sflag:s23] =	ssyncadd.s32 $0xFFFFFC00  }
0x174: {  	s0 =	sshll.u32 s26, $0x5;
	_ =	swait.ge [sflag:s23], $0x400  }
0x175: {  	s31 =	simm.s32 $0x0;
	s0 =	sand.u32 $0x1FFFFF80, s0;
	[sflag:s23] =	ssyncset.done $0x0  }
0x176: {  	s9 =	sand.u32 $0x3, s30;
	s28 =	sadd.s32 s4, s0;
	[sflag:s23] =	ssyncadd.s32 $0xFFFFFC00  }
0x177: {  	[tilespmem:s17], [sflag:$0x3] =	stream.linear.gather [hbm4b:s28+s31], $0x400, $0x38;
	[tilespmem:$0xAD00] =	vst v63  }
0x178: {  	s10 =	sshll.u32 s9, $0x8;
	s0 =	sadd.s32 s5, s0  }
0x179: {  	[tilespmem:s18], [sflag:$0x3] =	stream.linear.gather [hbm4b:s0+s31], $0x400, $0x38;
	[tilespmem:$0xAD00] =	vst v63  }
0x17a: {  	v29 =	vld [tilespmem:s10+$0x1900]  }
0x17b: {  	s12 =	simm.s32 $0x2110;
	v28 =	vld [tilespmem:s10+$0x1910]  }
0x17c: {  	v0 =	vld [tilespmem:s12+$0x0]  }
0x17d: {  	v26 =	vld [tilespmem:s10+$0x1920]  }
0x17e: {  	v25 =	vld [tilespmem:s10+$0x1930]  }
0x17f: {  	v1 =	vld [tilespmem:s12+$0xFFFFFFF0]  }
0x180: {  	v23 =	vld [tilespmem:s10+$0x1940]  }
0x181: {  	s1 =	sshll.u32 s9, $0x4;
	v21 =	vld [tilespmem:s10+$0x1950];
	v2 =	vshrl.u32 v0, $0x7  }
0x182: {  	v30 =	vmov s1;
	v19 =	vld [tilespmem:s10+$0x1960];
	v11 =	vadd.s32 v0, v2  }
0x183: {  	v18 =	vld [tilespmem:s10+$0x1970];
	v42 =	vadd.s32 v30, v11  }
0x184: {  	v17 =	vld [tilespmem:s10+$0x1980];
	v0 =	vshrl.u32 v1, $0x7  }
0x185: {  	s13 =	simm.s32 $0x2910;
	v13 =	vld [tilespmem:s10+$0x1990];
	v10 =	vadd.s32 v1, v0  }
0x186: {  	v14 =	vld [tilespmem:s13+$0x0];
	v39 =	vadd.s32 v30, v10  }
0x187: {  	v12 =	vld [tilespmem:s10+$0x19A0]  }
0x188: {  	v0 =	vld.idx.msk [tilespmem:v42+s3+$0x0], $0xffff  }
0x189: {  	v38 =	vld [tilespmem:s13+$0xFFFFFFF0]  }
0x18a: {  	v9 =	vld [tilespmem:s10+$0x19B0]  }
0x18b: {  	v1 =	vmul.f32 v14, v29;
	v6 =	vadd.s32 $0x1, v42;
	v4 =	vld.idx.msk [tilespmem:v39+s3+$0x0], $0xffff  }
0x18c: {  	s6 =	sand.u32 $0x1C00, s31;
	s14 =	simm.s32 $0x10;
	v5 =	vld [tilespmem:s10+$0x19C0]  }
0x18d: {  	s6 =	sadd.s32 $0x6D00, s6;
	s1 =	sand.u32 $0x70, s14;
	v3 =	vld [tilespmem:s10+$0x19D0];
	v0 =	vadd.f32 v1, v0  }
0x18e: {  	s9 =	sor.u32 s1, s6;
	v7 =	vmul.f32 v38, v29;
	v2 =	vld [tilespmem:s10+$0x19E0];
	v8 =	vadd.s32 $0x1, v39  }
0x18f: {  	s15 =	simm.s32 $0x0;
	v1 =	vld [tilespmem:s10+$0x19F0];
	[tilespmem:s9+$0x0] =	vst v0  }
0x190: {  	s0 =	sand.u32 $0x60, s15;
	v0 =	vadd.f32 v7, v4;
	v4 =	vld.idx.msk [tilespmem:v6+s3+$0x0], $0xffff  }
0x191: {  	s6 =	sor.u32 s0, s6  }
0x192: {  	[tilespmem:s6+$0x0] =	vst v0  }
0x193: {  	v7 =	vadd.s32 $0x2, v42;
	v6 =	vmul.f32 v14, v28;
	v0 =	vld.idx.msk [tilespmem:v8+s3+$0x0], $0xffff;
	_ =	sdelay $0x1  }
0x194: {  	v4 =	vadd.f32 v4, v6  }
0x195: {  	v8 =	vadd.s32 $0x2, v39;
	v6 =	vmul.f32 v38, v28  }
0x196: {  	[tilespmem:s9+$0x80] =	vst v4  }
0x197: {  	v0 =	vadd.f32 v0, v6;
	v4 =	vld.idx.msk [tilespmem:v7+s3+$0x0], $0xffff  }
0x198: {  	s16 =	simm.s32 $0x2130  }
0x199: {  	v6 =	vld [tilespmem:s16+$0x0];
	[tilespmem:s6+$0x80] =	vst v0  }
0x19a: {  	v7 =	vmul.f32 v14, v26;
	v0 =	vld.idx.msk [tilespmem:v8+s3+$0x0], $0xffff;
	v8 =	vadd.s32 $0x3, v42;
	_ =	sdelay $0x1  }
0x19b: {  	v4 =	vadd.f32 v4, v7  }
0x19c: {  	v15 =	vld [tilespmem:s16+$0xFFFFFFF0];
	v16 =	vadd.s32 $0x3, v39;
	v7 =	vmul.f32 v38, v26  }
0x19d: {  	[tilespmem:s9+$0x100] =	vst v4  }
0x19e: {  	v0 =	vadd.f32 v0, v7;
	v4 =	vshrl.u32 v6, $0x7;
	v8 =	vld.idx.msk [tilespmem:v8+s3+$0x0], $0xffff  }
0x19f: {  	v20 =	vadd.s32 v6, v4  }
0x1a0: {  	[tilespmem:s6+$0x100] =	vst v0;
	v7 =	vadd.s32 v30, v20  }
0x1a1: {  	v24 =	vmul.f32 v14, v25;
	v4 =	vshrl.u32 v15, $0x7;
	v0 =	vadd.s32 $0x4, v42;
	v16 =	vld.idx.msk [tilespmem:v16+s3+$0x0], $0xffff  }
0x1a2: {  	s20 =	simm.s32 $0x2930;
	v22 =	vadd.s32 v15, v4  }
0x1a3: {  	v4 =	vld [tilespmem:s20+$0x0];
	v6 =	vadd.s32 v30, v22;
	v15 =	vadd.f32 v8, v24  }
0x1a4: {  	v27 =	vadd.s32 $0x4, v39;
	v8 =	vld [tilespmem:s20+$0xFFFFFFF0];
	v24 =	vmul.f32 v38, v25  }
0x1a5: {  	[tilespmem:s9+$0x180] =	vst v15;
	v15 =	vld.idx.msk [tilespmem:v7+s3+$0x0], $0xffff  }
0x1a6: {  	v16 =	vadd.f32 v16, v24;
	v0 =	vld.idx.msk [tilespmem:v0+s3+$0x0], $0xffff;
	_ =	sdelay $0x1  }
0x1a7: {  	s21 =	simm.s32 $0x100;
	v31 =	vadd.s32 $0x1, v7;
	v24 =	vmul.f32 v4, v29;
	[tilespmem:s6+$0x180] =	vst v16;
	v16 =	vld.idx.msk [tilespmem:v6+s3+$0x0], $0xffff  }
0x1a8: {  	s25 =	simm.s32 $0x30;
	s0 =	sand.u32 $0x1C00, s21;
	v48 =	vmul.f32 v14, v23;
	v49 =	vadd.s32 $0x5, v42;
	v27 =	vld.idx.msk [tilespmem:v27+s3+$0x0], $0xffff  }
0x1a9: {  	s28 =	sand.u32 $0x70, s25;
	s26 =	sadd.s32 $0x6D00, s0;
	v15 =	vadd.f32 v24, v15  }
0x1aa: {  	s0 =	sor.u32 s28, s26;
	v50 =	vadd.s32 $0x1, v6;
	v24 =	vmul.f32 v8, v29;
	v0 =	vadd.f32 v0, v48  }
0x1ab: {  	s31 =	simm.s32 $0x20;
	v51 =	vmul.f32 v38, v23;
	[tilespmem:s0+$0x0] =	vst v15  }
0x1ac: {  	s1 =	sand.u32 $0x60, s31;
	v15 =	vadd.s32 $0x5, v39;
	[tilespmem:s9+$0x200] =	vst v0;
	v0 =	vadd.f32 v24, v16;
	v16 =	vld.idx.msk [tilespmem:v31+s3+$0x0], $0xffff  }
0x1ad: {  	s1 =	sor.u32 s1, s26;
	v27 =	vadd.f32 v27, v51;
	v24 =	vld.idx.msk [tilespmem:v49+s3+$0x0], $0xffff  }
0x1ae: {  	[tilespmem:s1+$0x0] =	vst v0  }
0x1af: {  	v31 =	vadd.s32 $0x2, v7;
	[tilespmem:s6+$0x200] =	vst v27;
	v27 =	vmul.f32 v4, v28;
	v0 =	vld.idx.msk [tilespmem:v50+s3+$0x0], $0xffff  }
0x1b0: {  	v52 =	vmul.f32 v14, v21;
	v53 =	vadd.s32 $0x6, v42  }
0x1b1: {  	v15 =	vld.idx.msk [tilespmem:v15+s3+$0x0], $0xffff;
	v16 =	vadd.f32 v16, v27  }
0x1b2: {  	v54 =	vadd.s32 $0x2, v6;
	v27 =	vmul.f32 v8, v28;
	v24 =	vadd.f32 v24, v52  }
0x1b3: {  	[tilespmem:s0+$0x80] =	vst v16  }
0x1b4: {  	v55 =	vadd.s32 $0x6, v39;
	v16 =	vmul.f32 v38, v21;
	[tilespmem:s9+$0x280] =	vst v24;
	v0 =	vadd.f32 v0, v27;
	v24 =	vld.idx.msk [tilespmem:v31+s3+$0x0], $0xffff  }
0x1b5: {  	s10 =	simm.s32 $0x2150;
	v27 =	vld.idx.msk [tilespmem:v53+s3+$0x0], $0xffff  }
0x1b6: {  	v15 =	vadd.f32 v15, v16;
	v16 =	vld [tilespmem:s10+$0x0];
	[tilespmem:s1+$0x80] =	vst v0  }
0x1b7: {  	v0 =	vld.idx.msk [tilespmem:v54+s3+$0x0], $0xffff  }
0x1b8: {  	v56 =	vmul.f32 v14, v19;
	v31 =	vadd.s32 $0x3, v7;
	[tilespmem:s6+$0x280] =	vst v15;
	v15 =	vmul.f32 v4, v26  }
0x1b9: {  	v57 =	vadd.s32 $0x7, v42;
	v34 =	vld.idx.msk [tilespmem:v55+s3+$0x0], $0xffff  }
0x1ba: {  	v15 =	vadd.f32 v24, v15;
	v24 =	vadd.f32 v27, v56;
	v27 =	vmul.f32 v8, v26  }
0x1bb: {  	v59 =	vld [tilespmem:s10+$0xFFFFFFF0];
	v58 =	vadd.s32 $0x3, v6  }
0x1bc: {  	[tilespmem:s0+$0x100] =	vst v15;
	v15 =	vmul.f32 v38, v19;
	v0 =	vadd.f32 v0, v27;
	v27 =	vshrl.u32 v16, $0x7  }
0x1bd: {  	v60 =	vadd.s32 $0x7, v39;
	[tilespmem:s9+$0x300] =	vst v24;
	v24 =	vld.idx.msk [tilespmem:v31+s3+$0x0], $0xffff;
	v16 =	vadd.s32 v16, v27  }
0x1be: {  	v31 =	vld.idx.msk [tilespmem:v57+s3+$0x0], $0xffff;
	v15 =	vadd.f32 v34, v15;
	[tilespmem:$0x1FFA0] =	vst v16  }
0x1bf: {  	v11 =	vand.u32 $0x7, v11;
	v61 =	vmul.f32 v4, v25;
	[tilespmem:s1+$0x100] =	vst v0  }
0x1c0: {  	v27 =	vand.u32 $0xFFFFFFF8, v42;
	v16 =	vadd.s32 v30, v16;
	[tilespmem:s6+$0x300] =	vst v15;
	v15 =	vshrl.u32 v59, $0x7  }
0x1c1: {  	v11 =	vor.u32 v11, v27;
	v0 =	vadd.s32 $0x4, v7;
	v27 =	vld.idx.msk [tilespmem:v58+s3+$0x0], $0xffff;
	v15 =	vadd.s32 v59, v15  }
0x1c2: {  	s12 =	simm.s32 $0x2950;
	v63 =	vld.idx.msk [tilespmem:v60+s3+$0x0], $0xffff;
	[tilespmem:$0x1FF90] =	vst v15  }
0x1c3: {  	v62 =	vmul.f32 v14, v18;
	v40 =	vadd.s32 $0x8, v11;
	v24 =	vadd.f32 v24, v61;
	v11 =	vld [tilespmem:s12+$0x0]  }
0x1c4: {  	v43 =	vand.u32 $0x7, v10;
	v41 =	vand.u32 $0xFFFFFFF8, v39;
	v15 =	vadd.s32 v30, v15  }
0x1c5: {  	v46 =	vadd.s32 $0x4, v6;
	v45 =	vmul.f32 v8, v25;
	v31 =	vadd.f32 v31, v62;
	[tilespmem:s0+$0x180] =	vst v24;
	v24 =	vld.idx.msk [tilespmem:v16+s3+$0x0], $0xffff  }
0x1c6: {  	v44 =	vor.u32 v43, v41;
	v0 =	vld.idx.msk [tilespmem:v0+s3+$0x0], $0xffff  }
0x1c7: {  	v47 =	vmul.f32 v38, v18;
	v32 =	vadd.s32 $0x8, v44;
	v10 =	vld [tilespmem:s12+$0xFFFFFFF0];
	[tilespmem:s9+$0x380] =	vst v31;
	v27 =	vadd.f32 v27, v45  }
0x1c8: {  	s13 =	simm.s32 $0x200;
	v50 =	vadd.s32 $0x1, v16;
	v31 =	vld.idx.msk [tilespmem:v40+s3+$0x0], $0xffff;
	v49 =	vmul.f32 v11, v29  }
0x1c9: {  	s14 =	simm.s32 $0x50;
	s7 =	sand.u32 $0x1C00, s13;
	v51 =	vmul.f32 v4, v23;
	v52 =	vadd.s32 $0x5, v7;
	v48 =	vadd.f32 v63, v47;
	[tilespmem:s1+$0x180] =	vst v27;
	v27 =	vld.idx.msk [tilespmem:v15+s3+$0x0], $0xffff  }
0x1ca: {  	s15 =	sadd.s32 $0x6D00, s7;
	s16 =	sand.u32 $0x70, s14;
	v53 =	vld.idx.msk [tilespmem:v46+s3+$0x0], $0xffff;
	v24 =	vadd.f32 v49, v24  }
0x1cb: {  	s7 =	sor.u32 s16, s15;
	v54 =	vmul.f32 v14, v17;
	v55 =	vadd.s32 $0x9, v42;
	[tilespmem:s6+$0x380] =	vst v48;
	v0 =	vadd.f32 v0, v51  }
0x1cc: {  	v57 =	vadd.s32 $0x1, v15;
	v56 =	vmul.f32 v10, v29;
	v32 =	vld.idx.msk [tilespmem:v32+s3+$0x0], $0xffff;
	[tilespmem:s7+$0x0] =	vst v24  }
0x1cd: {  	s20 =	simm.s32 $0x40;
	v31 =	vadd.f32 v31, v54;
	v24 =	vmul.f32 v8, v23;
	[tilespmem:s0+$0x200] =	vst v0;
	v0 =	vadd.s32 $0x5, v6;
	v58 =	vld.idx.msk [tilespmem:v50+s3+$0x0], $0xffff  }
0x1ce: {  	s10 =	sand.u32 $0x60, s20;
	v27 =	vadd.f32 v56, v27;
	v60 =	vld.idx.msk [tilespmem:v52+s3+$0x0], $0xffff  }
0x1cf: {  	s10 =	sor.u32 s10, s15;
	v59 =	vmul.f32 v38, v17;
	v61 =	vadd.s32 $0x9, v39;
	[tilespmem:s9+$0x2000] =	vst v31;
	v24 =	vadd.f32 v53, v24  }
0x1d0: {  	v63 =	vadd.s32 $0x2, v16;
	v62 =	vmul.f32 v11, v28;
	v31 =	vld.idx.msk [tilespmem:v55+s3+$0x0], $0xffff;
	[tilespmem:s10+$0x0] =	vst v27  }
0x1d1: {  	v44 =	vmul.f32 v4, v21;
	v45 =	vadd.s32 $0x6, v7;
	v27 =	vadd.f32 v32, v59;
	[tilespmem:s1+$0x200] =	vst v24;
	v24 =	vld.idx.msk [tilespmem:v57+s3+$0x0], $0xffff  }
0x1d2: {  	v0 =	vld.idx.msk [tilespmem:v0+s3+$0x0], $0xffff;
	v32 =	vadd.f32 v58, v62  }
0x1d3: {  	v46 =	vadd.s32 $0xA, v42;
	[tilespmem:s6+$0x2000] =	vst v27;
	v27 =	vmul.f32 v14, v13;
	v34 =	vadd.f32 v60, v44  }
0x1d4: {  	v48 =	vmul.f32 v10, v28;
	v49 =	vadd.s32 $0x2, v15;
	v47 =	vld.idx.msk [tilespmem:v61+s3+$0x0], $0xffff;
	[tilespmem:s7+$0x80] =	vst v32  }
0x1d5: {  	v50 =	vadd.s32 $0x6, v6;
	v27 =	vadd.f32 v31, v27;
	v31 =	vmul.f32 v8, v21;
	[tilespmem:s0+$0x280] =	vst v34;
	v33 =	vld.idx.msk [tilespmem:v63+s3+$0x0], $0xffff  }
0x1d6: {  	s21 =	simm.s32 $0x2170;
	v43 =	vadd.s32 $0xB, v39;
	v34 =	vld.idx.msk [tilespmem:v45+s3+$0x0], $0xffff;
	v24 =	vadd.f32 v24, v48  }
0x1d7: {  	v41 =	vld [tilespmem:s21+$0x0];
	v51 =	vmul.f32 v38, v13;
	v52 =	vadd.s32 $0xA, v39;
	[tilespmem:s9+$0x2080] =	vst v27;
	v0 =	vadd.f32 v0, v31  }
0x1d8: {  	v54 =	vadd.s32 $0x3, v16;
	v56 =	vmul.f32 v14, v12;
	v53 =	vmul.f32 v11, v26;
	v31 =	vld.idx.msk [tilespmem:v46+s3+$0x0], $0xffff;
	[tilespmem:s10+$0x80] =	vst v24  }
0x1d9: {  	v20 =	vand.u32 $0x7, v20;
	v24 =	vadd.f32 v47, v51;
	v40 =	vld.idx.msk [tilespmem:v49+s3+$0x0], $0xffff;
	[tilespmem:s1+$0x280] =	vst v0;
	v0 =	vmul.f32 v4, v19  }
0x1da: {  	v55 =	vadd.s32 $0x7, v7;
	v59 =	vmul.f32 v10, v26;
	v32 =	vld.idx.msk [tilespmem:v50+s3+$0x0], $0xffff;
	v33 =	vadd.f32 v33, v53  }
0x1db: {  	v35 =	vld [tilespmem:s21+$0xFFFFFFF0];
	v57 =	vadd.s32 $0xB, v42;
	v58 =	vmul.f32 v38, v12;
	[tilespmem:s6+$0x2080] =	vst v24;
	v0 =	vadd.f32 v34, v0  }
0x1dc: {  	v60 =	vadd.s32 $0x3, v15;
	v61 =	vadd.s32 $0x7, v6;
	v62 =	vmul.f32 v4, v18;
	v37 =	vld.idx.msk [tilespmem:v52+s3+$0x0], $0xffff;
	[tilespmem:s7+$0x100] =	vst v33  }
0x1dd: {  	s25 =	simm.s32 $0x2970;
	v27 =	vand.u32 $0xFFFFFFF8, v6;
	v31 =	vadd.f32 v31, v56;
	[tilespmem:s0+$0x300] =	vst v0;
	v0 =	vmul.f32 v8, v19;
	v63 =	vld.idx.msk [tilespmem:v54+s3+$0x0], $0xffff  }
0x1de: {  	v24 =	vand.u32 $0xFFFFFFF8, v7;
	v53 =	vand.u32 $0x7, v22;
	v22 =	vld [tilespmem:s25+$0xFFFFFFF0];
	v34 =	vadd.f32 v40, v59  }
0x1df: {  	v20 =	vor.u32 v20, v24;
	v45 =	vld.idx.msk [tilespmem:v55+s3+$0x0], $0xffff;
	[tilespmem:s9+$0x2100] =	vst v31;
	v54 =	vshrl.u32 v41, $0x7;
	v0 =	vadd.f32 v32, v0  }
0x1e0: {  	v31 =	vadd.s32 $0x4, v16;
	v55 =	vmul.f32 v11, v25;
	v32 =	vld.idx.msk [tilespmem:v57+s3+$0x0], $0xffff;
	[tilespmem:s10+$0x100] =	vst v34;
	v34 =	vadd.s32 v41, v54  }
0x1e1: {  	v56 =	vshrl.u32 v35, $0x7;
	v57 =	vld.idx.msk [tilespmem:v60+s3+$0x0], $0xffff;
	[tilespmem:s1+$0x300] =	vst v0;
	v24 =	vadd.s32 v30, v34;
	v0 =	vadd.f32 v37, v58  }
0x1e2: {  	v49 =	vadd.s32 $0x8, v20;
	v36 =	vadd.s32 v35, v56;
	v35 =	vld.idx.msk [tilespmem:v61+s3+$0x0], $0xffff;
	v55 =	vadd.f32 v63, v55  }
0x1e3: {  	v20 =	vld [tilespmem:s25+$0x0];
	v58 =	vor.u32 v53, v27;
	v27 =	vadd.s32 v30, v36;
	[tilespmem:s6+$0x2100] =	vst v0  }
0x1e4: {  	v59 =	vmul.f32 v10, v25;
	v60 =	vadd.s32 $0x4, v15;
	v0 =	vadd.f32 v45, v62;
	v43 =	vld.idx.msk [tilespmem:v43+s3+$0x0], $0xffff;
	[tilespmem:s7+$0x180] =	vst v55  }
0x1e5: {  	v61 =	vmul.f32 v8, v18;
	v63 =	vld.idx.msk [tilespmem:v31+s3+$0x0], $0xffff  }
0x1e6: {  	v62 =	vadd.s32 $0x8, v58;
	[tilespmem:s0+$0x380] =	vst v0;
	v40 =	vadd.f32 v57, v59;
	v0 =	vld.idx.msk [tilespmem:v24+s3+$0x0], $0xffff  }
0x1e7: {  	v56 =	vmul.f32 v14, v9;
	v57 =	vadd.s32 $0xC, v42;
	v47 =	vld.idx.msk [tilespmem:v49+s3+$0x0], $0xffff;
	v35 =	vadd.f32 v35, v61  }
0x1e8: {  	v50 =	vadd.s32 $0xC, v39;
	v59 =	vmul.f32 v38, v9;
	v53 =	vld.idx.msk [tilespmem:v27+s3+$0x0], $0xffff;
	[tilespmem:s10+$0x180] =	vst v40  }
0x1e9: {  	v54 =	vadd.s32 $0x5, v16;
	v58 =	vadd.f32 v32, v56;
	[tilespmem:s1+$0x380] =	vst v35;
	v35 =	vld.idx.msk [tilespmem:v60+s3+$0x0], $0xffff;
	v60 =	vmul.f32 v11, v23  }
0x1ea: {  	s15 =	simm.s32 $0x300;
	v55 =	vadd.s32 $0x1, v24;
	v61 =	vmul.f32 v20, v29;
	v40 =	vadd.f32 v43, v59  }
0x1eb: {  	s16 =	simm.s32 $0x70;
	s26 =	sand.u32 $0x1C00, s15;
	[tilespmem:s9+$0x2180] =	vst v58;
	v51 =	vld.idx.msk [tilespmem:v62+s3+$0x0], $0xffff;
	v62 =	vmul.f32 v4, v17;
	v43 =	vadd.f32 v63, v60  }
0x1ec: {  	s28 =	sand.u32 $0x70, s16;
	s12 =	sadd.s32 $0x6D00, s26;
	v52 =	vadd.s32 $0x9, v7;
	v41 =	vld.idx.msk [tilespmem:v57+s3+$0x0], $0xffff;
	v63 =	vmul.f32 v22, v29;
	v0 =	vadd.f32 v61, v0;
	[tilespmem:s6+$0x2180] =	vst v40  }
0x1ed: {  	s31 =	simm.s32 $0x60;
	s13 =	sor.u32 s28, s12;
	v40 =	vadd.s32 $0x1, v27;
	v62 =	vadd.f32 v47, v62;
	v45 =	vld.idx.msk [tilespmem:v50+s3+$0x0], $0xffff;
	[tilespmem:s7+$0x200] =	vst v43  }
0x1ee: {  	s14 =	sand.u32 $0x60, s31;
	v61 =	vmul.f32 v10, v23;
	v63 =	vadd.f32 v63, v53;
	[tilespmem:s13+$0x0] =	vst v0;
	v0 =	vadd.s32 $0x5, v15;
	v50 =	vld.idx.msk [tilespmem:v54+s3+$0x0], $0xffff  }
0x1ef: {  	s14 =	sor.u32 s14, s12;
	s25 =	simm.s32 $0x2190;
	v56 =	vadd.s32 $0x9, v6;
	v60 =	vmul.f32 v8, v17;
	v54 =	vld.idx.msk [tilespmem:v55+s3+$0x0], $0xffff;
	[tilespmem:s0+$0x2000] =	vst v62  }
0x1f0: {  	v46 =	vmul.f32 v14, v5;
	v53 =	vadd.s32 $0xD, v42;
	v55 =	vadd.f32 v35, v61;
	v62 =	vld [tilespmem:s25+$0xFFFFFFF0];
	[tilespmem:s14+$0x0] =	vst v63  }
0x1f1: {  	v57 =	vadd.s32 $0xD, v39;
	v49 =	vadd.f32 v51, v60;
	v51 =	vld.idx.msk [tilespmem:v52+s3+$0x0], $0xffff;
	v52 =	vmul.f32 v38, v5;
	[tilespmem:$0x1FF70] =	vst v1  }
0x1f2: {  	v58 =	vadd.s32 $0x6, v16;
	v61 =	vmul.f32 v11, v21;
	v43 =	vadd.f32 v41, v46;
	[tilespmem:s10+$0x200] =	vst v55;
	v47 =	vld.idx.msk [tilespmem:v40+s3+$0x0], $0xffff  }
0x1f3: {  	v59 =	vadd.s32 $0x2, v24;
	v63 =	vmul.f32 v20, v28;
	[tilespmem:s1+$0x2000] =	vst v49;
	v45 =	vadd.f32 v45, v52;
	v0 =	vld.idx.msk [tilespmem:v0+s3+$0x0], $0xffff  }
0x1f4: {  	v52 =	vmul.f32 v4, v13;
	v55 =	vadd.s32 $0xA, v7;
	[tilespmem:s9+$0x2200] =	vst v43;
	v43 =	vadd.f32 v50, v61;
	v50 =	vld.idx.msk [tilespmem:v56+s3+$0x0], $0xffff  }
0x1f5: {  	v49 =	vadd.f32 v54, v63;
	[tilespmem:s6+$0x2200] =	vst v45;
	v45 =	vld.idx.msk [tilespmem:v53+s3+$0x0], $0xffff;
	v53 =	vmul.f32 v22, v28  }
0x1f6: {  	v35 =	vmul.f32 v38, v1;
	v60 =	vadd.f32 v51, v52;
	v51 =	vld.idx.msk [tilespmem:v57+s3+$0x0], $0xffff;
	[tilespmem:s7+$0x280] =	vst v43  }
0x1f7: {  	v44 =	vadd.s32 $0xE, v42;
	v61 =	vmul.f32 v10, v21;
	[tilespmem:s13+$0x80] =	vst v49;
	v56 =	vld.idx.msk [tilespmem:v58+s3+$0x0], $0xffff;
	v47 =	vadd.f32 v47, v53  }
0x1f8: {  	v41 =	vadd.s32 $0xF, v42;
	v46 =	vadd.s32 $0xE, v39;
	v42 =	vmul.f32 v8, v13;
	v53 =	vld.idx.msk [tilespmem:v59+s3+$0x0], $0xffff;
	[tilespmem:s0+$0x2080] =	vst v60  }
0x1f9: {  	v40 =	vadd.s32 $0xF, v39;
	v0 =	vadd.f32 v0, v61;
	v49 =	vld.idx.msk [tilespmem:v55+s3+$0x0], $0xffff;
	v55 =	vmul.f32 v14, v3;
	[tilespmem:s14+$0x80] =	vst v47  }
0x1fa: {  	v63 =	vmul.f32 v38, v2;
	v38 =	vmul.f32 v38, v3;
	v60 =	vld [tilespmem:s25+$0x0];
	v39 =	vadd.f32 v50, v42;
	[tilespmem:$0x1FF80] =	vst v2  }
0x1fb: {  	v54 =	vadd.s32 $0x2, v27;
	v42 =	vmul.f32 v20, v26;
	v55 =	vadd.f32 v45, v55;
	[tilespmem:s10+$0x280] =	vst v0  }
0x1fc: {  	v38 =	vadd.f32 v51, v38;
	v0 =	vmul.f32 v11, v19;
	[tilespmem:s1+$0x2080] =	vst v39  }
0x1fd: {  	v52 =	vadd.s32 $0x6, v15;
	[tilespmem:s9+$0x2280] =	vst v55;
	v53 =	vadd.f32 v53, v42  }
0x1fe: {  	v58 =	vadd.s32 $0xA, v6;
	[tilespmem:s6+$0x2280] =	vst v38;
	v0 =	vadd.f32 v56, v0  }
0x1ff: {  	[tilespmem:s13+$0x100] =	vst v53  }
0x200: {  	v61 =	vadd.s32 $0x3, v24;
	v57 =	vld.idx.msk [tilespmem:v54+s3+$0x0], $0xffff;
	[tilespmem:s7+$0x300] =	vst v0  }
0x201: {  	v1 =	vld [tilespmem:$0x1FF90]  }
0x202: {  	v52 =	vld.idx.msk [tilespmem:v52+s3+$0x0], $0xffff  }
0x203: {  	v48 =	vand.u32 $0xFFFFFFF8, v15;
	v33 =	vmul.f32 v4, v9;
	v37 =	vand.u32 $0xFFFFFFF8, v27;
	v45 =	vld.idx.msk [tilespmem:v58+s3+$0x0], $0xffff  }
0x204: {  	v32 =	vmul.f32 v20, v9;
	v31 =	vmul.f32 v11, v9;
	v54 =	vadd.s32 $0x7, v16;
	v46 =	vld.idx.msk [tilespmem:v46+s3+$0x0], $0xffff  }
0x205: {  	v43 =	vadd.s32 $0xB, v6;
	v39 =	vadd.s32 $0xB, v7;
	v58 =	vmul.f32 v4, v12;
	v59 =	vld.idx.msk [tilespmem:v61+s3+$0x0], $0xffff  }
0x206: {  	v50 =	vmul.f32 v14, v2;
	v47 =	vmul.f32 v8, v12;
	v61 =	vand.u32 $0x7, v1;
	v1 =	vld [tilespmem:$0x1FFA0]  }
0x207: {  	v38 =	vadd.s32 $0x3, v27;
	v42 =	vld.idx.msk [tilespmem:v44+s3+$0x0], $0xffff;
	v44 =	vmul.f32 v22, v26;
	v0 =	vadd.f32 v49, v58  }
0x208: {  	v55 =	vand.u32 $0xFFFFFFF8, v16;
	v53 =	vadd.s32 $0x7, v15;
	v49 =	vmul.f32 v10, v19  }
0x209: {  	v56 =	vmul.f32 v11, v18;
	v58 =	vadd.s32 $0x4, v24;
	v54 =	vld.idx.msk [tilespmem:v54+s3+$0x0], $0xffff;
	v51 =	vadd.f32 v57, v44;
	[tilespmem:s0+$0x2100] =	vst v0  }
0x20a: {  	s26 =	simm.s32 $0x2990;
	v0 =	vadd.f32 v52, v49;
	v52 =	vor.u32 v61, v48;
	v44 =	vld.idx.msk [tilespmem:v39+s3+$0x0], $0xffff;
	v48 =	vshrl.u32 v60, $0x7  }
0x20b: {  	[tilespmem:s14+$0x100] =	vst v51;
	v49 =	vadd.f32 v46, v63;
	v39 =	vld [tilespmem:s26+$0xFFFFFFF0];
	v51 =	vadd.s32 v60, v48;
	v57 =	vand.u32 $0x7, v1  }
0x20c: {  	v60 =	vld.idx.msk [tilespmem:v38+s3+$0x0], $0xffff;
	[tilespmem:s10+$0x300] =	vst v0;
	v48 =	vadd.f32 v42, v50;
	v57 =	vor.u32 v57, v55;
	v55 =	vshrl.u32 v62, $0x7  }
0x20d: {  	s12 =	simm.s32 $0x8;
	v61 =	vmul.f32 v20, v25;
	v38 =	vadd.s32 v30, v51;
	v53 =	vld.idx.msk [tilespmem:v53+s3+$0x0], $0xffff;
	v55 =	vadd.s32 v62, v55  }
.LBB2_5:
0x20e: {  	v0 =	vld [tilespmem:s26+$0x0];
	v45 =	vadd.f32 v45, v47;
	[tilespmem:s9+$0x2300] =	vst v48  }
0x20f: {  	v46 =	vadd.s32 v30, v55;
	v42 =	vmov v10;
	v1 =	vld [tilespmem:$0x1FF70];
	[tilespmem:s6+$0x2300] =	vst v49  }
0x210: {  	v10 =	vmovc v22;
	v50 =	vmov v34;
	v63 =	vadd.s32 $0x8, v57;
	v22 =	vadd.f32 v59, v61;
	v41 =	vld.idx.msk [tilespmem:v41+s3+$0x0], $0xffff;
	[tilespmem:s1+$0x2100] =	vst v45  }
0x211: {  	v34 =	vmovc v51;
	v52 =	vadd.s32 $0x8, v52;
	v54 =	vadd.f32 v54, v56;
	v59 =	vmul.f32 v10, v25;
	v40 =	vld.idx.msk [tilespmem:v40+s3+$0x0], $0xffff  }
0x212: {  	v62 =	vadd.s32 $0xC, v7;
	v45 =	vadd.s32 $0x4, v27;
	v43 =	vld.idx.msk [tilespmem:v43+s3+$0x0], $0xffff;
	v44 =	vadd.f32 v44, v33;
	v33 =	vmovc v31;
	[tilespmem:s13+$0x180] =	vst v22  }
0x213: {  	v22 =	vmul.f32 v42, v18;
	v31 =	vmov v32;
	v49 =	vadd.f32 v60, v59;
	v60 =	vld.idx.msk [tilespmem:v58+s3+$0x0], $0xffff;
	[tilespmem:s7+$0x380] =	vst v54  }
0x214: {  	v61 =	vmul.f32 v14, v1;
	v14 =	vmovc v4;
	v32 =	vmul.f32 v0, v9;
	v4 =	vmovc v11;
	v11 =	vmov v20  }
0x215: {  	v20 =	vmovc v0;
	v0 =	vmov v7;
	v54 =	vadd.s32 $0x5, v24;
	v56 =	vld.idx.msk [tilespmem:v38+s3+$0x0], $0xffff;
	v2 =	vadd.f32 v53, v22;
	[tilespmem:s0+$0x2180] =	vst v44  }
0x216: {  	v7 =	vmov v16;
	[tilespmem:s14+$0x180] =	vst v49;
	v47 =	vld.idx.msk [tilespmem:v63+s3+$0x0], $0xffff;
	v63 =	vmul.f32 v8, v9;
	v41 =	vadd.f32 v41, v61  }
0x217: {  	s15 =	sadd.s32 $0x100, s15;
	v53 =	vadd.s32 $0xC, v6;
	v59 =	vmul.f32 v11, v23;
	v57 =	vld.idx.msk [tilespmem:v46+s3+$0x0], $0xffff;
	[tilespmem:s10+$0x380] =	vst v2;
	v35 =	vadd.f32 v40, v35  }
0x218: {  	s16 =	sadd.s32 $0x20, s16;
	s20 =	sand.u32 $0x1C00, s15;
	v16 =	vmul.f32 v20, v29;
	v22 =	vmov v39;
	v39 =	vld.idx.msk [tilespmem:v45+s3+$0x0], $0xffff;
	v43 =	vadd.f32 v43, v63;
	[tilespmem:s9+$0x2380] =	vst v41  }
0x219: {  	v51 =	vmovc v36;
	v36 =	vmov v55;
	s28 =	sand.u32 $0x70, s16;
	s20 =	sadd.s32 $0x6D00, s20;
	v40 =	vadd.s32 $0x1, v38;
	v52 =	vld.idx.msk [tilespmem:v52+s3+$0x0], $0xffff;
	v41 =	vadd.f32 v60, v59;
	[tilespmem:s6+$0x2380] =	vst v35;
	s6 =	smov.u32 s1  }
0x21a: {  	v55 =	vmul.f32 v8, v5;
	s9 =	smov.u32 s0;
	s0 =	smov.u32 s7;
	s7 =	smov.u32 s13;
	v60 =	vmul.f32 v4, v17;
	v2 =	vadd.f32 v16, v56;
	[tilespmem:s6+$0x2180] =	vst v43  }
0x21b: {  	v48 =	vand.u32 $0xFFFFFFF8, v46;
	v49 =	vadd.s32 $0x9, v7;
	v61 =	vmul.f32 v22, v29;
	s13 =	sor.u32 s28, s20;
	v44 =	vld.idx.msk [tilespmem:v62+s3+$0x0], $0xffff;
	[tilespmem:s7+$0x200] =	vst v41  }
0x21c: {  	s21 =	sadd.s32 $0xFFFFFFF0, s16;
	v50 =	vand.u32 $0x7, v50;
	v63 =	vmul.f32 v10, v23;
	v60 =	vadd.f32 v47, v60;
	v45 =	vld.idx.msk [tilespmem:v53+s3+$0x0], $0xffff;
	[tilespmem:s13+$0x0] =	vst v2  }
0x21d: {  	s31 =	sand.u32 $0x60, s21;
	v62 =	vmul.f32 v42, v17;
	v43 =	vadd.s32 $0x1, v46;
	v35 =	vadd.f32 v61, v57;
	v53 =	vld.idx.msk [tilespmem:v54+s3+$0x0], $0xffff  }
0x21e: {  	s1 =	smov.u32 s10;
	s10 =	smov.u32 s14;
	s14 =	sor.u32 s31, s20;
	v56 =	vadd.s32 $0xD, v6;
	v47 =	vadd.s32 $0x5, v27;
	v57 =	vld.idx.msk [tilespmem:v40+s3+$0x0], $0xffff;
	v2 =	vadd.f32 v39, v63;
	[tilespmem:s0+$0x2000] =	vst v60  }
0x21f: {  	v39 =	vadd.s32 $0x9, v15;
	v40 =	vmul.f32 v14, v5;
	[tilespmem:s14+$0x0] =	vst v35;
	v35 =	vmul.f32 v8, v1;
	v1 =	vld [tilespmem:$0x1FF80]  }
0x220: {  	s25 =	sadd.s32 $0x20, s25;
	v16 =	vmovc v24;
	v41 =	vadd.s32 $0xF, v0;
	v54 =	vadd.s32 $0xD, v0;
	v52 =	vadd.f32 v52, v62;
	v49 =	vld.idx.msk [tilespmem:v49+s3+$0x0], $0xffff  }
0x221: {  	v24 =	vmovc v38;
	v61 =	vmul.f32 v11, v21;
	v58 =	vadd.s32 $0x6, v16;
	v62 =	vld [tilespmem:s25+$0xFFFFFFF0];
	[tilespmem:s10+$0x200] =	vst v2;
	v44 =	vadd.f32 v44, v40  }
0x222: {  	v59 =	vadd.s32 $0x2, v24;
	v63 =	vmul.f32 v20, v28;
	v38 =	vld.idx.msk [tilespmem:v43+s3+$0x0], $0xffff;
	[tilespmem:s1+$0x2000] =	vst v52;
	v45 =	vadd.f32 v45, v55  }
0x223: {  	v40 =	vadd.s32 $0xF, v6;
	v47 =	vld.idx.msk [tilespmem:v47+s3+$0x0], $0xffff;
	[tilespmem:s9+$0x2200] =	vst v44;
	v44 =	vmul.f32 v4, v13;
	v43 =	vadd.f32 v53, v61  }
0x224: {  	v39 =	vld.idx.msk [tilespmem:v39+s3+$0x0], $0xffff;
	v53 =	vadd.s32 $0xA, v7;
	v52 =	vadd.f32 v57, v63;
	[tilespmem:s6+$0x2200] =	vst v45;
	v63 =	vmul.f32 v8, v1  }
0x225: {  	v55 =	vadd.s32 $0x2, v46;
	v45 =	vld.idx.msk [tilespmem:v54+s3+$0x0], $0xffff;
	v54 =	vmul.f32 v22, v28;
	v61 =	vmul.f32 v10, v21;
	[tilespmem:s7+$0x280] =	vst v43  }
0x226: {  	v57 =	vadd.s32 $0xE, v6;
	v6 =	vmovc v15;
	v60 =	vadd.f32 v49, v44;
	v44 =	vld.idx.msk [tilespmem:v56+s3+$0x0], $0xffff;
	[tilespmem:s13+$0x80] =	vst v52;
	v52 =	vadd.s32 $0x6, v27  }
0x227: {  	v8 =	vmul.f32 v8, v3;
	v56 =	vld.idx.msk [tilespmem:v58+s3+$0x0], $0xffff;
	v2 =	vadd.f32 v38, v54;
	v54 =	vmul.f32 v42, v13  }
0x228: {  	v38 =	vld.idx.msk [tilespmem:v59+s3+$0x0], $0xffff;
	v58 =	vadd.s32 $0xA, v6;
	[tilespmem:s0+$0x2080] =	vst v60;
	v59 =	vmul.f32 v14, v3;
	v47 =	vadd.f32 v47, v61  }
0x229: {  	v0 =	vadd.s32 $0xE, v0;
	v1 =	vmul.f32 v14, v1;
	v49 =	vld.idx.msk [tilespmem:v53+s3+$0x0], $0xffff;
	[tilespmem:s14+$0x80] =	vst v2;
	v39 =	vadd.f32 v39, v54  }
0x22a: {  	v15 =	vmov v27;
	v61 =	vmul.f32 v11, v19;
	v53 =	vadd.f32 v45, v59;
	v27 =	vld.idx.msk [tilespmem:v55+s3+$0x0], $0xffff;
	[tilespmem:s10+$0x280] =	vst v47  }
0x22b: {  	v54 =	vadd.s32 $0x7, v16;
	v55 =	vmul.f32 v20, v26;
	v8 =	vadd.f32 v44, v8;
	v52 =	vld.idx.msk [tilespmem:v52+s3+$0x0], $0xffff;
	[tilespmem:s1+$0x2080] =	vst v39  }
0x22c: {  	v43 =	vadd.s32 $0xB, v6;
	v60 =	vld [tilespmem:s25+$0x0];
	v59 =	vadd.s32 $0x3, v24;
	[tilespmem:s9+$0x2280] =	vst v53;
	v39 =	vadd.f32 v56, v61  }
0x22d: {  	v2 =	vadd.s32 $0x7, v15;
	v45 =	vld.idx.msk [tilespmem:v58+s3+$0x0], $0xffff;
	v58 =	vmul.f32 v4, v12;
	v38 =	vadd.f32 v38, v55;
	[tilespmem:s6+$0x2280] =	vst v8  }
0x22e: {  	v47 =	vmul.f32 v42, v12;
	v61 =	vadd.s32 $0xB, v7;
	v0 =	vld.idx.msk [tilespmem:v0+s3+$0x0], $0xffff;
	v8 =	vmul.f32 v22, v26;
	[tilespmem:s7+$0x300] =	vst v39  }
0x22f: {  	s12 =	sadd.s32 $0x2, s12;
	v44 =	vand.u32 $0x7, v51;
	v55 =	vadd.s32 $0x3, v46;
	v39 =	vadd.f32 v49, v58;
	v49 =	vld.idx.msk [tilespmem:v57+s3+$0x0], $0xffff;
	[tilespmem:s13+$0x100] =	vst v38  }
0x230: {  	p0 =	slt.u32 s12, $0x3E;
	v53 =	vand.u32 $0xFFFFFFF8, v16;
	v38 =	vmul.f32 v10, v19;
	v54 =	vld.idx.msk [tilespmem:v54+s3+$0x0], $0xffff;
	v8 =	vadd.f32 v27, v8  }
.Ltmp1:
0x231: {  	s26 =	sadd.s32 $0x20, s26;
	v56 =	vmul.f32 v11, v18;
	v51 =	vshrl.u32 v60, $0x7;
	v58 =	vadd.s32 $0x4, v24;
	v59 =	vld.idx.msk [tilespmem:v59+s3+$0x0], $0xffff;
	(pc) =	sbr.rel @p0 .LBB2_5-.Ltmp1, $4  }
0x232: {  	v57 =	vor.u32 v50, v53;
	v51 =	vadd.s32 v60, v51;
	[tilespmem:s0+$0x2100] =	vst v39;
	v38 =	vadd.f32 v52, v38;
	v39 =	vld [tilespmem:s26+$0xFFFFFFF0]  }
0x233: {  	v27 =	vmov v46;
	v52 =	vor.u32 v44, v37;
	v44 =	vld.idx.msk [tilespmem:v61+s3+$0x0], $0xffff;
	[tilespmem:s14+$0x100] =	vst v8;
	v61 =	vmul.f32 v20, v25  }
0x234: {  	v37 =	vmovc v48;
	v48 =	vadd.f32 v0, v1;
	v60 =	vld.idx.msk [tilespmem:v55+s3+$0x0], $0xffff;
	[tilespmem:s10+$0x300] =	vst v38;
	v8 =	vmov v42;
	v42 =	vshrl.u32 v62, $0x7  }
0x235: {  	v38 =	vadd.s32 v30, v51;
	v53 =	vld.idx.msk [tilespmem:v2+s3+$0x0], $0xffff;
	v49 =	vadd.f32 v49, v63;
	v55 =	vadd.s32 v62, v42  }
0x236: {  	_ =	sdelay $0x1  }
0x237: {  	v42 =	vadd.s32 v30, v55;
	v30 =	vld [tilespmem:s26+$0x0];
	_ =	sdelay $0x1  }
0x238: {  	v0 =	vld.idx.msk [tilespmem:v38+s3+$0x0], $0xffff;
	_ =	sdelay $0x2  }
0x239: {  	s12 =	sadd.s32 $0x100, s15;
	v46 =	vadd.s32 $0x1, v38;
	v1 =	vld.idx.msk [tilespmem:v42+s3+$0x0], $0xffff;
	v2 =	vmul.f32 v30, v29  }
0x23a: {  	s26 =	sadd.s32 $0x20, s16;
	s12 =	sand.u32 $0x1C00, s12  }
0x23b: {  	s16 =	sand.u32 $0x70, s26;
	s12 =	sadd.s32 $0x6D00, s12;
	v0 =	vadd.f32 v2, v0  }
0x23c: {  	v63 =	vmul.f32 v39, v29;
	v50 =	vadd.s32 $0x1, v42;
	s16 =	sor.u32 s16, s12  }
0x23d: {  	s15 =	sadd.s32 $0xFFFFFFF0, s26;
	[tilespmem:s16+$0x0] =	vst v0  }
0x23e: {  	s15 =	sand.u32 $0x60, s15;
	v1 =	vadd.f32 v63, v1;
	v0 =	vld.idx.msk [tilespmem:v46+s3+$0x0], $0xffff  }
0x23f: {  	s28 =	sor.u32 s15, s12  }
0x240: {  	[tilespmem:s28+$0x0] =	vst v1  }
0x241: {  	v62 =	vadd.s32 $0x2, v38;
	v2 =	vmul.f32 v30, v28;
	v1 =	vld.idx.msk [tilespmem:v50+s3+$0x0], $0xffff;
	_ =	sdelay $0x1  }
0x242: {  	v0 =	vadd.f32 v0, v2  }
0x243: {  	v63 =	vmul.f32 v39, v28;
	v50 =	vadd.s32 $0x2, v42  }
0x244: {  	[tilespmem:s16+$0x80] =	vst v0  }
0x245: {  	v1 =	vadd.f32 v1, v63;
	v0 =	vld.idx.msk [tilespmem:v62+s3+$0x0], $0xffff;
	_ =	sdelay $0x1  }
0x246: {  	[tilespmem:s28+$0x80] =	vst v1  }
0x247: {  	v62 =	vmul.f32 v30, v26;
	v63 =	vadd.s32 $0x3, v38;
	v1 =	vld.idx.msk [tilespmem:v50+s3+$0x0], $0xffff;
	_ =	sdelay $0x1  }
0x248: {  	v0 =	vadd.f32 v0, v62  }
0x249: {  	v46 =	vmul.f32 v39, v26;
	v50 =	vadd.s32 $0x3, v42  }
0x24a: {  	v59 =	vadd.f32 v59, v61;
	[tilespmem:s16+$0x100] =	vst v0  }
0x24b: {  	v1 =	vadd.f32 v1, v46;
	v61 =	vld.idx.msk [tilespmem:v63+s3+$0x0], $0xffff  }
0x24c: {  	[tilespmem:s13+$0x180] =	vst v59  }
0x24d: {  	v28 =	vadd.s32 $0x4, v27;
	v62 =	vmul.f32 v22, v25;
	v0 =	vld.idx.msk [tilespmem:v58+s3+$0x0], $0xffff;
	[tilespmem:s28+$0x100] =	vst v1  }
0x24e: {  	v58 =	vmul.f32 v30, v25;
	v63 =	vadd.s32 $0x4, v38;
	v1 =	vld.idx.msk [tilespmem:v50+s3+$0x0], $0xffff  }
0x24f: {  	v26 =	vadd.f32 v60, v62  }
0x250: {  	v2 =	vadd.f32 v61, v58  }
0x251: {  	v59 =	vmul.f32 v39, v25;
	v60 =	vadd.s32 $0x4, v42;
	[tilespmem:s14+$0x180] =	vst v26  }
0x252: {  	v62 =	vadd.s32 $0x5, v24;
	v28 =	vld.idx.msk [tilespmem:v28+s3+$0x0], $0xffff;
	v61 =	vmul.f32 v20, v23;
	[tilespmem:s16+$0x180] =	vst v2  }
0x253: {  	v1 =	vadd.f32 v1, v59;
	v2 =	vld.idx.msk [tilespmem:v63+s3+$0x0], $0xffff  }
0x254: {  	v0 =	vadd.f32 v0, v61  }
0x255: {  	v50 =	vadd.s32 $0x5, v27;
	v63 =	vmul.f32 v22, v23;
	[tilespmem:s28+$0x180] =	vst v1  }
0x256: {  	v58 =	vmul.f32 v30, v23;
	v59 =	vadd.s32 $0x5, v38;
	[tilespmem:s13+$0x200] =	vst v0;
	v1 =	vld.idx.msk [tilespmem:v60+s3+$0x0], $0xffff  }
0x257: {  	v25 =	vld.idx.msk [tilespmem:v62+s3+$0x0], $0xffff;
	v26 =	vadd.f32 v28, v63  }
0x258: {  	v2 =	vadd.f32 v2, v58  }
0x259: {  	v61 =	vadd.s32 $0x5, v42;
	v60 =	vmul.f32 v39, v23;
	[tilespmem:s14+$0x200] =	vst v26  }
0x25a: {  	v62 =	vmul.f32 v20, v21;
	v63 =	vadd.s32 $0x6, v24;
	v0 =	vld.idx.msk [tilespmem:v50+s3+$0x0], $0xffff;
	[tilespmem:s16+$0x200] =	vst v2  }
0x25b: {  	v1 =	vadd.f32 v1, v60;
	v46 =	vld.idx.msk [tilespmem:v59+s3+$0x0], $0xffff  }
0x25c: {  	v26 =	vadd.f32 v25, v62  }
0x25d: {  	v50 =	vmul.f32 v22, v21;
	v58 =	vadd.s32 $0x6, v27;
	[tilespmem:s28+$0x200] =	vst v1  }
0x25e: {  	v60 =	vmul.f32 v30, v21;
	[tilespmem:s13+$0x280] =	vst v26;
	v1 =	vld.idx.msk [tilespmem:v61+s3+$0x0], $0xffff;
	v61 =	vadd.s32 $0x6, v38  }
0x25f: {  	v59 =	vld.idx.msk [tilespmem:v63+s3+$0x0], $0xffff;
	v0 =	vadd.f32 v0, v50  }
0x260: {  	v23 =	vadd.f32 v46, v60  }
0x261: {  	v62 =	vmul.f32 v39, v21;
	v63 =	vadd.s32 $0x6, v42;
	[tilespmem:s14+$0x280] =	vst v0  }
0x262: {  	v50 =	vadd.s32 $0x7, v24;
	v46 =	vmul.f32 v20, v19;
	v58 =	vld.idx.msk [tilespmem:v58+s3+$0x0], $0xffff;
	[tilespmem:s16+$0x280] =	vst v23  }
0x263: {  	v1 =	vadd.f32 v1, v62;
	v23 =	vld.idx.msk [tilespmem:v61+s3+$0x0], $0xffff  }
0x264: {  	v0 =	vadd.f32 v59, v46  }
0x265: {  	v52 =	vadd.s32 $0x8, v52;
	v29 =	vadd.s32 $0x7, v27;
	v59 =	vmul.f32 v22, v19;
	[tilespmem:s28+$0x280] =	vst v1  }
0x266: {  	v60 =	vmul.f32 v30, v19;
	[tilespmem:s13+$0x300] =	vst v0;
	v1 =	vadd.f32 v54, v56;
	v54 =	vadd.s32 $0x7, v38;
	v21 =	vld.idx.msk [tilespmem:v63+s3+$0x0], $0xffff  }
0x267: {  	v34 =	vand.u32 $0x7, v34;
	v51 =	vand.u32 $0x7, v51;
	v28 =	vld.idx.msk [tilespmem:v50+s3+$0x0], $0xffff;
	v0 =	vadd.f32 v58, v59  }
0x268: {  	v46 =	vmul.f32 v10, v18;
	v62 =	vand.u32 $0xFFFFFFF8, v24;
	v23 =	vadd.f32 v23, v60  }
0x269: {  	v61 =	vmul.f32 v39, v19;
	v19 =	vadd.s32 $0x7, v42;
	v34 =	vor.u32 v34, v62;
	[tilespmem:s14+$0x300] =	vst v0  }
0x26a: {  	v26 =	vadd.s32 $0x8, v57;
	v58 =	vadd.f32 v53, v46;
	v63 =	vmul.f32 v20, v18;
	v29 =	vld.idx.msk [tilespmem:v29+s3+$0x0], $0xffff;
	[tilespmem:s16+$0x300] =	vst v23  }
0x26b: {  	v25 =	vand.u32 $0xFFFFFFF8, v42;
	v57 =	vadd.f32 v21, v61;
	v61 =	vadd.s32 $0x8, v34;
	v62 =	vld.idx.msk [tilespmem:v54+s3+$0x0], $0xffff  }
0x26c: {  	v59 =	vand.u32 $0x7, v36;
	v50 =	vand.u32 $0xFFFFFFF8, v38;
	[tilespmem:s10+$0x380] =	vst v58;
	v60 =	vadd.f32 v28, v63  }
0x26d: {  	v53 =	vand.u32 $0x7, v55;
	v63 =	vmul.f32 v22, v18;
	v21 =	vor.u32 v59, v37;
	[tilespmem:s28+$0x300] =	vst v57;
	v57 =	vld.idx.msk [tilespmem:v52+s3+$0x0], $0xffff  }
0x26e: {  	v36 =	vor.u32 v51, v50;
	[tilespmem:s7+$0x380] =	vst v1;
	v54 =	vmul.f32 v30, v18;
	v21 =	vadd.s32 $0x8, v21;
	v19 =	vld.idx.msk [tilespmem:v19+s3+$0x0], $0xffff  }
0x26f: {  	v25 =	vor.u32 v53, v25;
	v36 =	vadd.s32 $0x8, v36;
	v26 =	vld.idx.msk [tilespmem:v26+s3+$0x0], $0xffff;
	[tilespmem:s13+$0x380] =	vst v60;
	v0 =	vadd.f32 v29, v63  }
0x270: {  	v1 =	vadd.f32 v62, v54;
	v23 =	vld.idx.msk [tilespmem:v61+s3+$0x0], $0xffff;
	v61 =	vmul.f32 v10, v17;
	v62 =	vadd.s32 $0x9, v15  }
0x271: {  	v55 =	vmul.f32 v39, v18;
	v56 =	vadd.s32 $0x8, v25;
	[tilespmem:s14+$0x380] =	vst v0  }
0x272: {  	v59 =	vmul.f32 v11, v17;
	v60 =	vadd.s32 $0x9, v16;
	[tilespmem:s16+$0x380] =	vst v1;
	v1 =	vadd.f32 v57, v61  }
0x273: {  	[tilespmem:s9+$0x2300] =	vst v48;
	v46 =	vadd.s32 $0x9, v24;
	v37 =	vmul.f32 v20, v17;
	v21 =	vld.idx.msk [tilespmem:v21+s3+$0x0], $0xffff;
	v58 =	vadd.f32 v19, v55  }
0x274: {  	v63 =	vld.idx.msk [tilespmem:v36+s3+$0x0], $0xffff;
	v36 =	vadd.f32 v26, v59;
	[tilespmem:s10+$0x2000] =	vst v1  }
0x275: {  	[tilespmem:s28+$0x380] =	vst v58;
	v51 =	vadd.f32 v23, v37;
	v57 =	vld.idx.msk [tilespmem:v62+s3+$0x0], $0xffff  }
0x276: {  	v48 =	vmul.f32 v22, v17;
	[tilespmem:s7+$0x2000] =	vst v36;
	v18 =	vld.idx.msk [tilespmem:v56+s3+$0x0], $0xffff  }
0x277: {  	v50 =	vadd.s32 $0x9, v27;
	v52 =	vmul.f32 v30, v17;
	v36 =	vadd.f32 v45, v47;
	v19 =	vld.idx.msk [tilespmem:v60+s3+$0x0], $0xffff;
	[tilespmem:s13+$0x2000] =	vst v51  }
0x278: {  	[tilespmem:s6+$0x2300] =	vst v49;
	v53 =	vadd.s32 $0x9, v38;
	v37 =	vmul.f32 v10, v13;
	v54 =	vadd.f32 v21, v48;
	v59 =	vld.idx.msk [tilespmem:v46+s3+$0x0], $0xffff  }
0x279: {  	v55 =	vmul.f32 v39, v17;
	v45 =	vadd.s32 $0xA, v15;
	[tilespmem:s1+$0x2100] =	vst v36;
	v58 =	vadd.f32 v63, v52  }
0x27a: {  	v61 =	vmul.f32 v11, v13;
	v56 =	vadd.s32 $0x9, v42;
	[tilespmem:s14+$0x2000] =	vst v54;
	v49 =	vadd.f32 v57, v37  }
0x27b: {  	v47 =	vmul.f32 v20, v13;
	v52 =	vld.idx.msk [tilespmem:v41+s3+$0x0], $0xffff;
	[tilespmem:s16+$0x2000] =	vst v58;
	v60 =	vadd.f32 v18, v55  }
0x27c: {  	v62 =	vadd.s32 $0xA, v16;
	v63 =	vld.idx.msk [tilespmem:v50+s3+$0x0], $0xffff;
	v46 =	vadd.f32 v19, v61;
	[tilespmem:s10+$0x2080] =	vst v49  }
0x27d: {  	v48 =	vadd.s32 $0xA, v24;
	v23 =	vld.idx.msk [tilespmem:v53+s3+$0x0], $0xffff;
	[tilespmem:s28+$0x2000] =	vst v60;
	v53 =	vadd.f32 v59, v47  }
0x27e: {  	[tilespmem:s7+$0x2080] =	vst v46;
	v59 =	vld.idx.msk [tilespmem:v45+s3+$0x0], $0xffff  }
0x27f: {  	v51 =	vadd.s32 $0xA, v27;
	v50 =	vmul.f32 v22, v13;
	v21 =	vld.idx.msk [tilespmem:v56+s3+$0x0], $0xffff;
	[tilespmem:s13+$0x2080] =	vst v53  }
0x280: {  	v54 =	vmul.f32 v30, v13;
	v55 =	vadd.s32 $0xA, v38;
	v36 =	vld [tilespmem:$0x1FF70]  }
0x281: {  	v18 =	vld.idx.msk [tilespmem:v62+s3+$0x0], $0xffff;
	v56 =	vadd.f32 v63, v50  }
0x282: {  	v47 =	vadd.s32 $0xB, v15;
	v60 =	vadd.f32 v23, v54;
	v62 =	vld.idx.msk [tilespmem:v48+s3+$0x0], $0xffff;
	v48 =	vmul.f32 v10, v12  }
0x283: {  	v57 =	vmul.f32 v39, v13;
	v58 =	vadd.s32 $0xA, v42;
	v37 =	vadd.f32 v44, v33;
	v53 =	vld.idx.msk [tilespmem:v40+s3+$0x0], $0xffff;
	[tilespmem:s14+$0x2080] =	vst v56  }
0x284: {  	v41 =	vmul.f32 v11, v12;
	v44 =	vadd.s32 $0xB, v16;
	v45 =	vld.idx.msk [tilespmem:v51+s3+$0x0], $0xffff;
	[tilespmem:s16+$0x2080] =	vst v60;
	v54 =	vadd.f32 v59, v48  }
0x285: {  	[tilespmem:s0+$0x2180] =	vst v37;
	v63 =	vadd.f32 v21, v57;
	v17 =	vld.idx.msk [tilespmem:v55+s3+$0x0], $0xffff;
	v61 =	vmul.f32 v14, v36  }
0x286: {  	v50 =	vmul.f32 v20, v12;
	v51 =	vadd.s32 $0xB, v24;
	v49 =	vadd.f32 v18, v41;
	v57 =	vld.idx.msk [tilespmem:v43+s3+$0x0], $0xffff;
	[tilespmem:s10+$0x2100] =	vst v54  }
0x287: {  	v56 =	vmul.f32 v22, v12;
	v55 =	vadd.s32 $0xB, v27;
	[tilespmem:s28+$0x2080] =	vst v63;
	v2 =	vld.idx.msk [tilespmem:v47+s3+$0x0], $0xffff;
	v46 =	vadd.f32 v52, v61  }
0x288: {  	v59 =	vmul.f32 v30, v12;
	v60 =	vadd.s32 $0xB, v38;
	[tilespmem:s7+$0x2100] =	vst v49;
	v52 =	vld.idx.msk [tilespmem:v58+s3+$0x0], $0xffff;
	v58 =	vadd.f32 v62, v50  }
0x289: {  	v33 =	vadd.s32 $0xC, v7;
	v21 =	vld.idx.msk [tilespmem:v44+s3+$0x0], $0xffff;
	v61 =	vadd.f32 v45, v56;
	[tilespmem:s9+$0x2380] =	vst v46  }
0x28a: {  	v40 =	vadd.s32 $0xC, v6;
	v37 =	vmul.f32 v8, v9;
	v34 =	vadd.f32 v17, v59;
	[tilespmem:s13+$0x2100] =	vst v58  }
0x28b: {  	v48 =	vadd.s32 $0xC, v15;
	v47 =	vmul.f32 v10, v9;
	[tilespmem:s14+$0x2100] =	vst v61;
	v18 =	vld.idx.msk [tilespmem:v51+s3+$0x0], $0xffff  }
0x28c: {  	v63 =	vmul.f32 v39, v12;
	v44 =	vadd.s32 $0xC, v16;
	v46 =	vadd.f32 v57, v37;
	v45 =	vld.idx.msk [tilespmem:v55+s3+$0x0], $0xffff;
	[tilespmem:s16+$0x2100] =	vst v34  }
0x28d: {  	v43 =	vadd.f32 v53, v35;
	v62 =	vadd.s32 $0xB, v42;
	v53 =	vadd.f32 v2, v47;
	v14 =	vld.idx.msk [tilespmem:v60+s3+$0x0], $0xffff  }
0x28e: {  	v49 =	vadd.f32 v21, v31;
	[tilespmem:s1+$0x2180] =	vst v46;
	v41 =	vadd.f32 v52, v63;
	v52 =	vld.idx.msk [tilespmem:v33+s3+$0x0], $0xffff  }
0x28f: {  	v50 =	vadd.s32 $0xC, v24;
	v17 =	vld.idx.msk [tilespmem:v40+s3+$0x0], $0xffff;
	[tilespmem:s10+$0x2180] =	vst v53  }
0x290: {  	v54 =	vmul.f32 v22, v9;
	v55 =	vadd.s32 $0xC, v27;
	[tilespmem:s7+$0x2180] =	vst v49;
	v26 =	vld.idx.msk [tilespmem:v48+s3+$0x0], $0xffff  }
0x291: {  	v56 =	vmul.f32 v30, v9;
	v58 =	vadd.s32 $0xC, v38;
	[tilespmem:s28+$0x2100] =	vst v41;
	v19 =	vld.idx.msk [tilespmem:v44+s3+$0x0], $0xffff;
	v57 =	vadd.f32 v18, v32  }
0x292: {  	[tilespmem:s6+$0x2380] =	vst v43;
	v63 =	vmul.f32 v4, v5;
	v51 =	vld.idx.msk [tilespmem:v62+s3+$0x0], $0xffff;
	v59 =	vadd.f32 v45, v54;
	v62 =	vadd.s32 $0xD, v7  }
0x293: {  	v34 =	vadd.s32 $0xD, v6;
	v33 =	vmul.f32 v8, v5;
	v32 =	vadd.f32 v14, v56;
	[tilespmem:s13+$0x2180] =	vst v57  }
0x294: {  	v44 =	vmul.f32 v10, v5;
	v45 =	vadd.s32 $0xD, v15;
	[tilespmem:s14+$0x2180] =	vst v59;
	v37 =	vadd.f32 v52, v63;
	v12 =	vld.idx.msk [tilespmem:v50+s3+$0x0], $0xffff  }
0x295: {  	v40 =	vadd.s32 $0xD, v16;
	v41 =	vmul.f32 v11, v5;
	v43 =	vadd.f32 v17, v33;
	v13 =	vld.idx.msk [tilespmem:v55+s3+$0x0], $0xffff;
	[tilespmem:s16+$0x2180] =	vst v32  }
0x296: {  	v61 =	vadd.s32 $0xC, v42;
	v60 =	vmul.f32 v39, v9;
	v14 =	vadd.f32 v26, v44;
	v18 =	vld.idx.msk [tilespmem:v58+s3+$0x0], $0xffff;
	[tilespmem:s0+$0x2200] =	vst v37  }
0x297: {  	v48 =	vmul.f32 v20, v5;
	v46 =	vadd.f32 v19, v41;
	[tilespmem:s1+$0x2200] =	vst v43;
	v49 =	vld.idx.msk [tilespmem:v62+s3+$0x0], $0xffff  }
0x298: {  	v50 =	vmul.f32 v22, v5;
	v35 =	vadd.f32 v51, v60;
	v52 =	vld.idx.msk [tilespmem:v34+s3+$0x0], $0xffff;
	[tilespmem:s10+$0x2200] =	vst v14  }
0x299: {  	v55 =	vmul.f32 v30, v5;
	[tilespmem:s7+$0x2200] =	vst v46;
	v17 =	vld.idx.msk [tilespmem:v45+s3+$0x0], $0xffff;
	v53 =	vadd.f32 v12, v48  }
0x29a: {  	v60 =	vmul.f32 v4, v3;
	[tilespmem:s28+$0x2180] =	vst v35;
	v56 =	vld.idx.msk [tilespmem:v40+s3+$0x0], $0xffff;
	v13 =	vadd.f32 v13, v50  }
0x29b: {  	v47 =	vadd.s32 $0xD, v24;
	v63 =	vmul.f32 v8, v3;
	v9 =	vld.idx.msk [tilespmem:v61+s3+$0x0], $0xffff;
	v61 =	vadd.f32 v18, v55;
	[tilespmem:s13+$0x2200] =	vst v53  }
0x29c: {  	v51 =	vadd.s32 $0xD, v27;
	v34 =	vmul.f32 v10, v3;
	[tilespmem:s14+$0x2200] =	vst v13;
	v1 =	vadd.f32 v49, v60  }
0x29d: {  	v31 =	vmul.f32 v11, v3;
	v54 =	vadd.s32 $0xD, v38;
	v32 =	vadd.f32 v52, v63;
	[tilespmem:s16+$0x2200] =	vst v61  }
0x29e: {  	v57 =	vmul.f32 v39, v5;
	v17 =	vadd.f32 v17, v34;
	[tilespmem:s0+$0x2280] =	vst v1  }
0x29f: {  	v58 =	vadd.s32 $0xD, v42;
	v37 =	vadd.f32 v56, v31;
	[tilespmem:s1+$0x2280] =	vst v32  }
0x2a0: {  	v59 =	vadd.s32 $0xE, v7;
	v2 =	vld.idx.msk [tilespmem:v47+s3+$0x0], $0xffff;
	v5 =	vadd.f32 v9, v57;
	[tilespmem:s10+$0x2280] =	vst v17  }
0x2a1: {  	v62 =	vadd.s32 $0xE, v6;
	v25 =	vld.idx.msk [tilespmem:v51+s3+$0x0], $0xffff;
	[tilespmem:s7+$0x2280] =	vst v37  }
0x2a2: {  	v29 =	vadd.s32 $0xE, v16;
	v35 =	vld.idx.msk [tilespmem:v54+s3+$0x0], $0xffff;
	[tilespmem:s28+$0x2200] =	vst v5  }
0x2a3: {  	v41 =	vmul.f32 v20, v3;
	v40 =	vadd.s32 $0xE, v24;
	v54 =	vld [tilespmem:$0x1FF80]  }
0x2a4: {  	v45 =	vadd.s32 $0xE, v27;
	v46 =	vmul.f32 v22, v3;
	v43 =	vld.idx.msk [tilespmem:v58+s3+$0x0], $0xffff  }
0x2a5: {  	v33 =	vadd.s32 $0xE, v15;
	v44 =	vld.idx.msk [tilespmem:v59+s3+$0x0], $0xffff;
	v47 =	vadd.f32 v2, v41  }
0x2a6: {  	v48 =	vadd.s32 $0xE, v38;
	v49 =	vmul.f32 v30, v3;
	v18 =	vld.idx.msk [tilespmem:v62+s3+$0x0], $0xffff;
	v50 =	vadd.f32 v25, v46  }
0x2a7: {  	v52 =	vmul.f32 v39, v3;
	v51 =	vadd.s32 $0xE, v42;
	v9 =	vld.idx.msk [tilespmem:v29+s3+$0x0], $0xffff;
	[tilespmem:s13+$0x2280] =	vst v47  }
0x2a8: {  	v53 =	vadd.s32 $0xF, v7;
	v56 =	vadd.f32 v35, v49;
	[tilespmem:s14+$0x2280] =	vst v50;
	v12 =	vld.idx.msk [tilespmem:v40+s3+$0x0], $0xffff;
	v55 =	vmul.f32 v4, v54  }
0x2a9: {  	v57 =	vadd.s32 $0xF, v6;
	v61 =	vld.idx.msk [tilespmem:v45+s3+$0x0], $0xffff;
	v58 =	vmul.f32 v8, v54;
	v3 =	vadd.f32 v43, v52  }
0x2aa: {  	v59 =	vadd.s32 $0xF, v16;
	v19 =	vld.idx.msk [tilespmem:v33+s3+$0x0], $0xffff;
	[tilespmem:s16+$0x2280] =	vst v56;
	v60 =	vmul.f32 v11, v54;
	v0 =	vadd.f32 v44, v55  }
0x2ab: {  	v25 =	vadd.s32 $0xF, v24;
	v2 =	vld.idx.msk [tilespmem:v48+s3+$0x0], $0xffff;
	v28 =	vmul.f32 v20, v54;
	v62 =	vadd.f32 v18, v58;
	[tilespmem:s28+$0x2280] =	vst v3  }
0x2ac: {  	v33 =	vadd.s32 $0xF, v27;
	v34 =	vmul.f32 v22, v54;
	v21 =	vadd.f32 v9, v60;
	v29 =	vld.idx.msk [tilespmem:v51+s3+$0x0], $0xffff;
	[tilespmem:s0+$0x2300] =	vst v0  }
0x2ad: {  	v63 =	vadd.s32 $0xF, v15;
	v18 =	vmul.f32 v10, v54;
	v35 =	vadd.f32 v12, v28;
	[tilespmem:s1+$0x2300] =	vst v62;
	v31 =	vld.idx.msk [tilespmem:v53+s3+$0x0], $0xffff  }
0x2ae: {  	v37 =	vadd.s32 $0xF, v38;
	v38 =	vmul.f32 v30, v54;
	v41 =	vadd.f32 v61, v34;
	[tilespmem:s7+$0x2300] =	vst v21;
	v5 =	vld.idx.msk [tilespmem:v57+s3+$0x0], $0xffff  }
0x2af: {  	v42 =	vadd.s32 $0xF, v42;
	v43 =	vmul.f32 v39, v54;
	v32 =	vadd.f32 v19, v18;
	v40 =	vld.idx.msk [tilespmem:v59+s3+$0x0], $0xffff;
	[tilespmem:s13+$0x2300] =	vst v35  }
0x2b0: {  	v44 =	vmul.f32 v4, v36;
	v45 =	vadd.f32 v2, v38;
	[tilespmem:s14+$0x2300] =	vst v41;
	v3 =	vld.idx.msk [tilespmem:v25+s3+$0x0], $0xffff  }
0x2b1: {  	v46 =	vmul.f32 v8, v36;
	[tilespmem:s10+$0x2300] =	vst v32;
	v49 =	vld.idx.msk [tilespmem:v33+s3+$0x0], $0xffff;
	v47 =	vadd.f32 v29, v43  }
0x2b2: {  	v48 =	vmul.f32 v11, v36;
	[tilespmem:s16+$0x2300] =	vst v45;
	v6 =	vld.idx.msk [tilespmem:v63+s3+$0x0], $0xffff;
	v1 =	vadd.f32 v31, v44  }
0x2b3: {  	v54 =	vmul.f32 v20, v36;
	v52 =	vld.idx.msk [tilespmem:v37+s3+$0x0], $0xffff;
	v50 =	vadd.f32 v5, v46;
	[tilespmem:s28+$0x2300] =	vst v47  }
0x2b4: {  	v57 =	vmul.f32 v22, v36;
	v53 =	vadd.f32 v40, v48;
	v55 =	vld.idx.msk [tilespmem:v42+s3+$0x0], $0xffff;
	[tilespmem:s0+$0x2380] =	vst v1  }
0x2b5: {  	v51 =	vmul.f32 v10, v36;
	v58 =	vadd.f32 v3, v54;
	[tilespmem:s1+$0x2380] =	vst v50  }
0x2b6: {  	s29 =	sadd.s32 $0x1, s29;
	v59 =	vmul.f32 v30, v36;
	v60 =	vadd.f32 v49, v57;
	[tilespmem:s7+$0x2380] =	vst v53  }
0x2b7: {  	p0 =	sne.s32 s29, $0x3E;
	v61 =	vmul.f32 v39, v36;
	v56 =	vadd.f32 v6, v51;
	[tilespmem:s13+$0x2380] =	vst v58  }
.Ltmp2:
0x2b8: {  	v62 =	vadd.f32 v52, v59;
	[tilespmem:s14+$0x2380] =	vst v60;
	(pc) =	sbr.rel @p0 .LBB2_2-.Ltmp2, $4  }
0x2b9: {  	s31 =	sshll.u32 s30, $0xB;
	[tilespmem:s10+$0x2380] =	vst v56;
	v63 =	vadd.f32 v55, v61  }
0x2ba: {  	s0 =	sand.u32 $0x1FFFF800, s31;
	[tilespmem:s16+$0x2380] =	vst v62  }
0x2bb: {  	s0 =	sadd.s32 s2, s0;
	[tilespmem:s28+$0x2380] =	vst v63  }
0x2bc: {  	[hbm4b:s0+s3] =	stream.linear.scatter [tilespmem:s24], [sflag:$0x2], $0x4000, $0x38;
	[tilespmem:$0xAD00] =	vst v63  }
0x2bd: {  	s28 =	simm.s32 $0x1  }
0x2be: {  	_ =	swait.ge [sflag:s28], $0x4000  }
0x2bf: {  	[sflag:s28] =	ssyncset.done $0x0  }
0x2c0: {  	[sflag:s28] =	ssyncadd.s32 $0xFFFFC000  }
0x2c1: {  	_ =	swait.ge [sflag:s19], $0x400  }
0x2c2: {  	[sflag:s19] =	ssyncset.done $0x0  }
0x2c3: {  	[sflag:s19] =	ssyncadd.s32 $0xFFFFFC00  }
0x2c4: {  	_ =	swait.ge [sflag:s19], $0x400  }
0x2c5: {  	[sflag:s19] =	ssyncset.done $0x0  }
0x2c6: {  	s0 =	simm.s32 $0x1D10;
	[sflag:s19] =	ssyncadd.s32 $0xFFFFFC00  }
0x2c7: {  	v0 =	vld [tilespmem:s0+$0x0]  }
0x2c8: {  	s6 =	rddreg [dreg:$0x7]  }
0x2c9: {  	v29 =	vld [tilespmem:s6+$0x1900]  }
0x2ca: {  	v28 =	vld [tilespmem:s6+$0x1910]  }
0x2cb: {  	v27 =	vld [tilespmem:s6+$0x1920]  }
0x2cc: {  	v25 =	vld [tilespmem:s6+$0x1930];
	v2 =	vshrl.u32 v0, $0x7  }
0x2cd: {  	v11 =	vadd.s32 v0, v2;
	v2 =	vld [tilespmem:$0x1FFF0]  }
0x2ce: {  	v1 =	vld [tilespmem:s0+$0xFFFFFFF0]  }
0x2cf: {  	v23 =	vld [tilespmem:s6+$0x1940]  }
0x2d0: {  	v21 =	vld [tilespmem:s6+$0x1950]  }
0x2d1: {  	v19 =	vld [tilespmem:s6+$0x1960]  }
0x2d2: {  	v18 =	vld [tilespmem:s6+$0x1970];
	v41 =	vadd.s32 v2, v11  }
0x2d3: {  	v17 =	vld [tilespmem:s6+$0x1980];
	v0 =	vshrl.u32 v1, $0x7  }
0x2d4: {  	s30 =	simm.s32 $0x2510;
	v13 =	vld [tilespmem:s6+$0x1990];
	v10 =	vadd.s32 v1, v0  }
0x2d5: {  	v14 =	vld [tilespmem:s30+$0x0];
	v38 =	vadd.s32 v2, v10  }
0x2d6: {  	v12 =	vld [tilespmem:s6+$0x19A0]  }
0x2d7: {  	v0 =	vld.idx.msk [tilespmem:v41+s3+$0x0], $0xffff  }
0x2d8: {  	v37 =	vld [tilespmem:s30+$0xFFFFFFF0]  }
0x2d9: {  	v9 =	vld [tilespmem:s6+$0x19B0]  }
0x2da: {  	s31 =	simm.s32 $0x0;
	v1 =	vmul.f32 v14, v29;
	v6 =	vadd.s32 $0x1, v41;
	v4 =	vld.idx.msk [tilespmem:v38+s3+$0x0], $0xffff  }
0x2db: {  	s1 =	simm.s32 $0x10;
	v5 =	vld [tilespmem:s6+$0x19C0];
	s0 =	sand.u32 $0x1C00, s31  }
0x2dc: {  	s1 =	sand.u32 $0x70, s1;
	v3 =	vld [tilespmem:s6+$0x19D0];
	s0 =	sadd.s32 $0x2D00, s0;
	v0 =	vadd.f32 v1, v0  }
0x2dd: {  	v42 =	vld [tilespmem:s6+$0x19E0];
	s9 =	sor.u32 s1, s0;
	v7 =	vmul.f32 v37, v29;
	v8 =	vadd.s32 $0x1, v38  }
0x2de: {  	v1 =	vld [tilespmem:s6+$0x19F0];
	s6 =	simm.s32 $0x0;
	[tilespmem:s9+$0x0] =	vst v0  }
0x2df: {  	s1 =	sand.u32 $0x60, s6;
	v0 =	vadd.f32 v7, v4;
	v4 =	vld.idx.msk [tilespmem:v6+s3+$0x0], $0xffff  }
0x2e0: {  	s6 =	sor.u32 s1, s0  }
0x2e1: {  	[tilespmem:s6+$0x0] =	vst v0  }
0x2e2: {  	v7 =	vadd.s32 $0x2, v41;
	v6 =	vmul.f32 v14, v28;
	v0 =	vld.idx.msk [tilespmem:v8+s3+$0x0], $0xffff;
	_ =	sdelay $0x1  }
0x2e3: {  	v4 =	vadd.f32 v4, v6  }
0x2e4: {  	v8 =	vadd.s32 $0x2, v38;
	v6 =	vmul.f32 v37, v28  }
0x2e5: {  	[tilespmem:s9+$0x80] =	vst v4  }
0x2e6: {  	v0 =	vadd.f32 v0, v6;
	v4 =	vld.idx.msk [tilespmem:v7+s3+$0x0], $0xffff  }
0x2e7: {  	s7 =	simm.s32 $0x1D30  }
0x2e8: {  	v6 =	vld [tilespmem:s7+$0x0];
	[tilespmem:s6+$0x80] =	vst v0  }
0x2e9: {  	v7 =	vmul.f32 v14, v27;
	v0 =	vld.idx.msk [tilespmem:v8+s3+$0x0], $0xffff;
	v8 =	vadd.s32 $0x3, v41;
	_ =	sdelay $0x1  }
0x2ea: {  	v4 =	vadd.f32 v4, v7  }
0x2eb: {  	v15 =	vld [tilespmem:s7+$0xFFFFFFF0];
	v16 =	vadd.s32 $0x3, v38;
	v7 =	vmul.f32 v37, v27  }
0x2ec: {  	[tilespmem:s9+$0x100] =	vst v4  }
0x2ed: {  	v0 =	vadd.f32 v0, v7;
	v4 =	vshrl.u32 v6, $0x7;
	v8 =	vld.idx.msk [tilespmem:v8+s3+$0x0], $0xffff  }
0x2ee: {  	v20 =	vadd.s32 v6, v4  }
0x2ef: {  	[tilespmem:s6+$0x100] =	vst v0;
	v7 =	vadd.s32 v2, v20  }
0x2f0: {  	v24 =	vmul.f32 v14, v25;
	v4 =	vshrl.u32 v15, $0x7;
	v0 =	vadd.s32 $0x4, v41;
	v16 =	vld.idx.msk [tilespmem:v16+s3+$0x0], $0xffff  }
0x2f1: {  	s10 =	simm.s32 $0x2530;
	v22 =	vadd.s32 v15, v4  }
0x2f2: {  	v4 =	vld [tilespmem:s10+$0x0];
	v6 =	vadd.s32 v2, v22;
	v15 =	vadd.f32 v8, v24  }
0x2f3: {  	v26 =	vadd.s32 $0x4, v38;
	v8 =	vld [tilespmem:s10+$0xFFFFFFF0];
	v24 =	vmul.f32 v37, v25  }
0x2f4: {  	[tilespmem:s9+$0x180] =	vst v15;
	v15 =	vld.idx.msk [tilespmem:v7+s3+$0x0], $0xffff  }
0x2f5: {  	v16 =	vadd.f32 v16, v24;
	v0 =	vld.idx.msk [tilespmem:v0+s3+$0x0], $0xffff;
	_ =	sdelay $0x1  }
0x2f6: {  	s12 =	simm.s32 $0x100;
	v30 =	vadd.s32 $0x1, v7;
	v24 =	vmul.f32 v4, v29;
	[tilespmem:s6+$0x180] =	vst v16;
	v16 =	vld.idx.msk [tilespmem:v6+s3+$0x0], $0xffff  }
0x2f7: {  	s13 =	simm.s32 $0x30;
	v31 =	vmul.f32 v14, v23;
	v32 =	vadd.s32 $0x5, v41;
	s0 =	sand.u32 $0x1C00, s12;
	v26 =	vld.idx.msk [tilespmem:v26+s3+$0x0], $0xffff  }
0x2f8: {  	s14 =	sand.u32 $0x70, s13;
	s7 =	sadd.s32 $0x2D00, s0;
	v15 =	vadd.f32 v24, v15  }
0x2f9: {  	s0 =	sor.u32 s14, s7;
	v24 =	vmul.f32 v8, v29;
	v0 =	vadd.f32 v0, v31;
	v31 =	vadd.s32 $0x1, v6  }
0x2fa: {  	s15 =	simm.s32 $0x20;
	v33 =	vmul.f32 v37, v23;
	[tilespmem:s0+$0x0] =	vst v15;
	v15 =	vadd.s32 $0x5, v38  }
0x2fb: {  	s1 =	sand.u32 $0x60, s15;
	[tilespmem:s9+$0x200] =	vst v0;
	v0 =	vadd.f32 v24, v16;
	v16 =	vld.idx.msk [tilespmem:v30+s3+$0x0], $0xffff  }
0x2fc: {  	s1 =	sor.u32 s1, s7;
	v26 =	vadd.f32 v26, v33;
	v24 =	vld.idx.msk [tilespmem:v32+s3+$0x0], $0xffff  }
0x2fd: {  	[tilespmem:s1+$0x0] =	vst v0  }
0x2fe: {  	v30 =	vadd.s32 $0x2, v7;
	[tilespmem:s6+$0x200] =	vst v26;
	v26 =	vmul.f32 v4, v28;
	v0 =	vld.idx.msk [tilespmem:v31+s3+$0x0], $0xffff  }
0x2ff: {  	v63 =	vadd.s32 $0x6, v41;
	v31 =	vmul.f32 v14, v21;
	v15 =	vld.idx.msk [tilespmem:v15+s3+$0x0], $0xffff  }
0x300: {  	v16 =	vadd.f32 v16, v26  }
0x301: {  	v26 =	vmul.f32 v8, v28;
	v24 =	vadd.f32 v24, v31;
	v31 =	vadd.s32 $0x2, v6  }
0x302: {  	[tilespmem:s0+$0x80] =	vst v16;
	v16 =	vmul.f32 v37, v21  }
0x303: {  	v36 =	vadd.s32 $0x6, v38;
	[tilespmem:s9+$0x280] =	vst v24;
	v0 =	vadd.f32 v0, v26;
	v24 =	vld.idx.msk [tilespmem:v30+s3+$0x0], $0xffff  }
0x304: {  	s16 =	simm.s32 $0x1D50;
	v26 =	vld.idx.msk [tilespmem:v63+s3+$0x0], $0xffff;
	v15 =	vadd.f32 v15, v16  }
0x305: {  	v16 =	vld [tilespmem:s16+$0x0];
	[tilespmem:s1+$0x80] =	vst v0  }
0x306: {  	v30 =	vadd.s32 $0x3, v7;
	v0 =	vld.idx.msk [tilespmem:v31+s3+$0x0], $0xffff;
	[tilespmem:s6+$0x280] =	vst v15;
	v15 =	vmul.f32 v4, v27  }
0x307: {  	v39 =	vadd.s32 $0x7, v41;
	v31 =	vmul.f32 v14, v19  }
0x308: {  	v33 =	vld.idx.msk [tilespmem:v36+s3+$0x0], $0xffff;
	v15 =	vadd.f32 v24, v15  }
0x309: {  	v24 =	vadd.f32 v26, v31;
	v26 =	vmul.f32 v8, v27  }
0x30a: {  	v34 =	vld [tilespmem:s16+$0xFFFFFFF0];
	v35 =	vadd.s32 $0x7, v38;
	v31 =	vadd.s32 $0x3, v6;
	[tilespmem:s0+$0x100] =	vst v15  }
0x30b: {  	v15 =	vmul.f32 v37, v19;
	[tilespmem:s9+$0x300] =	vst v24;
	v0 =	vadd.f32 v0, v26;
	v24 =	vld.idx.msk [tilespmem:v30+s3+$0x0], $0xffff;
	v26 =	vshrl.u32 v16, $0x7  }
0x30c: {  	v11 =	vand.u32 $0x7, v11;
	v30 =	vld.idx.msk [tilespmem:v39+s3+$0x0], $0xffff;
	v16 =	vadd.s32 v16, v26;
	v26 =	vand.u32 $0xFFFFFFF8, v41  }
0x30d: {  	s20 =	simm.s32 $0x2550;
	v15 =	vadd.f32 v33, v15;
	[tilespmem:$0x1FF60] =	vst v16;
	v16 =	vadd.s32 v2, v16;
	v11 =	vor.u32 v11, v26  }
0x30e: {  	v40 =	vmul.f32 v4, v25;
	[tilespmem:s1+$0x100] =	vst v0;
	v0 =	vadd.s32 $0x4, v7;
	v48 =	vadd.s32 $0x8, v11;
	v11 =	vld [tilespmem:s20+$0x0]  }
0x30f: {  	v49 =	vand.u32 $0x7, v10;
	[tilespmem:s6+$0x300] =	vst v15;
	v15 =	vshrl.u32 v34, $0x7;
	v26 =	vld.idx.msk [tilespmem:v31+s3+$0x0], $0xffff  }
0x310: {  	v31 =	vmul.f32 v14, v18;
	v43 =	vld.idx.msk [tilespmem:v35+s3+$0x0], $0xffff;
	v45 =	vadd.s32 v34, v15;
	v24 =	vadd.f32 v24, v40  }
0x311: {  	v50 =	vmul.f32 v8, v25;
	v36 =	vand.u32 $0xFFFFFFF8, v38;
	v15 =	vadd.s32 v2, v45  }
0x312: {  	v51 =	vadd.s32 $0x4, v6;
	v30 =	vadd.f32 v30, v31;
	v31 =	vor.u32 v49, v36;
	[tilespmem:s0+$0x180] =	vst v24;
	v24 =	vld.idx.msk [tilespmem:v16+s3+$0x0], $0xffff  }
0x313: {  	v52 =	vmul.f32 v37, v18;
	v31 =	vadd.s32 $0x8, v31;
	v0 =	vld.idx.msk [tilespmem:v0+s3+$0x0], $0xffff  }
0x314: {  	v10 =	vld [tilespmem:s20+$0xFFFFFFF0];
	[tilespmem:s9+$0x380] =	vst v30;
	v26 =	vadd.f32 v26, v50  }
0x315: {  	s21 =	simm.s32 $0x200;
	v55 =	vadd.s32 $0x1, v16;
	v54 =	vmul.f32 v11, v29;
	v30 =	vld.idx.msk [tilespmem:v48+s3+$0x0], $0xffff;
	v53 =	vadd.f32 v43, v52  }
0x316: {  	s7 =	sand.u32 $0x1C00, s21;
	s10 =	simm.s32 $0x50;
	v56 =	vmul.f32 v4, v23;
	v39 =	vadd.s32 $0x5, v7;
	[tilespmem:s1+$0x180] =	vst v26;
	v26 =	vld.idx.msk [tilespmem:v15+s3+$0x0], $0xffff  }
0x317: {  	s12 =	sadd.s32 $0x2D00, s7;
	s25 =	sand.u32 $0x70, s10;
	[tilespmem:s6+$0x380] =	vst v53;
	v57 =	vld.idx.msk [tilespmem:v51+s3+$0x0], $0xffff;
	v24 =	vadd.f32 v54, v24  }
0x318: {  	v58 =	vmul.f32 v14, v17;
	s7 =	sor.u32 s25, s12;
	v40 =	vadd.s32 $0x9, v41;
	v31 =	vld.idx.msk [tilespmem:v31+s3+$0x0], $0xffff;
	v0 =	vadd.f32 v0, v56  }
0x319: {  	v60 =	vadd.s32 $0x1, v15;
	v59 =	vmul.f32 v10, v29;
	[tilespmem:s7+$0x0] =	vst v24  }
0x31a: {  	s26 =	simm.s32 $0x40;
	v30 =	vadd.f32 v30, v58;
	v24 =	vmul.f32 v8, v23;
	[tilespmem:s0+$0x200] =	vst v0;
	v0 =	vadd.s32 $0x5, v6;
	v61 =	vld.idx.msk [tilespmem:v55+s3+$0x0], $0xffff  }
0x31b: {  	v62 =	vmul.f32 v37, v17;
	s10 =	sand.u32 $0x60, s26;
	v26 =	vadd.f32 v59, v26;
	v63 =	vld.idx.msk [tilespmem:v39+s3+$0x0], $0xffff  }
0x31c: {  	v44 =	vadd.s32 $0x9, v38;
	s10 =	sor.u32 s10, s12;
	[tilespmem:s9+$0x2000] =	vst v30;
	v24 =	vadd.f32 v57, v24  }
0x31d: {  	v46 =	vadd.s32 $0x2, v16;
	v30 =	vld.idx.msk [tilespmem:v40+s3+$0x0], $0xffff;
	[tilespmem:s10+$0x0] =	vst v26;
	v26 =	vadd.f32 v31, v62;
	v31 =	vmul.f32 v11, v28  }
0x31e: {  	v47 =	vmul.f32 v4, v21;
	v48 =	vadd.s32 $0x6, v7;
	[tilespmem:s1+$0x200] =	vst v24;
	v24 =	vld.idx.msk [tilespmem:v60+s3+$0x0], $0xffff  }
0x31f: {  	s29 =	simm.s32 $0x1D70;
	v0 =	vld.idx.msk [tilespmem:v0+s3+$0x0], $0xffff;
	v31 =	vadd.f32 v61, v31  }
0x320: {  	v49 =	vadd.s32 $0xA, v41;
	v58 =	vld [tilespmem:s29+$0xFFFFFFF0];
	[tilespmem:s6+$0x2000] =	vst v26;
	v26 =	vmul.f32 v14, v13;
	v33 =	vadd.f32 v63, v47  }
0x321: {  	v52 =	vadd.s32 $0x2, v15;
	v51 =	vmul.f32 v10, v28;
	v50 =	vld.idx.msk [tilespmem:v44+s3+$0x0], $0xffff;
	[tilespmem:s7+$0x80] =	vst v31  }
0x322: {  	v26 =	vadd.f32 v30, v26;
	v30 =	vmul.f32 v8, v21;
	v31 =	vadd.s32 $0x6, v6;
	[tilespmem:s0+$0x280] =	vst v33;
	v32 =	vld.idx.msk [tilespmem:v46+s3+$0x0], $0xffff  }
0x323: {  	v20 =	vand.u32 $0x7, v20;
	v33 =	vld.idx.msk [tilespmem:v48+s3+$0x0], $0xffff;
	v24 =	vadd.f32 v24, v51  }
0x324: {  	v53 =	vmul.f32 v37, v13;
	v54 =	vadd.s32 $0xA, v38;
	v55 =	vld [tilespmem:s29+$0x0];
	[tilespmem:s9+$0x2080] =	vst v26;
	v0 =	vadd.f32 v0, v30  }
0x325: {  	v43 =	vadd.s32 $0xB, v38;
	v56 =	vmul.f32 v11, v27;
	v57 =	vadd.s32 $0x3, v16;
	v30 =	vld.idx.msk [tilespmem:v49+s3+$0x0], $0xffff;
	[tilespmem:s10+$0x80] =	vst v24  }
0x326: {  	v59 =	vand.u32 $0x7, v22;
	v24 =	vadd.f32 v50, v53;
	v39 =	vld.idx.msk [tilespmem:v52+s3+$0x0], $0xffff;
	[tilespmem:s1+$0x280] =	vst v0;
	v0 =	vmul.f32 v4, v19  }
0x327: {  	v62 =	vshrl.u32 v58, $0x7;
	v44 =	vadd.s32 $0x7, v7;
	v31 =	vld.idx.msk [tilespmem:v31+s3+$0x0], $0xffff;
	v32 =	vadd.f32 v32, v56  }
0x328: {  	v47 =	vadd.s32 $0xB, v41;
	v46 =	vmul.f32 v14, v12;
	[tilespmem:s6+$0x2080] =	vst v24;
	v0 =	vadd.f32 v33, v0  }
0x329: {  	v60 =	vshrl.u32 v55, $0x7;
	v63 =	vmul.f32 v10, v27;
	v49 =	vadd.s32 $0x3, v15;
	v36 =	vld.idx.msk [tilespmem:v54+s3+$0x0], $0xffff;
	[tilespmem:s7+$0x100] =	vst v32  }
0x32a: {  	s30 =	simm.s32 $0x2570;
	v52 =	vadd.s32 $0x7, v6;
	v30 =	vadd.f32 v30, v46;
	[tilespmem:s0+$0x300] =	vst v0;
	v0 =	vmul.f32 v8, v19;
	v50 =	vld.idx.msk [tilespmem:v57+s3+$0x0], $0xffff  }
0x32b: {  	v22 =	vld [tilespmem:s30+$0xFFFFFFF0];
	v61 =	vmul.f32 v11, v25;
	v35 =	vadd.s32 v58, v62;
	v33 =	vadd.f32 v39, v63  }
0x32c: {  	v48 =	vmul.f32 v37, v12;
	v24 =	vand.u32 $0xFFFFFFF8, v7;
	v44 =	vld.idx.msk [tilespmem:v44+s3+$0x0], $0xffff;
	[tilespmem:s9+$0x2100] =	vst v30;
	v0 =	vadd.f32 v31, v0  }
0x32d: {  	v20 =	vor.u32 v20, v24;
	v30 =	vadd.s32 $0x4, v16;
	v31 =	vld.idx.msk [tilespmem:v47+s3+$0x0], $0xffff;
	[tilespmem:s10+$0x100] =	vst v33;
	v33 =	vadd.s32 v55, v60  }
0x32e: {  	v26 =	vand.u32 $0xFFFFFFF8, v6;
	v63 =	vld.idx.msk [tilespmem:v49+s3+$0x0], $0xffff;
	[tilespmem:s1+$0x300] =	vst v0;
	v24 =	vadd.s32 v2, v33;
	v0 =	vadd.f32 v36, v48  }
0x32f: {  	v53 =	vmul.f32 v4, v18;
	v56 =	vadd.s32 $0x8, v20;
	v54 =	vld.idx.msk [tilespmem:v52+s3+$0x0], $0xffff;
	v55 =	vadd.f32 v50, v61  }
0x330: {  	v58 =	vor.u32 v59, v26;
	v26 =	vadd.s32 v2, v35;
	v20 =	vld [tilespmem:s30+$0x0];
	[tilespmem:s6+$0x2100] =	vst v0  }
0x331: {  	v59 =	vmul.f32 v10, v25;
	v60 =	vadd.s32 $0x4, v15;
	v0 =	vadd.f32 v44, v53;
	[tilespmem:s7+$0x180] =	vst v55;
	v43 =	vld.idx.msk [tilespmem:v43+s3+$0x0], $0xffff  }
0x332: {  	v62 =	vadd.s32 $0x8, v58;
	v57 =	vmul.f32 v14, v9;
	v61 =	vmul.f32 v8, v18;
	v51 =	vld.idx.msk [tilespmem:v30+s3+$0x0], $0xffff  }
0x333: {  	v49 =	vadd.s32 $0xC, v38;
	[tilespmem:s0+$0x380] =	vst v0;
	v39 =	vadd.f32 v63, v59;
	v0 =	vld.idx.msk [tilespmem:v24+s3+$0x0], $0xffff;
	v63 =	vadd.s32 $0xC, v41  }
0x334: {  	v46 =	vld.idx.msk [tilespmem:v56+s3+$0x0], $0xffff;
	v56 =	vadd.f32 v31, v57;
	v57 =	vmul.f32 v37, v9;
	v34 =	vadd.f32 v54, v61  }
0x335: {  	v58 =	vmul.f32 v11, v23;
	v52 =	vld.idx.msk [tilespmem:v26+s3+$0x0], $0xffff;
	v53 =	vadd.s32 $0x5, v16;
	[tilespmem:s10+$0x180] =	vst v39  }
0x336: {  	s15 =	simm.s32 $0x300;
	v59 =	vmul.f32 v20, v29;
	v54 =	vadd.s32 $0x1, v24;
	[tilespmem:s1+$0x380] =	vst v34;
	v34 =	vld.idx.msk [tilespmem:v60+s3+$0x0], $0xffff;
	v39 =	vadd.f32 v43, v57  }
0x337: {  	s31 =	sand.u32 $0x1C00, s15;
	s16 =	simm.s32 $0x70;
	v61 =	vmul.f32 v4, v17;
	[tilespmem:s9+$0x2180] =	vst v56;
	v50 =	vld.idx.msk [tilespmem:v62+s3+$0x0], $0xffff;
	v60 =	vadd.f32 v51, v58  }
0x338: {  	s12 =	sadd.s32 $0x2D00, s31;
	s13 =	sand.u32 $0x70, s16;
	v55 =	vmul.f32 v22, v29;
	v62 =	vadd.s32 $0x9, v7;
	v40 =	vld.idx.msk [tilespmem:v63+s3+$0x0], $0xffff;
	v0 =	vadd.f32 v59, v0;
	[tilespmem:s6+$0x2180] =	vst v39  }
0x339: {  	s14 =	simm.s32 $0x60;
	s13 =	sor.u32 s13, s12;
	v39 =	vadd.s32 $0x1, v26;
	[tilespmem:s7+$0x200] =	vst v60;
	v60 =	vadd.f32 v46, v61;
	v44 =	vld.idx.msk [tilespmem:v49+s3+$0x0], $0xffff  }
0x33a: {  	s14 =	sand.u32 $0x60, s14;
	v56 =	vmul.f32 v10, v23;
	v61 =	vadd.f32 v55, v52;
	[tilespmem:s13+$0x0] =	vst v0;
	v0 =	vadd.s32 $0x5, v15;
	v49 =	vld.idx.msk [tilespmem:v53+s3+$0x0], $0xffff  }
0x33b: {  	s25 =	simm.s32 $0x1D90;
	s14 =	sor.u32 s14, s12;
	v63 =	vmul.f32 v8, v17;
	v55 =	vadd.s32 $0x9, v6;
	v53 =	vld.idx.msk [tilespmem:v54+s3+$0x0], $0xffff;
	[tilespmem:s0+$0x2000] =	vst v60  }
0x33c: {  	v43 =	vmul.f32 v14, v5;
	v52 =	vadd.s32 $0xD, v41;
	v54 =	vadd.f32 v34, v56;
	[tilespmem:s14+$0x0] =	vst v61;
	v61 =	vld [tilespmem:s25+$0xFFFFFFF0]  }
0x33d: {  	v51 =	vmul.f32 v37, v5;
	v56 =	vadd.s32 $0xD, v38;
	v48 =	vadd.f32 v50, v63;
	v50 =	vld.idx.msk [tilespmem:v62+s3+$0x0], $0xffff;
	[tilespmem:$0x1FF40] =	vst v1  }
0x33e: {  	v62 =	vmul.f32 v11, v21;
	v43 =	vadd.f32 v40, v43;
	[tilespmem:s10+$0x200] =	vst v54;
	v46 =	vld.idx.msk [tilespmem:v39+s3+$0x0], $0xffff  }
0x33f: {  	v57 =	vadd.s32 $0x6, v16;
	v63 =	vmul.f32 v20, v28;
	[tilespmem:s1+$0x2000] =	vst v48;
	v44 =	vadd.f32 v44, v51;
	v0 =	vld.idx.msk [tilespmem:v0+s3+$0x0], $0xffff  }
0x340: {  	v58 =	vadd.s32 $0x2, v24;
	v59 =	vmul.f32 v4, v13;
	[tilespmem:s9+$0x2200] =	vst v43;
	v43 =	vadd.f32 v49, v62;
	v49 =	vld.idx.msk [tilespmem:v55+s3+$0x0], $0xffff  }
0x341: {  	v60 =	vmul.f32 v22, v28;
	v54 =	vadd.s32 $0xA, v7;
	v48 =	vadd.f32 v53, v63;
	[tilespmem:s6+$0x2200] =	vst v44;
	v44 =	vld.idx.msk [tilespmem:v52+s3+$0x0], $0xffff  }
0x342: {  	v45 =	vand.u32 $0x7, v45;
	v34 =	vmul.f32 v37, v1;
	[tilespmem:s7+$0x280] =	vst v43;
	v43 =	vadd.f32 v50, v59;
	v50 =	vld.idx.msk [tilespmem:v56+s3+$0x0], $0xffff  }
0x343: {  	v39 =	vadd.s32 $0xF, v38;
	v63 =	vmul.f32 v10, v21;
	v59 =	vld [tilespmem:s25+$0x0];
	[tilespmem:s13+$0x80] =	vst v48;
	v46 =	vadd.f32 v46, v60  }
0x344: {  	v62 =	vmul.f32 v37, v42;
	v53 =	vadd.s32 $0x2, v26;
	v55 =	vld.idx.msk [tilespmem:v57+s3+$0x0], $0xffff;
	v60 =	vmul.f32 v8, v13;
	[tilespmem:s0+$0x2080] =	vst v43  }
0x345: {  	v57 =	vadd.s32 $0xA, v6;
	v52 =	vld.idx.msk [tilespmem:v58+s3+$0x0], $0xffff;
	v0 =	vadd.f32 v0, v63;
	v63 =	vmul.f32 v14, v3;
	[tilespmem:s14+$0x80] =	vst v46  }
0x346: {  	v51 =	vadd.s32 $0x6, v15;
	v37 =	vmul.f32 v37, v3;
	v48 =	vld.idx.msk [tilespmem:v54+s3+$0x0], $0xffff;
	v46 =	vadd.f32 v49, v60;
	[tilespmem:$0x1FF50] =	vst v42  }
0x347: {  	v38 =	vadd.s32 $0xE, v38;
	[tilespmem:s10+$0x280] =	vst v0;
	v0 =	vmul.f32 v11, v19;
	v54 =	vadd.f32 v44, v63  }
0x348: {  	v32 =	vmul.f32 v4, v9;
	v58 =	vmul.f32 v20, v27;
	[tilespmem:s1+$0x2080] =	vst v46;
	v37 =	vadd.f32 v50, v37  }
0x349: {  	v40 =	vadd.s32 $0xF, v41;
	v41 =	vadd.s32 $0xE, v41;
	v56 =	vld.idx.msk [tilespmem:v53+s3+$0x0], $0xffff;
	v0 =	vadd.f32 v55, v0;
	[tilespmem:s9+$0x2280] =	vst v54  }
0x34a: {  	v53 =	vadd.s32 $0x7, v16;
	v44 =	vld.idx.msk [tilespmem:v57+s3+$0x0], $0xffff;
	v57 =	vmul.f32 v4, v12;
	v52 =	vadd.f32 v52, v58;
	[tilespmem:s6+$0x2280] =	vst v37  }
0x34b: {  	v47 =	vand.u32 $0xFFFFFFF8, v15;
	v30 =	vmul.f32 v11, v9;
	v60 =	vadd.s32 $0x3, v24;
	v51 =	vld.idx.msk [tilespmem:v51+s3+$0x0], $0xffff;
	[tilespmem:s7+$0x300] =	vst v0  }
0x34c: {  	v36 =	vand.u32 $0xFFFFFFF8, v26;
	v31 =	vmul.f32 v20, v9;
	v0 =	vadd.f32 v48, v57;
	v48 =	vld.idx.msk [tilespmem:v38+s3+$0x0], $0xffff;
	[tilespmem:s13+$0x100] =	vst v52  }
0x34d: {  	v43 =	vadd.s32 $0xB, v6;
	v63 =	vadd.s32 $0xB, v7;
	v58 =	vmul.f32 v22, v27;
	v1 =	vld [tilespmem:$0x1FF60]  }
0x34e: {  	v49 =	vmul.f32 v14, v42;
	v42 =	vld.idx.msk [tilespmem:v41+s3+$0x0], $0xffff;
	v38 =	vmul.f32 v10, v19;
	v52 =	vadd.s32 $0x7, v15  }
0x34f: {  	v46 =	vmul.f32 v8, v12;
	v37 =	vadd.s32 $0x3, v26;
	v53 =	vld.idx.msk [tilespmem:v53+s3+$0x0], $0xffff;
	v41 =	vadd.f32 v56, v58  }
0x350: {  	s26 =	simm.s32 $0x2590;
	v54 =	vand.u32 $0xFFFFFFF8, v16;
	v55 =	vmul.f32 v11, v18;
	v58 =	vld.idx.msk [tilespmem:v60+s3+$0x0], $0xffff;
	[tilespmem:s0+$0x2100] =	vst v0;
	v0 =	vadd.f32 v51, v38  }
0x351: {  	v60 =	vmul.f32 v20, v25;
	v51 =	vor.u32 v45, v47;
	v38 =	vld [tilespmem:s26+$0xFFFFFFF0];
	v47 =	vshrl.u32 v59, $0x7;
	[tilespmem:s14+$0x100] =	vst v41  }
0x352: {  	v45 =	vld.idx.msk [tilespmem:v63+s3+$0x0], $0xffff;
	v63 =	vshrl.u32 v61, $0x7;
	[tilespmem:s10+$0x300] =	vst v0;
	v48 =	vadd.f32 v48, v62;
	v50 =	vand.u32 $0x7, v1  }
0x353: {  	v52 =	vld.idx.msk [tilespmem:v52+s3+$0x0], $0xffff;
	v56 =	vor.u32 v50, v54;
	v50 =	vadd.s32 v59, v47;
	v47 =	vadd.f32 v42, v49  }
0x354: {  	s12 =	simm.s32 $0x8;
	v57 =	vadd.s32 $0x4, v24;
	v0 =	vmovc v2;
	v59 =	vld.idx.msk [tilespmem:v37+s3+$0x0], $0xffff;
	v54 =	vadd.s32 v61, v63;
	v37 =	vadd.s32 v2, v50  }
.LBB2_8:
0x355: {  	v42 =	vadd.s32 v0, v54;
	v0 =	vld [tilespmem:s26+$0x0];
	[tilespmem:s9+$0x2300] =	vst v47;
	v44 =	vadd.f32 v44, v46  }
0x356: {  	v41 =	vmov v10;
	v10 =	vmov v22;
	v49 =	vmov v33;
	v1 =	vld [tilespmem:$0x1FF40];
	[tilespmem:s6+$0x2300] =	vst v48  }
0x357: {  	v33 =	vmov v50;
	v22 =	vadd.f32 v58, v60;
	v40 =	vld.idx.msk [tilespmem:v40+s3+$0x0], $0xffff;
	v61 =	vmul.f32 v10, v25;
	[tilespmem:s1+$0x2100] =	vst v44  }
0x358: {  	v50 =	vmovc v35;
	v35 =	vmovc v54;
	v63 =	vadd.s32 $0x4, v26;
	v51 =	vadd.s32 $0x8, v51;
	v53 =	vadd.f32 v53, v55;
	v39 =	vld.idx.msk [tilespmem:v39+s3+$0x0], $0xffff  }
0x359: {  	v58 =	vadd.s32 $0x8, v56;
	[tilespmem:s13+$0x180] =	vst v22;
	v22 =	vmul.f32 v41, v18;
	v48 =	vadd.f32 v59, v61;
	v43 =	vld.idx.msk [tilespmem:v43+s3+$0x0], $0xffff  }
0x35a: {  	v61 =	vadd.s32 $0xC, v7;
	v62 =	vadd.f32 v45, v32;
	v32 =	vmovc v30;
	v30 =	vmov v31;
	v54 =	vld.idx.msk [tilespmem:v57+s3+$0x0], $0xffff;
	[tilespmem:s7+$0x380] =	vst v53  }
0x35b: {  	v53 =	vadd.s32 $0x5, v24;
	v60 =	vmul.f32 v14, v1;
	v14 =	vmovc v4;
	v2 =	vadd.f32 v52, v22;
	[tilespmem:s14+$0x180] =	vst v48  }
0x35c: {  	v55 =	vld.idx.msk [tilespmem:v37+s3+$0x0], $0xffff;
	v31 =	vmul.f32 v0, v9;
	v52 =	vadd.s32 $0xC, v6;
	v4 =	vmovc v11;
	v11 =	vmov v20;
	[tilespmem:s0+$0x2180] =	vst v62  }
0x35d: {  	v20 =	vmov v0;
	v62 =	vmul.f32 v8, v9;
	v56 =	vld.idx.msk [tilespmem:v42+s3+$0x0], $0xffff;
	[tilespmem:s10+$0x380] =	vst v2;
	v40 =	vadd.f32 v40, v60  }
0x35e: {  	s15 =	sadd.s32 $0x100, s15;
	v0 =	vmovc v7;
	v22 =	vmov v38;
	v38 =	vld.idx.msk [tilespmem:v63+s3+$0x0], $0xffff;
	v63 =	vmul.f32 v11, v23;
	v34 =	vadd.f32 v39, v34  }
0x35f: {  	s16 =	sadd.s32 $0x20, s16;
	s20 =	sand.u32 $0x1C00, s15;
	v7 =	vmov v16;
	v16 =	vmul.f32 v20, v29;
	v46 =	vld.idx.msk [tilespmem:v58+s3+$0x0], $0xffff;
	v43 =	vadd.f32 v43, v62;
	[tilespmem:s9+$0x2380] =	vst v40  }
0x360: {  	s30 =	sand.u32 $0x70, s16;
	s20 =	sadd.s32 $0x2D00, s20;
	v57 =	vadd.s32 $0x1, v37;
	v51 =	vld.idx.msk [tilespmem:v51+s3+$0x0], $0xffff;
	v58 =	vadd.f32 v54, v63;
	[tilespmem:s6+$0x2380] =	vst v34;
	s6 =	smov.u32 s1  }
0x361: {  	s9 =	smov.u32 s0;
	s0 =	smov.u32 s7;
	s7 =	smov.u32 s13;
	v2 =	vadd.f32 v16, v55;
	[tilespmem:s6+$0x2180] =	vst v43  }
0x362: {  	v59 =	vmul.f32 v4, v17;
	v60 =	vmul.f32 v22, v29;
	s13 =	sor.u32 s30, s20;
	v44 =	vld.idx.msk [tilespmem:v61+s3+$0x0], $0xffff;
	[tilespmem:s7+$0x200] =	vst v58  }
0x363: {  	s21 =	sadd.s32 $0xFFFFFFF0, s16;
	v48 =	vadd.s32 $0x9, v7;
	v62 =	vmul.f32 v10, v23;
	v61 =	vmul.f32 v41, v17;
	[tilespmem:s13+$0x0] =	vst v2;
	v45 =	vld.idx.msk [tilespmem:v52+s3+$0x0], $0xffff  }
0x364: {  	s31 =	sand.u32 $0x60, s21;
	v54 =	vmul.f32 v8, v5;
	v34 =	vadd.f32 v60, v56;
	v43 =	vadd.s32 $0x1, v42;
	v52 =	vld.idx.msk [tilespmem:v53+s3+$0x0], $0xffff  }
0x365: {  	s1 =	smov.u32 s10;
	s10 =	smov.u32 s14;
	s14 =	sor.u32 s31, s20;
	v63 =	vadd.f32 v46, v59;
	v46 =	vadd.s32 $0x5, v26;
	v59 =	vmul.f32 v14, v5;
	v56 =	vld.idx.msk [tilespmem:v57+s3+$0x0], $0xffff  }
0x366: {  	s25 =	sadd.s32 $0x20, s25;
	v2 =	vadd.f32 v38, v62;
	v38 =	vadd.s32 $0x9, v15;
	[tilespmem:s14+$0x0] =	vst v34;
	v34 =	vmul.f32 v8, v1;
	v1 =	vld [tilespmem:$0x1FF50]  }
0x367: {  	v16 =	vmovc v24;
	v55 =	vadd.s32 $0xD, v6;
	v53 =	vadd.s32 $0xD, v0;
	v51 =	vadd.f32 v51, v61;
	[tilespmem:s0+$0x2000] =	vst v63;
	v61 =	vld [tilespmem:s25+$0xFFFFFFF0]  }
0x368: {  	v24 =	vmov v37;
	v62 =	vmul.f32 v11, v21;
	v48 =	vld.idx.msk [tilespmem:v48+s3+$0x0], $0xffff;
	[tilespmem:s10+$0x200] =	vst v2;
	v44 =	vadd.f32 v44, v59  }
0x369: {  	v57 =	vadd.s32 $0x6, v16;
	v63 =	vmul.f32 v20, v28;
	v37 =	vld.idx.msk [tilespmem:v43+s3+$0x0], $0xffff;
	[tilespmem:s1+$0x2000] =	vst v51;
	v45 =	vadd.f32 v45, v54  }
0x36a: {  	v58 =	vadd.s32 $0x2, v24;
	[tilespmem:s9+$0x2200] =	vst v44;
	v46 =	vld.idx.msk [tilespmem:v46+s3+$0x0], $0xffff;
	v43 =	vadd.f32 v52, v62  }
0x36b: {  	v59 =	vmul.f32 v4, v13;
	v38 =	vld.idx.msk [tilespmem:v38+s3+$0x0], $0xffff;
	v52 =	vadd.s32 $0xA, v7;
	v51 =	vadd.f32 v56, v63;
	[tilespmem:s6+$0x2200] =	vst v45  }
0x36c: {  	v45 =	vld.idx.msk [tilespmem:v53+s3+$0x0], $0xffff;
	[tilespmem:s7+$0x280] =	vst v43  }
0x36d: {  	v63 =	vmul.f32 v22, v28;
	v43 =	vadd.f32 v48, v59;
	[tilespmem:s13+$0x80] =	vst v51;
	v44 =	vld.idx.msk [tilespmem:v55+s3+$0x0], $0xffff  }
0x36e: {  	v40 =	vadd.s32 $0xF, v0;
	v39 =	vadd.s32 $0xF, v6;
	v54 =	vadd.s32 $0x2, v42;
	v55 =	vld.idx.msk [tilespmem:v57+s3+$0x0], $0xffff  }
0x36f: {  	v60 =	vmul.f32 v10, v21;
	v51 =	vadd.s32 $0x6, v26;
	v2 =	vadd.f32 v37, v63;
	v37 =	vld.idx.msk [tilespmem:v58+s3+$0x0], $0xffff;
	[tilespmem:s0+$0x2080] =	vst v43  }
0x370: {  	v0 =	vadd.s32 $0xE, v0;
	v56 =	vadd.s32 $0xE, v6;
	v6 =	vmovc v15;
	v48 =	vld.idx.msk [tilespmem:v52+s3+$0x0], $0xffff;
	v52 =	vmul.f32 v14, v3  }
0x371: {  	v57 =	vadd.s32 $0xA, v6;
	v63 =	vmul.f32 v41, v13;
	v46 =	vadd.f32 v46, v60  }
0x372: {  	v62 =	vmul.f32 v8, v1;
	v8 =	vmul.f32 v8, v3;
	v59 =	vld [tilespmem:s25+$0x0];
	[tilespmem:s14+$0x80] =	vst v2;
	v45 =	vadd.f32 v45, v52  }
0x373: {  	v15 =	vmov v26;
	v60 =	vmul.f32 v11, v19;
	v38 =	vadd.f32 v38, v63;
	v26 =	vld.idx.msk [tilespmem:v54+s3+$0x0], $0xffff;
	[tilespmem:s10+$0x280] =	vst v46  }
0x374: {  	v52 =	vmul.f32 v20, v27;
	v54 =	vadd.s32 $0x3, v24;
	v51 =	vld.idx.msk [tilespmem:v51+s3+$0x0], $0xffff;
	v8 =	vadd.f32 v44, v8;
	[tilespmem:s9+$0x2280] =	vst v45  }
0x375: {  	v47 =	vand.u32 $0xFFFFFFF8, v42;
	[tilespmem:s1+$0x2080] =	vst v38;
	v38 =	vadd.f32 v55, v60;
	v0 =	vld.idx.msk [tilespmem:v0+s3+$0x0], $0xffff  }
0x376: {  	v53 =	vadd.s32 $0x7, v16;
	v58 =	vmul.f32 v4, v12;
	v44 =	vld.idx.msk [tilespmem:v57+s3+$0x0], $0xffff;
	v37 =	vadd.f32 v37, v52;
	[tilespmem:s6+$0x2280] =	vst v8  }
0x377: {  	v49 =	vand.u32 $0x7, v49;
	v63 =	vmul.f32 v14, v1;
	v1 =	vadd.s32 $0x3, v42;
	[tilespmem:s7+$0x300] =	vst v38  }
0x378: {  	v60 =	vadd.s32 $0xB, v7;
	v38 =	vadd.f32 v48, v58;
	v48 =	vld.idx.msk [tilespmem:v56+s3+$0x0], $0xffff;
	[tilespmem:s13+$0x100] =	vst v37;
	v37 =	vmul.f32 v10, v19  }
0x379: {  	s12 =	sadd.s32 $0x2, s12;
	v2 =	vadd.s32 $0x7, v15;
	v8 =	vmul.f32 v22, v27;
	v58 =	vld.idx.msk [tilespmem:v54+s3+$0x0], $0xffff;
	v54 =	vand.u32 $0x7, v50  }
0x37a: {  	p0 =	slt.u32 s12, $0x3E;
	v37 =	vadd.f32 v51, v37;
	v51 =	vor.u32 v54, v36;
	v36 =	vmovc v47;
	v47 =	vadd.f32 v0, v63;
	v0 =	vld [tilespmem:$0x1FFF0]  }
.Ltmp3:
0x37b: {  	s26 =	sadd.s32 $0x20, s26;
	v43 =	vadd.s32 $0xB, v6;
	v52 =	vand.u32 $0xFFFFFFF8, v16;
	v53 =	vld.idx.msk [tilespmem:v53+s3+$0x0], $0xffff;
	v8 =	vadd.f32 v26, v8;
	(pc) =	sbr.rel @p0 .LBB2_8-.Ltmp3, $4  }
0x37c: {  	v46 =	vmul.f32 v41, v12;
	v55 =	vmul.f32 v11, v18;
	v56 =	vor.u32 v49, v52;
	[tilespmem:s0+$0x2100] =	vst v38;
	v38 =	vld [tilespmem:s26+$0xFFFFFFF0]  }
0x37d: {  	v50 =	vshrl.u32 v59, $0x7;
	v45 =	vld.idx.msk [tilespmem:v60+s3+$0x0], $0xffff;
	v60 =	vmul.f32 v20, v25;
	v54 =	vshrl.u32 v61, $0x7;
	[tilespmem:s14+$0x100] =	vst v8  }
0x37e: {  	v57 =	vadd.s32 $0x4, v24;
	v50 =	vadd.s32 v59, v50;
	v54 =	vadd.s32 v61, v54;
	v59 =	vld.idx.msk [tilespmem:v1+s3+$0x0], $0xffff;
	[tilespmem:s10+$0x300] =	vst v37  }
0x37f: {  	v26 =	vmovc v42;
	v8 =	vmov v41;
	v52 =	vld.idx.msk [tilespmem:v2+s3+$0x0], $0xffff;
	v48 =	vadd.f32 v48, v62;
	v37 =	vadd.s32 v0, v50  }
0x380: {  	_ =	sdelay $0x1  }
0x381: {  	v42 =	vadd.s32 v0, v54;
	v41 =	vld [tilespmem:s26+$0x0];
	_ =	sdelay $0x1  }
0x382: {  	v0 =	vld.idx.msk [tilespmem:v37+s3+$0x0], $0xffff;
	_ =	sdelay $0x2  }
0x383: {  	s12 =	sadd.s32 $0x100, s15;
	v49 =	vadd.s32 $0x1, v37;
	v1 =	vld.idx.msk [tilespmem:v42+s3+$0x0], $0xffff;
	v2 =	vmul.f32 v41, v29  }
0x384: {  	s26 =	sadd.s32 $0x20, s16;
	s12 =	sand.u32 $0x1C00, s12  }
0x385: {  	s16 =	sand.u32 $0x70, s26;
	s12 =	sadd.s32 $0x2D00, s12;
	v0 =	vadd.f32 v2, v0  }
0x386: {  	v61 =	vadd.s32 $0x1, v42;
	s16 =	sor.u32 s16, s12;
	v29 =	vmul.f32 v38, v29  }
0x387: {  	s15 =	sadd.s32 $0xFFFFFFF0, s26;
	[tilespmem:s16+$0x0] =	vst v0  }
0x388: {  	s15 =	sand.u32 $0x60, s15;
	v1 =	vadd.f32 v29, v1;
	v0 =	vld.idx.msk [tilespmem:v49+s3+$0x0], $0xffff  }
0x389: {  	s15 =	sor.u32 s15, s12  }
0x38a: {  	[tilespmem:s15+$0x0] =	vst v1  }
0x38b: {  	v62 =	vadd.s32 $0x2, v37;
	v2 =	vmul.f32 v41, v28;
	v1 =	vld.idx.msk [tilespmem:v61+s3+$0x0], $0xffff;
	_ =	sdelay $0x1  }
0x38c: {  	v0 =	vadd.f32 v0, v2  }
0x38d: {  	v63 =	vmul.f32 v38, v28;
	v61 =	vadd.s32 $0x2, v42  }
0x38e: {  	[tilespmem:s16+$0x80] =	vst v0  }
0x38f: {  	v1 =	vadd.f32 v1, v63;
	v0 =	vld.idx.msk [tilespmem:v62+s3+$0x0], $0xffff;
	_ =	sdelay $0x1  }
0x390: {  	[tilespmem:s15+$0x80] =	vst v1  }
0x391: {  	v62 =	vmul.f32 v41, v27;
	v63 =	vadd.s32 $0x3, v37;
	v1 =	vld.idx.msk [tilespmem:v61+s3+$0x0], $0xffff;
	_ =	sdelay $0x1  }
0x392: {  	v0 =	vadd.f32 v0, v62  }
0x393: {  	v49 =	vmul.f32 v38, v27;
	v61 =	vadd.s32 $0x3, v42  }
0x394: {  	[tilespmem:s16+$0x100] =	vst v0  }
0x395: {  	v1 =	vadd.f32 v1, v49;
	v63 =	vld.idx.msk [tilespmem:v63+s3+$0x0], $0xffff  }
0x396: {  	v62 =	vadd.f32 v58, v60  }
0x397: {  	v28 =	vadd.s32 $0x4, v26;
	v58 =	vmul.f32 v22, v25;
	[tilespmem:s15+$0x100] =	vst v1  }
0x398: {  	v29 =	vadd.s32 $0x4, v37;
	v60 =	vmul.f32 v41, v25;
	[tilespmem:s13+$0x180] =	vst v62;
	v1 =	vld.idx.msk [tilespmem:v61+s3+$0x0], $0xffff  }
0x399: {  	v27 =	vadd.f32 v59, v58;
	v0 =	vld.idx.msk [tilespmem:v57+s3+$0x0], $0xffff  }
0x39a: {  	v2 =	vadd.f32 v63, v60  }
0x39b: {  	v62 =	vadd.s32 $0x4, v42;
	[tilespmem:s14+$0x180] =	vst v27;
	v61 =	vmul.f32 v38, v25  }
0x39c: {  	v49 =	vadd.s32 $0x5, v24;
	v28 =	vld.idx.msk [tilespmem:v28+s3+$0x0], $0xffff;
	v63 =	vmul.f32 v20, v23;
	[tilespmem:s16+$0x180] =	vst v2  }
0x39d: {  	v1 =	vadd.f32 v1, v61;
	v2 =	vld.idx.msk [tilespmem:v29+s3+$0x0], $0xffff  }
0x39e: {  	v0 =	vadd.f32 v0, v63  }
0x39f: {  	v58 =	vadd.s32 $0x5, v26;
	v57 =	vmul.f32 v22, v23;
	[tilespmem:s15+$0x180] =	vst v1  }
0x3a0: {  	v59 =	vmul.f32 v41, v23;
	v60 =	vadd.s32 $0x5, v37;
	[tilespmem:s13+$0x200] =	vst v0;
	v1 =	vld.idx.msk [tilespmem:v62+s3+$0x0], $0xffff  }
0x3a1: {  	v27 =	vadd.f32 v28, v57;
	v25 =	vld.idx.msk [tilespmem:v49+s3+$0x0], $0xffff  }
0x3a2: {  	v2 =	vadd.f32 v2, v59  }
0x3a3: {  	v61 =	vmul.f32 v38, v23;
	[tilespmem:s14+$0x200] =	vst v27;
	v62 =	vadd.s32 $0x5, v42  }
0x3a4: {  	v63 =	vmul.f32 v20, v21;
	v57 =	vadd.s32 $0x6, v24;
	v0 =	vld.idx.msk [tilespmem:v58+s3+$0x0], $0xffff;
	[tilespmem:s16+$0x200] =	vst v2  }
0x3a5: {  	v1 =	vadd.f32 v1, v61;
	v59 =	vld.idx.msk [tilespmem:v60+s3+$0x0], $0xffff  }
0x3a6: {  	v58 =	vadd.f32 v25, v63  }
0x3a7: {  	v60 =	vmul.f32 v22, v21;
	v61 =	vadd.s32 $0x6, v26;
	[tilespmem:s15+$0x200] =	vst v1  }
0x3a8: {  	v49 =	vadd.s32 $0x6, v37;
	v63 =	vmul.f32 v41, v21;
	[tilespmem:s13+$0x280] =	vst v58;
	v1 =	vld.idx.msk [tilespmem:v62+s3+$0x0], $0xffff  }
0x3a9: {  	v0 =	vadd.f32 v0, v60;
	v62 =	vld.idx.msk [tilespmem:v57+s3+$0x0], $0xffff  }
0x3aa: {  	v23 =	vadd.f32 v59, v63  }
0x3ab: {  	v58 =	vadd.s32 $0x6, v42;
	v57 =	vmul.f32 v38, v21;
	[tilespmem:s14+$0x280] =	vst v0  }
0x3ac: {  	v60 =	vadd.s32 $0x7, v24;
	v59 =	vmul.f32 v20, v19;
	v61 =	vld.idx.msk [tilespmem:v61+s3+$0x0], $0xffff;
	[tilespmem:s16+$0x280] =	vst v23  }
0x3ad: {  	v1 =	vadd.f32 v1, v57;
	v23 =	vld.idx.msk [tilespmem:v49+s3+$0x0], $0xffff  }
0x3ae: {  	v0 =	vadd.f32 v62, v59  }
0x3af: {  	v51 =	vadd.s32 $0x8, v51;
	v29 =	vadd.s32 $0x7, v26;
	v62 =	vmul.f32 v22, v19;
	[tilespmem:s15+$0x280] =	vst v1  }
0x3b0: {  	v63 =	vmul.f32 v41, v19;
	v1 =	vadd.f32 v53, v55;
	[tilespmem:s13+$0x300] =	vst v0;
	v55 =	vadd.s32 $0x7, v37;
	v21 =	vld.idx.msk [tilespmem:v58+s3+$0x0], $0xffff  }
0x3b1: {  	v33 =	vand.u32 $0x7, v33;
	v49 =	vmul.f32 v10, v18;
	v0 =	vadd.f32 v61, v62;
	v28 =	vld.idx.msk [tilespmem:v60+s3+$0x0], $0xffff  }
0x3b2: {  	v27 =	vadd.s32 $0x8, v56;
	v61 =	vand.u32 $0xFFFFFFF8, v24;
	v23 =	vadd.f32 v23, v63  }
0x3b3: {  	v62 =	vmul.f32 v20, v18;
	v2 =	vadd.f32 v52, v49;
	v60 =	vmul.f32 v38, v19;
	[tilespmem:s14+$0x300] =	vst v0  }
0x3b4: {  	v52 =	vand.u32 $0x7, v35;
	v19 =	vadd.s32 $0x7, v42;
	v33 =	vor.u32 v33, v61;
	v29 =	vld.idx.msk [tilespmem:v29+s3+$0x0], $0xffff;
	[tilespmem:s16+$0x300] =	vst v23  }
0x3b5: {  	v61 =	vand.u32 $0xFFFFFFF8, v37;
	v58 =	vadd.s32 $0x8, v33;
	v63 =	vadd.f32 v21, v60;
	v59 =	vld.idx.msk [tilespmem:v55+s3+$0x0], $0xffff  }
0x3b6: {  	[tilespmem:s7+$0x380] =	vst v1;
	v21 =	vor.u32 v52, v36;
	v57 =	vadd.f32 v28, v62;
	v62 =	vand.u32 $0x7, v50  }
0x3b7: {  	[tilespmem:s10+$0x380] =	vst v2;
	v27 =	vld.idx.msk [tilespmem:v27+s3+$0x0], $0xffff;
	v60 =	vmul.f32 v22, v18;
	v21 =	vadd.s32 $0x8, v21;
	v35 =	vor.u32 v62, v61  }
0x3b8: {  	v52 =	vmul.f32 v41, v18;
	v55 =	vld.idx.msk [tilespmem:v51+s3+$0x0], $0xffff;
	[tilespmem:s15+$0x300] =	vst v63;
	v35 =	vadd.s32 $0x8, v35  }
0x3b9: {  	v25 =	vand.u32 $0xFFFFFFF8, v42;
	v63 =	vand.u32 $0x7, v54;
	v0 =	vadd.f32 v29, v60;
	[tilespmem:s13+$0x380] =	vst v57;
	v19 =	vld.idx.msk [tilespmem:v19+s3+$0x0], $0xffff  }
0x3ba: {  	[tilespmem:s9+$0x2300] =	vst v47;
	v57 =	vmul.f32 v11, v17;
	v23 =	vld.idx.msk [tilespmem:v58+s3+$0x0], $0xffff;
	v58 =	vadd.s32 $0x9, v16;
	v1 =	vadd.f32 v59, v52  }
0x3bb: {  	v60 =	vadd.s32 $0x9, v15;
	v25 =	vor.u32 v63, v25;
	[tilespmem:s14+$0x380] =	vst v0;
	v59 =	vmul.f32 v10, v17  }
0x3bc: {  	v53 =	vmul.f32 v38, v18;
	v54 =	vadd.s32 $0x8, v25;
	v62 =	vadd.f32 v27, v57;
	v21 =	vld.idx.msk [tilespmem:v21+s3+$0x0], $0xffff;
	[tilespmem:s16+$0x380] =	vst v1  }
0x3bd: {  	[tilespmem:s6+$0x2300] =	vst v48;
	v36 =	vadd.s32 $0x9, v24;
	v63 =	vmul.f32 v20, v17;
	v1 =	vadd.f32 v55, v59;
	v61 =	vld.idx.msk [tilespmem:v35+s3+$0x0], $0xffff  }
0x3be: {  	[tilespmem:s7+$0x2000] =	vst v62;
	v56 =	vadd.f32 v19, v53  }
0x3bf: {  	v51 =	vadd.f32 v23, v63;
	v19 =	vld.idx.msk [tilespmem:v58+s3+$0x0], $0xffff;
	[tilespmem:s10+$0x2000] =	vst v1  }
0x3c0: {  	v49 =	vmul.f32 v22, v17;
	v52 =	vmul.f32 v41, v17;
	[tilespmem:s15+$0x380] =	vst v56;
	v57 =	vld.idx.msk [tilespmem:v60+s3+$0x0], $0xffff  }
0x3c1: {  	v33 =	vadd.f32 v44, v46;
	v50 =	vadd.s32 $0x9, v26;
	[tilespmem:s13+$0x2000] =	vst v51;
	v18 =	vld.idx.msk [tilespmem:v54+s3+$0x0], $0xffff  }
0x3c2: {  	v54 =	vadd.f32 v21, v49;
	v59 =	vld.idx.msk [tilespmem:v36+s3+$0x0], $0xffff;
	v58 =	vadd.f32 v61, v52;
	v61 =	vmul.f32 v11, v13  }
0x3c3: {  	[tilespmem:s1+$0x2100] =	vst v33;
	v53 =	vadd.s32 $0x9, v37;
	v35 =	vmul.f32 v10, v13  }
0x3c4: {  	v62 =	vadd.s32 $0xA, v16;
	v55 =	vmul.f32 v38, v17;
	[tilespmem:s14+$0x2000] =	vst v54;
	v44 =	vadd.f32 v19, v61  }
0x3c5: {  	v46 =	vmul.f32 v20, v13;
	[tilespmem:s16+$0x2000] =	vst v58;
	v48 =	vadd.f32 v57, v35  }
0x3c6: {  	v51 =	vld.idx.msk [tilespmem:v40+s3+$0x0], $0xffff;
	v36 =	vadd.s32 $0xA, v15;
	v60 =	vadd.f32 v18, v55;
	[tilespmem:s7+$0x2080] =	vst v44  }
0x3c7: {  	v56 =	vadd.s32 $0x9, v42;
	v63 =	vld.idx.msk [tilespmem:v50+s3+$0x0], $0xffff;
	v52 =	vadd.f32 v59, v46;
	[tilespmem:s10+$0x2080] =	vst v48  }
0x3c8: {  	v47 =	vadd.s32 $0xA, v24;
	v23 =	vld.idx.msk [tilespmem:v53+s3+$0x0], $0xffff;
	[tilespmem:s15+$0x2000] =	vst v60  }
0x3c9: {  	v18 =	vld.idx.msk [tilespmem:v62+s3+$0x0], $0xffff;
	[tilespmem:s13+$0x2080] =	vst v52  }
0x3ca: {  	v49 =	vmul.f32 v22, v13;
	v50 =	vadd.s32 $0xA, v26;
	v35 =	vld [tilespmem:$0x1FF40]  }
0x3cb: {  	v54 =	vadd.s32 $0xA, v37;
	v53 =	vmul.f32 v41, v13;
	v58 =	vld.idx.msk [tilespmem:v36+s3+$0x0], $0xffff  }
0x3cc: {  	v36 =	vadd.s32 $0xB, v16;
	v21 =	vld.idx.msk [tilespmem:v56+s3+$0x0], $0xffff;
	v55 =	vadd.f32 v63, v49  }
0x3cd: {  	v61 =	vld.idx.msk [tilespmem:v47+s3+$0x0], $0xffff;
	v63 =	vadd.f32 v45, v32;
	v32 =	vmul.f32 v11, v12;
	v59 =	vadd.f32 v23, v53  }
0x3ce: {  	v46 =	vmul.f32 v10, v12;
	v56 =	vmul.f32 v38, v13;
	v45 =	vadd.s32 $0xB, v15;
	[tilespmem:s14+$0x2080] =	vst v55;
	v55 =	vld.idx.msk [tilespmem:v43+s3+$0x0], $0xffff  }
0x3cf: {  	v57 =	vadd.s32 $0xA, v42;
	v40 =	vld.idx.msk [tilespmem:v50+s3+$0x0], $0xffff;
	[tilespmem:s16+$0x2080] =	vst v59;
	v47 =	vadd.f32 v18, v32;
	v60 =	vmul.f32 v14, v35  }
0x3d0: {  	v48 =	vmul.f32 v20, v12;
	[tilespmem:s0+$0x2180] =	vst v63;
	v52 =	vadd.f32 v58, v46;
	v17 =	vld.idx.msk [tilespmem:v54+s3+$0x0], $0xffff  }
0x3d1: {  	v49 =	vadd.s32 $0xB, v24;
	v62 =	vadd.f32 v21, v56;
	[tilespmem:s7+$0x2100] =	vst v47;
	v44 =	vadd.f32 v51, v60;
	v51 =	vld.idx.msk [tilespmem:v39+s3+$0x0], $0xffff  }
0x3d2: {  	v53 =	vadd.s32 $0xB, v26;
	v54 =	vmul.f32 v22, v12;
	v56 =	vadd.f32 v61, v48;
	[tilespmem:s10+$0x2100] =	vst v52;
	v21 =	vld.idx.msk [tilespmem:v36+s3+$0x0], $0xffff  }
0x3d3: {  	v33 =	vadd.s32 $0xC, v6;
	v32 =	vmul.f32 v8, v9;
	[tilespmem:s15+$0x2080] =	vst v62;
	v2 =	vld.idx.msk [tilespmem:v45+s3+$0x0], $0xffff  }
0x3d4: {  	v58 =	vadd.s32 $0xB, v37;
	[tilespmem:s13+$0x2100] =	vst v56;
	v50 =	vld.idx.msk [tilespmem:v57+s3+$0x0], $0xffff;
	v57 =	vmul.f32 v41, v12;
	v59 =	vadd.f32 v40, v54  }
0x3d5: {  	v62 =	vadd.s32 $0xC, v7;
	[tilespmem:s9+$0x2380] =	vst v44;
	v44 =	vadd.f32 v55, v32  }
0x3d6: {  	v18 =	vld.idx.msk [tilespmem:v49+s3+$0x0], $0xffff;
	v40 =	vadd.s32 $0xC, v16;
	v63 =	vadd.f32 v17, v57;
	[tilespmem:s14+$0x2100] =	vst v59  }
0x3d7: {  	v46 =	vadd.s32 $0xC, v15;
	v45 =	vmul.f32 v10, v9;
	v43 =	vld.idx.msk [tilespmem:v53+s3+$0x0], $0xffff;
	[tilespmem:s1+$0x2180] =	vst v44;
	v39 =	vadd.f32 v51, v34  }
0x3d8: {  	v61 =	vmul.f32 v38, v12;
	v60 =	vadd.s32 $0xB, v42;
	[tilespmem:s16+$0x2100] =	vst v63;
	v47 =	vadd.f32 v21, v30;
	v17 =	vld.idx.msk [tilespmem:v33+s3+$0x0], $0xffff  }
0x3d9: {  	v48 =	vadd.s32 $0xC, v24;
	v51 =	vadd.f32 v2, v45;
	v14 =	vld.idx.msk [tilespmem:v58+s3+$0x0], $0xffff;
	[tilespmem:s6+$0x2380] =	vst v39  }
0x3da: {  	v52 =	vmul.f32 v22, v9;
	v53 =	vadd.s32 $0xC, v26;
	v36 =	vadd.f32 v50, v61;
	v50 =	vld.idx.msk [tilespmem:v62+s3+$0x0], $0xffff;
	[tilespmem:s7+$0x2180] =	vst v47  }
0x3db: {  	v32 =	vadd.s32 $0xD, v6;
	v63 =	vmul.f32 v8, v5;
	v55 =	vadd.f32 v18, v31;
	[tilespmem:s10+$0x2180] =	vst v51;
	v19 =	vld.idx.msk [tilespmem:v40+s3+$0x0], $0xffff  }
0x3dc: {  	v56 =	vadd.s32 $0xC, v37;
	v54 =	vmul.f32 v41, v9;
	[tilespmem:s15+$0x2100] =	vst v36;
	v27 =	vld.idx.msk [tilespmem:v46+s3+$0x0], $0xffff;
	v57 =	vadd.f32 v43, v52  }
0x3dd: {  	v61 =	vmul.f32 v4, v5;
	[tilespmem:s13+$0x2180] =	vst v55;
	v49 =	vld.idx.msk [tilespmem:v60+s3+$0x0], $0xffff;
	v60 =	vadd.s32 $0xD, v7;
	v40 =	vadd.f32 v17, v63  }
0x3de: {  	v39 =	vmul.f32 v11, v5;
	v36 =	vadd.s32 $0xD, v16;
	v12 =	vld.idx.msk [tilespmem:v48+s3+$0x0], $0xffff;
	v62 =	vadd.f32 v14, v54;
	[tilespmem:s14+$0x2180] =	vst v57  }
0x3df: {  	v44 =	vadd.s32 $0xD, v15;
	v43 =	vmul.f32 v10, v5;
	v34 =	vadd.f32 v50, v61;
	v13 =	vld.idx.msk [tilespmem:v53+s3+$0x0], $0xffff;
	[tilespmem:s1+$0x2200] =	vst v40  }
0x3e0: {  	v59 =	vadd.s32 $0xC, v42;
	v58 =	vmul.f32 v38, v9;
	[tilespmem:s16+$0x2180] =	vst v62;
	v45 =	vadd.f32 v19, v39;
	v51 =	vld.idx.msk [tilespmem:v32+s3+$0x0], $0xffff  }
0x3e1: {  	v47 =	vmul.f32 v20, v5;
	[tilespmem:s0+$0x2200] =	vst v34;
	v14 =	vadd.f32 v27, v43;
	v18 =	vld.idx.msk [tilespmem:v56+s3+$0x0], $0xffff  }
0x3e2: {  	v33 =	vadd.f32 v49, v58;
	v48 =	vld.idx.msk [tilespmem:v60+s3+$0x0], $0xffff;
	v49 =	vmul.f32 v22, v5;
	[tilespmem:s7+$0x2200] =	vst v45  }
0x3e3: {  	v62 =	vmul.f32 v8, v3;
	v52 =	vadd.f32 v12, v47;
	[tilespmem:s10+$0x2200] =	vst v14;
	v55 =	vld.idx.msk [tilespmem:v36+s3+$0x0], $0xffff  }
0x3e4: {  	v54 =	vmul.f32 v41, v5;
	[tilespmem:s15+$0x2180] =	vst v33;
	v17 =	vld.idx.msk [tilespmem:v44+s3+$0x0], $0xffff;
	v13 =	vadd.f32 v13, v49  }
0x3e5: {  	v46 =	vadd.s32 $0xD, v24;
	[tilespmem:s13+$0x2200] =	vst v52;
	v9 =	vld.idx.msk [tilespmem:v59+s3+$0x0], $0xffff;
	v59 =	vmul.f32 v4, v3;
	v31 =	vadd.f32 v51, v62  }
0x3e6: {  	v30 =	vmul.f32 v11, v3;
	v50 =	vadd.s32 $0xD, v26;
	v60 =	vadd.f32 v18, v54;
	[tilespmem:s14+$0x2200] =	vst v13  }
0x3e7: {  	v53 =	vadd.s32 $0xD, v37;
	v33 =	vmul.f32 v10, v3;
	v1 =	vadd.f32 v48, v59;
	[tilespmem:s1+$0x2280] =	vst v31  }
0x3e8: {  	v56 =	vmul.f32 v38, v5;
	[tilespmem:s16+$0x2200] =	vst v60;
	v36 =	vadd.f32 v55, v30  }
0x3e9: {  	v57 =	vadd.s32 $0xD, v42;
	[tilespmem:s0+$0x2280] =	vst v1;
	v17 =	vadd.f32 v17, v33  }
0x3ea: {  	v58 =	vadd.s32 $0xE, v7;
	v2 =	vld.idx.msk [tilespmem:v46+s3+$0x0], $0xffff;
	v5 =	vadd.f32 v9, v56;
	[tilespmem:s7+$0x2280] =	vst v36  }
0x3eb: {  	v61 =	vadd.s32 $0xE, v6;
	v25 =	vld.idx.msk [tilespmem:v50+s3+$0x0], $0xffff;
	[tilespmem:s10+$0x2280] =	vst v17  }
0x3ec: {  	v63 =	vadd.s32 $0xE, v16;
	v34 =	vld.idx.msk [tilespmem:v53+s3+$0x0], $0xffff;
	[tilespmem:s15+$0x2200] =	vst v5  }
0x3ed: {  	v40 =	vmul.f32 v20, v3;
	v39 =	vadd.s32 $0xE, v24;
	v54 =	vld [tilespmem:$0x1FF50]  }
0x3ee: {  	v45 =	vadd.s32 $0xE, v26;
	v46 =	vmul.f32 v22, v3;
	v43 =	vld.idx.msk [tilespmem:v57+s3+$0x0], $0xffff  }
0x3ef: {  	v32 =	vadd.s32 $0xE, v15;
	v44 =	vld.idx.msk [tilespmem:v58+s3+$0x0], $0xffff;
	v47 =	vadd.f32 v2, v40  }
0x3f0: {  	v49 =	vmul.f32 v41, v3;
	v48 =	vadd.s32 $0xE, v37;
	v18 =	vld.idx.msk [tilespmem:v61+s3+$0x0], $0xffff;
	v50 =	vadd.f32 v25, v46  }
0x3f1: {  	v52 =	vmul.f32 v38, v3;
	v51 =	vadd.s32 $0xE, v42;
	v9 =	vld.idx.msk [tilespmem:v63+s3+$0x0], $0xffff;
	[tilespmem:s13+$0x2280] =	vst v47  }
0x3f2: {  	v53 =	vadd.s32 $0xF, v7;
	v12 =	vld.idx.msk [tilespmem:v39+s3+$0x0], $0xffff;
	v56 =	vadd.f32 v34, v49;
	[tilespmem:s14+$0x2280] =	vst v50;
	v55 =	vmul.f32 v4, v54  }
0x3f3: {  	v57 =	vadd.s32 $0xF, v6;
	v61 =	vld.idx.msk [tilespmem:v45+s3+$0x0], $0xffff;
	v58 =	vmul.f32 v8, v54;
	v3 =	vadd.f32 v43, v52  }
0x3f4: {  	v59 =	vadd.s32 $0xF, v16;
	v19 =	vld.idx.msk [tilespmem:v32+s3+$0x0], $0xffff;
	[tilespmem:s16+$0x2280] =	vst v56;
	v60 =	vmul.f32 v11, v54;
	v0 =	vadd.f32 v44, v55  }
0x3f5: {  	v25 =	vadd.s32 $0xF, v24;
	v2 =	vld.idx.msk [tilespmem:v48+s3+$0x0], $0xffff;
	v28 =	vmul.f32 v20, v54;
	v62 =	vadd.f32 v18, v58;
	[tilespmem:s15+$0x2280] =	vst v3  }
0x3f6: {  	v32 =	vadd.s32 $0xF, v26;
	v33 =	vmul.f32 v22, v54;
	v21 =	vadd.f32 v9, v60;
	v29 =	vld.idx.msk [tilespmem:v51+s3+$0x0], $0xffff;
	[tilespmem:s0+$0x2300] =	vst v0  }
0x3f7: {  	v63 =	vadd.s32 $0xF, v15;
	v18 =	vmul.f32 v10, v54;
	v34 =	vadd.f32 v12, v28;
	[tilespmem:s1+$0x2300] =	vst v62;
	v30 =	vld.idx.msk [tilespmem:v53+s3+$0x0], $0xffff  }
0x3f8: {  	v36 =	vadd.s32 $0xF, v37;
	v37 =	vmul.f32 v41, v54;
	v40 =	vadd.f32 v61, v33;
	[tilespmem:s7+$0x2300] =	vst v21;
	v5 =	vld.idx.msk [tilespmem:v57+s3+$0x0], $0xffff  }
0x3f9: {  	v42 =	vadd.s32 $0xF, v42;
	v43 =	vmul.f32 v38, v54;
	v31 =	vadd.f32 v19, v18;
	[tilespmem:s13+$0x2300] =	vst v34;
	v39 =	vld.idx.msk [tilespmem:v59+s3+$0x0], $0xffff  }
0x3fa: {  	v44 =	vmul.f32 v4, v35;
	v45 =	vadd.f32 v2, v37;
	[tilespmem:s14+$0x2300] =	vst v40;
	v3 =	vld.idx.msk [tilespmem:v25+s3+$0x0], $0xffff  }
0x3fb: {  	v46 =	vmul.f32 v8, v35;
	[tilespmem:s10+$0x2300] =	vst v31;
	v49 =	vld.idx.msk [tilespmem:v32+s3+$0x0], $0xffff;
	v47 =	vadd.f32 v29, v43  }
0x3fc: {  	v48 =	vmul.f32 v11, v35;
	v6 =	vld.idx.msk [tilespmem:v63+s3+$0x0], $0xffff;
	[tilespmem:s16+$0x2300] =	vst v45;
	v1 =	vadd.f32 v30, v44  }
0x3fd: {  	v54 =	vmul.f32 v20, v35;
	v52 =	vld.idx.msk [tilespmem:v36+s3+$0x0], $0xffff;
	v50 =	vadd.f32 v5, v46;
	[tilespmem:s15+$0x2300] =	vst v47  }
0x3fe: {  	v57 =	vmul.f32 v22, v35;
	v53 =	vadd.f32 v39, v48;
	v55 =	vld.idx.msk [tilespmem:v42+s3+$0x0], $0xffff;
	[tilespmem:s0+$0x2380] =	vst v1  }
0x3ff: {  	v51 =	vmul.f32 v10, v35;
	v58 =	vadd.f32 v3, v54;
	[tilespmem:s1+$0x2380] =	vst v50  }
0x400: {  	v59 =	vmul.f32 v41, v35;
	v60 =	vadd.f32 v49, v57;
	[tilespmem:s7+$0x2380] =	vst v53  }
0x401: {  	v61 =	vmul.f32 v38, v35;
	v56 =	vadd.f32 v6, v51;
	[tilespmem:s13+$0x2380] =	vst v58  }
0x402: {  	v62 =	vadd.f32 v52, v59;
	[tilespmem:s14+$0x2380] =	vst v60  }
0x403: {  	[tilespmem:s10+$0x2380] =	vst v56;
	v63 =	vadd.f32 v55, v61  }
0x404: {  	[tilespmem:s16+$0x2380] =	vst v62  }
0x405: {  	[tilespmem:s15+$0x2380] =	vst v63  }
0x406: {  	s0 =	rddreg [dreg:$0x8]  }
0x407: {  	[hbm4b:s0+s3] =	stream.linear.scatter [tilespmem:s22], [sflag:$0x1], $0x4000, $0x38;
	[tilespmem:$0xAD00] =	vst v63  }
0x408: {  	_ =	swait.ge [sflag:s28], $0x4000  }
0x409: {  	[sflag:s28] =	ssyncset.done $0x0  }
0x40a: {  	s29 =	simm.s32 $0x2;
	[sflag:s28] =	ssyncadd.s32 $0xFFFFC000  }
0x40b: {  	_ =	swait.ge [sflag:s29], $0x4000  }
0x40c: {  	s30 =	rddreg [dreg:$0xa]  }
0x40d: {  	s31 =	rddreg [dreg:$0x9];
	s6 =	sadd.s32 $0x1, s30  }
0x40e: {  	p0 =	sne.s32 s6, s31  }
.Ltmp4:
0x40f: {  	_ = 	snop;
	(pc) =	sbr.rel @p0 .LBB2_1-.Ltmp4, $3  }
0x410: {  	_ =	sdelay $0x1  }
0x411: {  	[sflag:s29] =	ssyncset.done $0x0  }
0x412: {  	[sflag:s29] =	ssyncadd.s32 $0xFFFFC000  }
0x413: {  	_ =	sfence.sel $0x180000  }
0x414: {  	[bflag:$0x0] =	sbarrier.arrive $0xFFFF  }
0x415: {  	_ =	strace $0x90000047  }
0x416: {  	s0 =	stileid.u32;
	[bflag:$0x2] =	sbarrier.arrive $0xFFFF  }
0x417: {  	p0 =	sne.s32 s0, $0x0;
	s0 =	rddreg [dreg:$0x2]  }
0x418: {  	s0 =	sadd.s32 @!p0 $0x100000, s0  }
0x419: {  	[sflag:s0] =	ssyncadd.tile.s32 @!p0 $0x1;
	_ =	shalt  }
.Lfunc_end2:
_tile_overlayer_lowered:
.L_overlay_start_2:
0x41a: {  	(tag) =	ssettag $0x2  }
0x41b: {  	s0 =	rddreg [dreg:$0x0];
	s2 =	stileid.u32  }
0x41c: {  	s1 =	rddreg [dreg:$0x1];
	p0 =	sne.s32 s2, $0x0  }
0x41d: {  	s3 =	rddreg [dreg:$0x2];
	[bflag:$0x3] =	sbarrier.arrive $0xFFFF;
	s2 =	simm.s32 @!p0 $0x1C05  }
0x41e: {  	[timem:s3], [sflag:s2] =	dma.local @!p0 [hbm:s0], s1  }
0x41f: {  	s0 =	simm.s32 @!p0 $0x5  }
0x420: {  	_ =	swait.ge @!p0 [sflag:s0], s1  }
0x421: {  	s1 =	ssub.s32 @!p0 $0x0, s1;
	[sflag:s0] =	ssyncset.done @!p0 $0x0  }
0x422: {  	[sflag:s0] =	ssyncadd.s32 @!p0 s1  }
0x423: {  	[bflag:$0x3] =	sbarrier.arrive $0xFFFF  }
0x424: {  	_ =	shalt  }

</sc_bundles>
